<compile_context>
chip_gen: v7x
topology: tpu7x:2x2x1
jax: 0.10.2.dev20260603
libtpu: 0.0.44.dev20260713+nightly
codegen_flags: <defaults>
</compile_context>

<pallas_src>
import functools

import jax
import jax.numpy as jnp
import numpy as np
from jax import lax
from jax.experimental import pallas as pl
from jax.experimental.pallas import tpu as pltpu

_DIM = 768
_KEEP = 1024
_ROWS_PER_BLK = 2048
_INV_DIM = np.float32(1.0 / 768.0)
_EPS = np.float32(1e-5)




def _score_body(x_ref, mu_ref, vs_ref, ln_w_ref, ln_b_ref, wpad_ref, b_ref,
                score_ref):
    x = x_ref[0]
    mu = mu_ref[0, 0][:, None]
    sigma = jnp.sqrt(vs_ref[0, 0] * _INV_DIM + _EPS)[:, None]
    h = (x - mu) / sigma * ln_w_ref[...] + ln_b_ref[...]
    s_full = jnp.dot(h, wpad_ref[...], preferred_element_type=jnp.float32)
    score_ref[0, 0] = s_full[:, 0] + b_ref[0]


def _scores(tokens, sumt, varsum, ln_w, ln_b, w, b):
    bsz, n, d = tokens.shape
    rows = bsz * n
    nblk = rows // _ROWS_PER_BLK
    x3 = tokens.reshape(nblk, _ROWS_PER_BLK, d)
    mu3 = (sumt * _INV_DIM).reshape(nblk, 1, _ROWS_PER_BLK)
    vs3 = varsum.reshape(nblk, 1, _ROWS_PER_BLK)
    wpad = jnp.zeros((d, 128), jnp.float32).at[:, 0].set(w[0])
    out = pl.pallas_call(
        _score_body,
        grid=(nblk,),
        in_specs=[
            pl.BlockSpec((1, _ROWS_PER_BLK, d), lambda i: (i, 0, 0)),
            pl.BlockSpec((1, 1, _ROWS_PER_BLK), lambda i: (i, 0, 0)),
            pl.BlockSpec((1, 1, _ROWS_PER_BLK), lambda i: (i, 0, 0)),
            pl.BlockSpec((d,), lambda i: (0,)),
            pl.BlockSpec((d,), lambda i: (0,)),
            pl.BlockSpec((d, 128), lambda i: (0, 0)),
            pl.BlockSpec((1,), lambda i: (0,)),
        ],
        out_specs=pl.BlockSpec((1, 1, _ROWS_PER_BLK), lambda i: (i, 0, 0)),
        out_shape=jax.ShapeDtypeStruct((nblk, 1, _ROWS_PER_BLK), jnp.float32),
    )(x3, mu3, vs3, ln_w, ln_b, wpad, b)
    return out.reshape(bsz, n)




def _topk_body(score_ref, idx_ref, flat_ref):
    s = score_ref[...]
    bsz, n = s.shape
    bits = jax.lax.bitcast_convert_type(s, jnp.int32)
    key = jnp.where(bits < 0, jnp.int32(0x7FFFFFFF) ^ bits, bits)
    idx = jax.lax.broadcasted_iota(jnp.int32, (bsz, n), 1)
    pos = jax.lax.broadcasted_iota(jnp.int32, (bsz, n), 1)

    def step(key, idx, pos, ln, stride, descmask):
        up_k = pltpu.roll(key, ln - stride, 1)
        dn_k = pltpu.roll(key, stride, 1)
        up_i = pltpu.roll(idx, ln - stride, 1)
        dn_i = pltpu.roll(idx, stride, 1)
        high = (pos & stride) != 0
        pk = jnp.where(high, dn_k, up_k)
        pi = jnp.where(high, dn_i, up_i)
        ka = jnp.where(high, pk, key)
        kb = jnp.where(high, key, pk)
        ia = jnp.where(high, pi, idx)
        ib = jnp.where(high, idx, pi)
        prec = (ka > kb) | ((ka == kb) & (ia < ib))
        doswap = prec ^ descmask
        return jnp.where(doswap, pk, key), jnp.where(doswap, pi, idx)

    size = 2
    while size <= _KEEP:
        stride = size // 2
        while stride >= 1:
            key, idx = step(key, idx, pos, n, stride, (pos & size) == 0)
            stride //= 2
        size *= 2

    ln = n
    while ln > _KEEP:
        key, idx = step(key, idx, pos, ln, _KEEP, (pos >= 0))
        key = key.reshape(bsz, ln // (2 * _KEEP), 2, _KEEP)[:, :, 0]
        idx = idx.reshape(bsz, ln // (2 * _KEEP), 2, _KEEP)[:, :, 0]
        ln //= 2
        key = key.reshape(bsz, ln)
        idx = idx.reshape(bsz, ln)
        pos = jax.lax.broadcasted_iota(jnp.int32, (bsz, ln), 1)
        stride = _KEEP // 2
        while stride >= 1:
            key, idx = step(key, idx, pos, ln, stride, (pos & _KEEP) == 0)
            stride //= 2
    idx_ref[...] = idx
    flat_ref[...] = idx + jax.lax.broadcasted_iota(
        jnp.int32, idx.shape, 0) * score_ref.shape[1]


def _topk_idx(score):
    bsz, n = score.shape
    return pl.pallas_call(
        _topk_body,
        in_specs=[pl.BlockSpec((bsz, n), lambda: (0, 0))],
        out_specs=[
            pl.BlockSpec((bsz, _KEEP), lambda: (0, 0)),
            pl.BlockSpec((bsz, _KEEP), lambda: (0, 0)),
        ],
        out_shape=[
            jax.ShapeDtypeStruct((bsz, _KEEP), jnp.int32),
            jax.ShapeDtypeStruct((bsz, _KEEP), jnp.int32),
        ],
    )(score)




def _make_sc_gather(total_rows, d, nidx):
    from jax.experimental.pallas import tpu_sc as plsc

    info = plsc.get_sparse_core_info()
    nc, ns = info.num_cores, info.num_subcores
    nw = nc * ns
    per_w = nidx // nw
    mesh = plsc.VectorSubcoreMesh(core_axis_name="c", subcore_axis_name="s")

    @functools.partial(
        pl.kernel, mesh=mesh,
        out_type=jax.ShapeDtypeStruct((nidx, d), jnp.float32),
        scratch_types=[
            pltpu.VMEM((per_w,), jnp.int32),
            pltpu.VMEM((per_w, d), jnp.float32),
            pltpu.SemaphoreType.DMA,
        ],
    )
    def k(table_hbm, idx_hbm, out_hbm, idx_v, rows_v, sem):
        wid = lax.axis_index("s") * nc + lax.axis_index("c")
        base = wid * per_w
        pltpu.sync_copy(idx_hbm.at[pl.ds(base, per_w)], idx_v)
        pltpu.async_copy(table_hbm.at[idx_v], rows_v, sem).wait()
        pltpu.sync_copy(rows_v, out_hbm.at[pl.ds(base, per_w)])

    return k


def kernel(tokens, ln_w, ln_b, w, b):
    bsz, n, d = tokens.shape
    k = min(_KEEP, n)

    sumt = jnp.sum(tokens, axis=-1)
    mu = sumt * _INV_DIM
    varsum = jnp.sum(jnp.square(tokens - mu[:, :, None]), axis=-1)

    score = _scores(tokens, sumt, varsum, ln_w, ln_b, w, b)
    keep_idx, flat_idx = _topk_idx(score)
    flat_idx = flat_idx.reshape(bsz * k)
    table = tokens.reshape(bsz * n, d)
    kept = _make_sc_gather(bsz * n, d, bsz * k)(table, flat_idx)
    kept_tokens = kept.reshape(bsz, k, d)
    kept_mask = jnp.zeros((bsz, k), dtype=jnp.bool_)
    return (kept_tokens, kept_mask, score, keep_idx)

# --- scband reference (transcript-rebuilt; emitter-appended) ---
"""Pipeline reference for scband-top-kreducer-31662498906266 (READ-ONLY COPY).

The authoritative reference and input builder live on the scoring server;
editing this copy changes nothing except your own understanding.
"""

import jax, jax.numpy as jnp
import numpy as np

DIM = 768
KEEP = 1024

def setup_inputs(seed: int = 0) -> dict:
    key = jax.random.key(seed)
    k1, k2, k3 = jax.random.split(key, 3)
    tokens = jax.random.normal(k1, (4, 8192, DIM), dtype=jnp.float32)
    ln_w = jnp.ones((DIM,), dtype=jnp.float32)
    ln_b = jnp.zeros((DIM,), dtype=jnp.float32)
    w = jax.random.normal(k2, (1, DIM), dtype=jnp.float32) * (1.0 / np.sqrt(DIM))
    b = jnp.zeros((1,), dtype=jnp.float32)
    return {"tokens": tokens, "ln_w": ln_w, "ln_b": ln_b, "w": w, "b": b}

def _layernorm(x, w, b, eps=1e-5):
    mu = jnp.mean(x, axis=-1, keepdims=True)
    var = jnp.var(x, axis=-1, keepdims=True)
    return (x - mu) / jnp.sqrt(var + eps) * w + b

def reference(tokens, ln_w, ln_b, w, b):
    bsz, n, d = tokens.shape
    h = _layernorm(tokens, ln_w, ln_b)
    score = (h @ w.T + b).squeeze(-1)  # [b, n]
    k = min(KEEP, n)
    _, keep_idx = jax.lax.top_k(score, k)  # [b, k]
    idx = jnp.broadcast_to(keep_idx[:, :, None], (bsz, k, d))
    kept_tokens = jnp.take_along_axis(tokens, idx, axis=1)
    kept_mask = jnp.zeros((bsz, k), dtype=jnp.bool_)
    return (kept_tokens, kept_mask, score, keep_idx)

if __name__ == "__main__":
    import jax
    _d = setup_inputs()
    print(jax.jit(kernel)(*tuple(_d.values())))

</pallas_src>

<mosaic_0001>
#map = affine_map<(d0, d1) -> (0, 0)>
#map1 = affine_map<(d0, d1) -> (0)>
module attributes {stable_mosaic.version = 14 : i64} {
  func.func @k(%arg0: i32, %arg1: i32, %arg2: memref<32768x768xf32, #tpu.memory_space<hbm>>, %arg3: memref<4096xi32, #tpu.memory_space<hbm>>, %arg4: memref<4096x768xf32, #tpu.memory_space<hbm>>, %arg5: memref<128xi32, #tpu.memory_space<vmem>>, %arg6: memref<128x768xf32, #tpu.memory_space<vmem>>, %arg7: memref<!tpu.dma_semaphore, #tpu.memory_space<semaphore_mem>>) attributes {dimension_semantics = [#tpu.dimension_semantics<core_parallel>, #tpu.dimension_semantics<subcore_parallel>], iteration_bounds = array<i64: 2, 16>, scalar_prefetch = 0 : i64, scratch_operands = 3 : i64, tpu.core_type = #tpu.core_type<sc_vector_subcore>, window_params = [{transform_indices = #map}, {transform_indices = #map1}, {transform_indices = #map}]} {
    %mul3A = arith.constant 2 : i32
    %mul3A_0 = arith.muli %arg1, %mul3A : i32
    %add3A = arith.addi %mul3A_0, %arg0 : i32
    %mul3A_1 = arith.constant 128 : i32
    %mul3A_2 = arith.muli %add3A, %mul3A_1 : i32
    "tpu.region"() ({
      %run_scoped3A = tpu.sem_alloc : memref<!tpu.dma_semaphore, #tpu.memory_space<semaphore_mem>>
      %dma_start3A_7 = tpu.memref_slice %arg3[%mul3A_2] : memref<4096xi32, #tpu.memory_space<hbm>> -> memref<128xi32, #tpu.memory_space<hbm>>
      %dma_start3A_8 = tpu.memref_slice %arg3[%mul3A_2] : memref<4096xi32, #tpu.memory_space<hbm>> -> memref<128xi32, #tpu.memory_space<hbm>>
      tpu.enqueue_dma source(%dma_start3A_8 : memref<128xi32, #tpu.memory_space<hbm>>) target(%arg5 : memref<128xi32, #tpu.memory_space<vmem>>) target_semaphore(%run_scoped3A : memref<!tpu.dma_semaphore, #tpu.memory_space<semaphore_mem>>)
      %dma_wait3A_9 = tpu.memref_slice %arg3[%mul3A_2] : memref<4096xi32, #tpu.memory_space<hbm>> -> memref<128xi32, #tpu.memory_space<hbm>>
      %dma_wait3A_10 = tpu.memref_slice %arg3[%mul3A_2] : memref<4096xi32, #tpu.memory_space<hbm>> -> memref<128xi32, #tpu.memory_space<hbm>>
      tpu.wait_dma2 semaphore(%run_scoped3A : memref<!tpu.dma_semaphore, #tpu.memory_space<semaphore_mem>>) src(%dma_wait3A_10 : memref<128xi32, #tpu.memory_space<hbm>>) dst(%arg5 : memref<128xi32, #tpu.memory_space<vmem>>)
      tpu.yield
    }) : () -> ()
    %dma_start3A = arith.constant 0 : i32
    %dma_start3A_3 = arith.constant 0 : i32
    %dma_start3A_4 = tpu.memref_slice %arg2[%dma_start3A, %dma_start3A_3] : memref<32768x768xf32, #tpu.memory_space<hbm>> -> memref<32768x768xf32, #tpu.memory_space<hbm>>
    tpu.enqueue_indirect_dma source(%dma_start3A_4 : memref<32768x768xf32, #tpu.memory_space<hbm>>) target(%arg6 : memref<128x768xf32, #tpu.memory_space<vmem>>) offsets(%arg5 : memref<128xi32, #tpu.memory_space<vmem>>) semaphore(%arg7 : memref<!tpu.dma_semaphore, #tpu.memory_space<semaphore_mem>>)
    %dma_wait3A = arith.constant 0 : i32
    %dma_wait3A_5 = arith.constant 0 : i32
    %dma_wait3A_6 = tpu.memref_slice %arg2[%dma_wait3A, %dma_wait3A_5] : memref<32768x768xf32, #tpu.memory_space<hbm>> -> memref<32768x768xf32, #tpu.memory_space<hbm>>
    tpu.wait_indirect_dma semaphore(%arg7 : memref<!tpu.dma_semaphore, #tpu.memory_space<semaphore_mem>>) src(%dma_wait3A_6 : memref<32768x768xf32, #tpu.memory_space<hbm>>) dst(%arg6 : memref<128x768xf32, #tpu.memory_space<vmem>>)
    "tpu.region"() ({
      %run_scoped3A = tpu.sem_alloc : memref<!tpu.dma_semaphore, #tpu.memory_space<semaphore_mem>>
      %dma_start3A_7 = arith.constant 0 : i32
      %dma_start3A_8 = tpu.memref_slice %arg4[%mul3A_2, %dma_start3A_7] : memref<4096x768xf32, #tpu.memory_space<hbm>> -> memref<128x768xf32, #tpu.memory_space<hbm>>
      %dma_start3A_9 = arith.constant 0 : i32
      %dma_start3A_10 = tpu.memref_slice %arg4[%mul3A_2, %dma_start3A_9] : memref<4096x768xf32, #tpu.memory_space<hbm>> -> memref<128x768xf32, #tpu.memory_space<hbm>>
      tpu.enqueue_dma source(%arg6 : memref<128x768xf32, #tpu.memory_space<vmem>>) target(%dma_start3A_10 : memref<128x768xf32, #tpu.memory_space<hbm>>) target_semaphore(%run_scoped3A : memref<!tpu.dma_semaphore, #tpu.memory_space<semaphore_mem>>)
      %dma_wait3A_11 = arith.constant 0 : i32
      %dma_wait3A_12 = tpu.memref_slice %arg4[%mul3A_2, %dma_wait3A_11] : memref<4096x768xf32, #tpu.memory_space<hbm>> -> memref<128x768xf32, #tpu.memory_space<hbm>>
      %dma_wait3A_13 = arith.constant 0 : i32
      %dma_wait3A_14 = tpu.memref_slice %arg4[%mul3A_2, %dma_wait3A_13] : memref<4096x768xf32, #tpu.memory_space<hbm>> -> memref<128x768xf32, #tpu.memory_space<hbm>>
      tpu.wait_dma2 semaphore(%run_scoped3A : memref<!tpu.dma_semaphore, #tpu.memory_space<semaphore_mem>>) src(%arg6 : memref<128x768xf32, #tpu.memory_space<vmem>>) dst(%dma_wait3A_14 : memref<128x768xf32, #tpu.memory_space<hbm>>)
      tpu.yield
    }) : () -> ()
    return
  }
}

module attributes {stable_mosaic.version = 14 : i64} {
  func.func @_score_body(%arg0: i32, %arg1: memref<1x2048x768xf32, #tpu.memory_space<vmem>>, %arg2: memref<1x1x2048xf32, #tpu.memory_space<vmem>>, %arg3: memref<1x1x2048xf32, #tpu.memory_space<vmem>>, %arg4: memref<768xf32, #tpu.memory_space<vmem>>, %arg5: memref<768xf32, #tpu.memory_space<vmem>>, %arg6: memref<768x128xf32, #tpu.memory_space<vmem>>, %arg7: memref<1xf32, #tpu.memory_space<vmem>>, %arg8: memref<1x1x2048xf32, #tpu.memory_space<vmem>>) attributes {dimension_semantics = [#tpu.dimension_semantics<arbitrary>], iteration_bounds = array<i64: 16>, scalar_prefetch = 0 : i64, scratch_operands = 0 : i64, tpu.core_type = #tpu.core_type<tc>, window_params = [{transform_indices = @transform_0, window_bounds = array<i64: 1, 2048, 768>}, {transform_indices = @transform_1, window_bounds = array<i64: 1, 1, 2048>}, {transform_indices = @transform_2, window_bounds = array<i64: 1, 1, 2048>}, {pipeline_mode = #tpu.pipeline_mode<synchronous>, transform_indices = @transform_3, window_bounds = array<i64: 768>}, {pipeline_mode = #tpu.pipeline_mode<synchronous>, transform_indices = @transform_4, window_bounds = array<i64: 768>}, {pipeline_mode = #tpu.pipeline_mode<synchronous>, transform_indices = @transform_5, window_bounds = array<i64: 768, 128>}, {pipeline_mode = #tpu.pipeline_mode<synchronous>, transform_indices = @transform_6, window_bounds = array<i64: 1>}, {transform_indices = @transform_7, window_bounds = array<i64: 1, 1, 2048>}]} {
    %get3A = arith.constant 0 : index
    %get3A_0 = arith.constant 0 : index
    %get3A_1 = arith.constant 0 : index
    %get3A_2 = vector.load %arg1[%get3A, %get3A_0, %get3A_1] : memref<1x2048x768xf32, #tpu.memory_space<vmem>>, vector<1x2048x768xf32>
    %get3A_3 = vector.shape_cast %get3A_2 : vector<1x2048x768xf32> to vector<2048x768xf32>
    %get3A_4 = arith.constant 0 : index
    %get3A_5 = arith.constant 0 : index
    %get3A_6 = arith.constant 0 : index
    %get3A_7 = vector.load %arg2[%get3A_4, %get3A_5, %get3A_6] : memref<1x1x2048xf32, #tpu.memory_space<vmem>>, vector<1x1x2048xf32>
    %get3A_8 = vector.shape_cast %get3A_7 : vector<1x1x2048xf32> to vector<2048xf32>
    %broadcast_in_dim3A = vector.shape_cast %get3A_8 : vector<2048xf32> to vector<2048x1xf32>
    %get3A_9 = arith.constant 0 : index
    %get3A_10 = arith.constant 0 : index
    %get3A_11 = arith.constant 0 : index
    %get3A_12 = vector.load %arg3[%get3A_9, %get3A_10, %get3A_11] : memref<1x1x2048xf32, #tpu.memory_space<vmem>>, vector<1x1x2048xf32>
    %get3A_13 = vector.shape_cast %get3A_12 : vector<1x1x2048xf32> to vector<2048xf32>
    %mul3A = arith.constant 0.00130208337 : f32
    %mul3A_14 = vector.broadcast %mul3A : f32 to vector<2048xf32>
    %mul3A_15 = arith.mulf %get3A_13, %mul3A_14 : vector<2048xf32>
    %add3A = arith.constant 9.99999974E-6 : f32
    %add3A_16 = vector.broadcast %add3A : f32 to vector<2048xf32>
    %add3A_17 = arith.addf %mul3A_15, %add3A_16 : vector<2048xf32>
    %sqrt3A = math.sqrt %add3A_17 : vector<2048xf32>
    %broadcast_in_dim3A_18 = vector.shape_cast %sqrt3A : vector<2048xf32> to vector<2048x1xf32>
    %sub3A = vector.broadcast %broadcast_in_dim3A : vector<2048x1xf32> to vector<2048x768xf32>
    %sub3A_19 = arith.subf %get3A_3, %sub3A : vector<2048x768xf32>
    %div3A = vector.broadcast %broadcast_in_dim3A_18 : vector<2048x1xf32> to vector<2048x768xf32>
    %div3A_20 = arith.divf %sub3A_19, %div3A : vector<2048x768xf32>
    %get3A_21 = arith.constant 0 : index
    %get3A_22 = vector.load %arg4[%get3A_21] : memref<768xf32, #tpu.memory_space<vmem>>, vector<768xf32>
    %broadcast_in_dim3A_23 = vector.shape_cast %get3A_22 : vector<768xf32> to vector<1x768xf32>
    %mul3A_24 = vector.broadcast %broadcast_in_dim3A_23 : vector<1x768xf32> to vector<2048x768xf32>
    %mul3A_25 = arith.mulf %div3A_20, %mul3A_24 : vector<2048x768xf32>
    %get3A_26 = arith.constant 0 : index
    %get3A_27 = vector.load %arg5[%get3A_26] : memref<768xf32, #tpu.memory_space<vmem>>, vector<768xf32>
    %broadcast_in_dim3A_28 = vector.shape_cast %get3A_27 : vector<768xf32> to vector<1x768xf32>
    %add3A_29 = vector.broadcast %broadcast_in_dim3A_28 : vector<1x768xf32> to vector<2048x768xf32>
    %add3A_30 = arith.addf %mul3A_25, %add3A_29 : vector<2048x768xf32>
    %get3A_31 = arith.constant 0 : index
    %get3A_32 = arith.constant 0 : index
    %get3A_33 = vector.load %arg6[%get3A_31, %get3A_32] : memref<768x128xf32, #tpu.memory_space<vmem>>, vector<768x128xf32>
    %dot_general3A = arith.constant dense<0.000000e+00> : vector<2048x128xf32>
    %dot_general3A_34 = tpu.matmul %add3A_30, %get3A_33, %dot_general3A {dimension_numbers = #tpu.dot_dimension_numbers<[1], [0], [0], [1], [0, 0, 1, 1], [], []>, transpose_lhs_hint = false} : vector<2048x768xf32>, vector<768x128xf32>, vector<2048x128xf32> -> vector<2048x128xf32>
    %slice3A = vector.extract_strided_slice %dot_general3A_34 {offsets = [0, 0], sizes = [2048, 1], strides = [1, 1]} : vector<2048x128xf32> to vector<2048x1xf32>
    %squeeze3A = vector.shape_cast %slice3A : vector<2048x1xf32> to vector<2048xf32>
    %get3A_35 = arith.constant 0 : index
    %get3A_36 = vector.load %arg7[%get3A_35] : memref<1xf32, #tpu.memory_space<vmem>>, vector<1xf32>
    %get3A_37 = vector.extract %get3A_36[0] : f32 from vector<1xf32>
    %add3A_38 = vector.broadcast %get3A_37 : f32 to vector<2048xf32>
    %add3A_39 = arith.addf %squeeze3A, %add3A_38 : vector<2048xf32>
    %swap3A = arith.constant 0 : index
    %swap3A_40 = arith.constant 0 : index
    %swap3A_41 = arith.constant 0 : index
    %swap3A_42 = vector.load %arg8[%swap3A, %swap3A_40, %swap3A_41] : memref<1x1x2048xf32, #tpu.memory_space<vmem>>, vector<1x1x2048xf32>
    %swap3A_43 = vector.shape_cast %swap3A_42 : vector<1x1x2048xf32> to vector<2048xf32>
    %swap3A_44 = vector.shape_cast %add3A_39 : vector<2048xf32> to vector<1x1x2048xf32>
    tpu.vector_store %arg8[%swap3A, %swap3A_40, %swap3A_41], %swap3A_44 {strides = array<i32>} : memref<1x1x2048xf32, #tpu.memory_space<vmem>>, vector<1x1x2048xf32>,
    return
  }
  func.func @transform_0(%arg0: i32) -> (i32, i32, i32) {
    %c0_i32 = arith.constant 0 : i32
    %c0_i32_0 = arith.constant 0 : i32
    %c0_i32_1 = arith.constant 0 : i32
    return %arg0, %c0_i32, %c0_i32_0 : i32, i32, i32
  }
  func.func @transform_1(%arg0: i32) -> (i32, i32, i32) {
    %c0_i32 = arith.constant 0 : i32
    %c0_i32_0 = arith.constant 0 : i32
    %c0_i32_1 = arith.constant 0 : i32
    return %arg0, %c0_i32, %c0_i32_0 : i32, i32, i32
  }
  func.func @transform_2(%arg0: i32) -> (i32, i32, i32) {
    %c0_i32 = arith.constant 0 : i32
    %c0_i32_0 = arith.constant 0 : i32
    %c0_i32_1 = arith.constant 0 : i32
    return %arg0, %c0_i32, %c0_i32_0 : i32, i32, i32
  }
  func.func @transform_3(%arg0: i32) -> i32 {
    %c0_i32 = arith.constant 0 : i32
    %c0_i32_0 = arith.constant 0 : i32
    return %c0_i32 : i32
  }
  func.func @transform_4(%arg0: i32) -> i32 {
    %c0_i32 = arith.constant 0 : i32
    %c0_i32_0 = arith.constant 0 : i32
    return %c0_i32 : i32
  }
  func.func @transform_5(%arg0: i32) -> (i32, i32) {
    %c0_i32 = arith.constant 0 : i32
    %c0_i32_0 = arith.constant 0 : i32
    %c0_i32_1 = arith.constant 0 : i32
    return %c0_i32, %c0_i32_0 : i32, i32
  }
  func.func @transform_6(%arg0: i32) -> i32 {
    %c0_i32 = arith.constant 0 : i32
    %c0_i32_0 = arith.constant 0 : i32
    return %c0_i32 : i32
  }
  func.func @transform_7(%arg0: i32) -> (i32, i32, i32) {
    %c0_i32 = arith.constant 0 : i32
    %c0_i32_0 = arith.constant 0 : i32
    %c0_i32_1 = arith.constant 0 : i32
    return %arg0, %c0_i32, %c0_i32_0 : i32, i32, i32
  }
}

module attributes {stable_mosaic.version = 14 : i64} {
  func.func @_topk_body(%arg0: memref<4x8192xf32, #tpu.memory_space<vmem>>, %arg1: memref<4x1024xi32, #tpu.memory_space<vmem>>, %arg2: memref<4x1024xi32, #tpu.memory_space<vmem>>) attributes {dimension_semantics = [], scalar_prefetch = 0 : i64, scratch_operands = 0 : i64, tpu.core_type = #tpu.core_type<tc>} {
    %get3A = arith.constant 0 : index
    %get3A_0 = arith.constant 0 : index
    %get3A_1 = vector.load %arg0[%get3A, %get3A_0] : memref<4x8192xf32, #tpu.memory_space<vmem>>, vector<4x8192xf32>
    %bitcast_convert_type3A = tpu.bitcast %get3A_1 : vector<4x8192xf32> -> vector<4x8192xi32>
    %lt3A = arith.constant 0 : i32
    %lt3A_2 = vector.broadcast %lt3A : i32 to vector<4x8192xi32>
    %lt3A_3 = arith.cmpi slt, %bitcast_convert_type3A, %lt3A_2 : vector<4x8192xi32>
    %xor3A = arith.constant 2147483647 : i32
    %xor3A_4 = vector.broadcast %xor3A : i32 to vector<4x8192xi32>
    %xor3A_5 = arith.xori %xor3A_4, %bitcast_convert_type3A : vector<4x8192xi32>
    %select_n3A = arith.select %lt3A_3, %xor3A_5, %bitcast_convert_type3A : vector<4x8192xi1>, vector<4x8192xi32>
    %iota3A = tpu.iota {dimensions = array<i32: 1>} : vector<4x8192xi32>
    %iota3A_6 = tpu.iota {dimensions = array<i32: 1>} : vector<4x8192xi32>
    %and3A = arith.constant 2 : i32
    %and3A_7 = vector.broadcast %and3A : i32 to vector<4x8192xi32>
    %and3A_8 = arith.andi %iota3A_6, %and3A_7 : vector<4x8192xi32>
    %eq3A = arith.constant 0 : i32
    %eq3A_9 = vector.broadcast %eq3A : i32 to vector<4x8192xi32>
    %eq3A_10 = arith.cmpi eq, %and3A_8, %eq3A_9 : vector<4x8192xi32>
    %roll3A = arith.constant 8191 : i32
    %roll3A_11 = tpu.dynamic_rotate %select_n3A by %roll3A dim 1 : vector<4x8192xi32>, i32 -> vector<4x8192xi32>
    %roll3A_12 = arith.constant 1 : i32
    %roll3A_13 = tpu.dynamic_rotate %select_n3A by %roll3A_12 dim 1 : vector<4x8192xi32>, i32 -> vector<4x8192xi32>
    %roll3A_14 = arith.constant 8191 : i32
    %roll3A_15 = tpu.dynamic_rotate %iota3A by %roll3A_14 dim 1 : vector<4x8192xi32>, i32 -> vector<4x8192xi32>
    %roll3A_16 = arith.constant 1 : i32
    %roll3A_17 = tpu.dynamic_rotate %iota3A by %roll3A_16 dim 1 : vector<4x8192xi32>, i32 -> vector<4x8192xi32>
    %and3A_18 = arith.constant 1 : i32
    %and3A_19 = vector.broadcast %and3A_18 : i32 to vector<4x8192xi32>
    %and3A_20 = arith.andi %iota3A_6, %and3A_19 : vector<4x8192xi32>
    %ne3A = arith.constant 0 : i32
    %ne3A_21 = vector.broadcast %ne3A : i32 to vector<4x8192xi32>
    %ne3A_22 = arith.cmpi ne, %and3A_20, %ne3A_21 : vector<4x8192xi32>
    %select_n3A_23 = arith.select %ne3A_22, %roll3A_13, %roll3A_11 : vector<4x8192xi1>, vector<4x8192xi32>
    %select_n3A_24 = arith.select %ne3A_22, %roll3A_17, %roll3A_15 : vector<4x8192xi1>, vector<4x8192xi32>
    %select_n3A_25 = arith.select %ne3A_22, %select_n3A_23, %select_n3A : vector<4x8192xi1>, vector<4x8192xi32>
    %select_n3A_26 = arith.select %ne3A_22, %select_n3A, %select_n3A_23 : vector<4x8192xi1>, vector<4x8192xi32>
    %select_n3A_27 = arith.select %ne3A_22, %select_n3A_24, %iota3A : vector<4x8192xi1>, vector<4x8192xi32>
    %select_n3A_28 = arith.select %ne3A_22, %iota3A, %select_n3A_24 : vector<4x8192xi1>, vector<4x8192xi32>
    %gt3A = arith.cmpi sgt, %select_n3A_25, %select_n3A_26 : vector<4x8192xi32>
    %eq3A_29 = arith.cmpi eq, %select_n3A_25, %select_n3A_26 : vector<4x8192xi32>
    %lt3A_30 = arith.cmpi slt, %select_n3A_27, %select_n3A_28 : vector<4x8192xi32>
    %and3A_31 = arith.andi %eq3A_29, %lt3A_30 : vector<4x8192xi1>
    %or3A = arith.ori %gt3A, %and3A_31 : vector<4x8192xi1>
    %xor3A_32 = arith.xori %or3A, %eq3A_10 : vector<4x8192xi1>
    %select_n3A_33 = arith.select %xor3A_32, %select_n3A_23, %select_n3A : vector<4x8192xi1>, vector<4x8192xi32>
    %select_n3A_34 = arith.select %xor3A_32, %select_n3A_24, %iota3A : vector<4x8192xi1>, vector<4x8192xi32>
    %and3A_35 = arith.constant 4 : i32
    %and3A_36 = vector.broadcast %and3A_35 : i32 to vector<4x8192xi32>
    %and3A_37 = arith.andi %iota3A_6, %and3A_36 : vector<4x8192xi32>
    %eq3A_38 = arith.constant 0 : i32
    %eq3A_39 = vector.broadcast %eq3A_38 : i32 to vector<4x8192xi32>
    %eq3A_40 = arith.cmpi eq, %and3A_37, %eq3A_39 : vector<4x8192xi32>
    %roll3A_41 = arith.constant 8190 : i32
    %roll3A_42 = tpu.dynamic_rotate %select_n3A_33 by %roll3A_41 dim 1 : vector<4x8192xi32>, i32 -> vector<4x8192xi32>
    %roll3A_43 = arith.constant 2 : i32
    %roll3A_44 = tpu.dynamic_rotate %select_n3A_33 by %roll3A_43 dim 1 : vector<4x8192xi32>, i32 -> vector<4x8192xi32>
    %roll3A_45 = arith.constant 8190 : i32
    %roll3A_46 = tpu.dynamic_rotate %select_n3A_34 by %roll3A_45 dim 1 : vector<4x8192xi32>, i32 -> vector<4x8192xi32>
    %roll3A_47 = arith.constant 2 : i32
    %roll3A_48 = tpu.dynamic_rotate %select_n3A_34 by %roll3A_47 dim 1 : vector<4x8192xi32>, i32 -> vector<4x8192xi32>
    %and3A_49 = arith.constant 2 : i32
    %and3A_50 = vector.broadcast %and3A_49 : i32 to vector<4x8192xi32>
    %and3A_51 = arith.andi %iota3A_6, %and3A_50 : vector<4x8192xi32>
    %ne3A_52 = arith.constant 0 : i32
    %ne3A_53 = vector.broadcast %ne3A_52 : i32 to vector<4x8192xi32>
    %ne3A_54 = arith.cmpi ne, %and3A_51, %ne3A_53 : vector<4x8192xi32>
    %select_n3A_55 = arith.select %ne3A_54, %roll3A_44, %roll3A_42 : vector<4x8192xi1>, vector<4x8192xi32>
    %select_n3A_56 = arith.select %ne3A_54, %roll3A_48, %roll3A_46 : vector<4x8192xi1>, vector<4x8192xi32>
    %select_n3A_57 = arith.select %ne3A_54, %select_n3A_55, %select_n3A_33 : vector<4x8192xi1>, vector<4x8192xi32>
    %select_n3A_58 = arith.select %ne3A_54, %select_n3A_33, %select_n3A_55 : vector<4x8192xi1>, vector<4x8192xi32>
    %select_n3A_59 = arith.select %ne3A_54, %select_n3A_56, %select_n3A_34 : vector<4x8192xi1>, vector<4x8192xi32>
    %select_n3A_60 = arith.select %ne3A_54, %select_n3A_34, %select_n3A_56 : vector<4x8192xi1>, vector<4x8192xi32>
    %gt3A_61 = arith.cmpi sgt, %select_n3A_57, %select_n3A_58 : vector<4x8192xi32>
    %eq3A_62 = arith.cmpi eq, %select_n3A_57, %select_n3A_58 : vector<4x8192xi32>
    %lt3A_63 = arith.cmpi slt, %select_n3A_59, %select_n3A_60 : vector<4x8192xi32>
    %and3A_64 = arith.andi %eq3A_62, %lt3A_63 : vector<4x8192xi1>
    %or3A_65 = arith.ori %gt3A_61, %and3A_64 : vector<4x8192xi1>
    %xor3A_66 = arith.xori %or3A_65, %eq3A_40 : vector<4x8192xi1>
    %select_n3A_67 = arith.select %xor3A_66, %select_n3A_55, %select_n3A_33 : vector<4x8192xi1>, vector<4x8192xi32>
    %select_n3A_68 = arith.select %xor3A_66, %select_n3A_56, %select_n3A_34 : vector<4x8192xi1>, vector<4x8192xi32>
    %and3A_69 = arith.constant 4 : i32
    %and3A_70 = vector.broadcast %and3A_69 : i32 to vector<4x8192xi32>
    %and3A_71 = arith.andi %iota3A_6, %and3A_70 : vector<4x8192xi32>
    %eq3A_72 = arith.constant 0 : i32
    %eq3A_73 = vector.broadcast %eq3A_72 : i32 to vector<4x8192xi32>
    %eq3A_74 = arith.cmpi eq, %and3A_71, %eq3A_73 : vector<4x8192xi32>
    %roll3A_75 = arith.constant 8191 : i32
    %roll3A_76 = tpu.dynamic_rotate %select_n3A_67 by %roll3A_75 dim 1 : vector<4x8192xi32>, i32 -> vector<4x8192xi32>
    %roll3A_77 = arith.constant 1 : i32
    %roll3A_78 = tpu.dynamic_rotate %select_n3A_67 by %roll3A_77 dim 1 : vector<4x8192xi32>, i32 -> vector<4x8192xi32>
    %roll3A_79 = arith.constant 8191 : i32
    %roll3A_80 = tpu.dynamic_rotate %select_n3A_68 by %roll3A_79 dim 1 : vector<4x8192xi32>, i32 -> vector<4x8192xi32>
    %roll3A_81 = arith.constant 1 : i32
    %roll3A_82 = tpu.dynamic_rotate %select_n3A_68 by %roll3A_81 dim 1 : vector<4x8192xi32>, i32 -> vector<4x8192xi32>
    %and3A_83 = arith.constant 1 : i32
    %and3A_84 = vector.broadcast %and3A_83 : i32 to vector<4x8192xi32>
    %and3A_85 = arith.andi %iota3A_6, %and3A_84 : vector<4x8192xi32>
    %ne3A_86 = arith.constant 0 : i32
    %ne3A_87 = vector.broadcast %ne3A_86 : i32 to vector<4x8192xi32>
    %ne3A_88 = arith.cmpi ne, %and3A_85, %ne3A_87 : vector<4x8192xi32>
    %select_n3A_89 = arith.select %ne3A_88, %roll3A_78, %roll3A_76 : vector<4x8192xi1>, vector<4x8192xi32>
    %select_n3A_90 = arith.select %ne3A_88, %roll3A_82, %roll3A_80 : vector<4x8192xi1>, vector<4x8192xi32>
    %select_n3A_91 = arith.select %ne3A_88, %select_n3A_89, %select_n3A_67 : vector<4x8192xi1>, vector<4x8192xi32>
    %select_n3A_92 = arith.select %ne3A_88, %select_n3A_67, %select_n3A_89 : vector<4x8192xi1>, vector<4x8192xi32>
    %select_n3A_93 = arith.select %ne3A_88, %select_n3A_90, %select_n3A_68 : vector<4x8192xi1>, vector<4x8192xi32>
    %select_n3A_94 = arith.select %ne3A_88, %select_n3A_68, %select_n3A_90 : vector<4x8192xi1>, vector<4x8192xi32>
    %gt3A_95 = arith.cmpi sgt, %select_n3A_91, %select_n3A_92 : vector<4x8192xi32>
    %eq3A_96 = arith.cmpi eq, %select_n3A_91, %select_n3A_92 : vector<4x8192xi32>
    %lt3A_97 = arith.cmpi slt, %select_n3A_93, %select_n3A_94 : vector<4x8192xi32>
    %and3A_98 = arith.andi %eq3A_96, %lt3A_97 : vector<4x8192xi1>
    %or3A_99 = arith.ori %gt3A_95, %and3A_98 : vector<4x8192xi1>
    %xor3A_100 = arith.xori %or3A_99, %eq3A_74 : vector<4x8192xi1>
    %select_n3A_101 = arith.select %xor3A_100, %select_n3A_89, %select_n3A_67 : vector<4x8192xi1>, vector<4x8192xi32>
    %select_n3A_102 = arith.select %xor3A_100, %select_n3A_90, %select_n3A_68 : vector<4x8192xi1>, vector<4x8192xi32>
    %and3A_103 = arith.constant 8 : i32
    %and3A_104 = vector.broadcast %and3A_103 : i32 to vector<4x8192xi32>
    %and3A_105 = arith.andi %iota3A_6, %and3A_104 : vector<4x8192xi32>
    %eq3A_106 = arith.constant 0 : i32
    %eq3A_107 = vector.broadcast %eq3A_106 : i32 to vector<4x8192xi32>
    %eq3A_108 = arith.cmpi eq, %and3A_105, %eq3A_107 : vector<4x8192xi32>
    %roll3A_109 = arith.constant 8188 : i32
    %roll3A_110 = tpu.dynamic_rotate %select_n3A_101 by %roll3A_109 dim 1 : vector<4x8192xi32>, i32 -> vector<4x8192xi32>
    %roll3A_111 = arith.constant 4 : i32
    %roll3A_112 = tpu.dynamic_rotate %select_n3A_101 by %roll3A_111 dim 1 : vector<4x8192xi32>, i32 -> vector<4x8192xi32>
    %roll3A_113 = arith.constant 8188 : i32
    %roll3A_114 = tpu.dynamic_rotate %select_n3A_102 by %roll3A_113 dim 1 : vector<4x8192xi32>, i32 -> vector<4x8192xi32>
    %roll3A_115 = arith.constant 4 : i32
    %roll3A_116 = tpu.dynamic_rotate %select_n3A_102 by %roll3A_115 dim 1 : vector<4x8192xi32>, i32 -> vector<4x8192xi32>
    %and3A_117 = arith.constant 4 : i32
    %and3A_118 = vector.broadcast %and3A_117 : i32 to vector<4x8192xi32>
    %and3A_119 = arith.andi %iota3A_6, %and3A_118 : vector<4x8192xi32>
    %ne3A_120 = arith.constant 0 : i32
    %ne3A_121 = vector.broadcast %ne3A_120 : i32 to vector<4x8192xi32>
    %ne3A_122 = arith.cmpi ne, %and3A_119, %ne3A_121 : vector<4x8192xi32>
    %select_n3A_123 = arith.select %ne3A_122, %roll3A_112, %roll3A_110 : vector<4x8192xi1>, vector<4x8192xi32>
    %select_n3A_124 = arith.select %ne3A_122, %roll3A_116, %roll3A_114 : vector<4x8192xi1>, vector<4x8192xi32>
    %select_n3A_125 = arith.select %ne3A_122, %select_n3A_123, %select_n3A_101 : vector<4x8192xi1>, vector<4x8192xi32>
    %select_n3A_126 = arith.select %ne3A_122, %select_n3A_101, %select_n3A_123 : vector<4x8192xi1>, vector<4x8192xi32>
    %select_n3A_127 = arith.select %ne3A_122, %select_n3A_124, %select_n3A_102 : vector<4x8192xi1>, vector<4x8192xi32>
    %select_n3A_128 = arith.select %ne3A_122, %select_n3A_102, %select_n3A_124 : vector<4x8192xi1>, vector<4x8192xi32>
    %gt3A_129 = arith.cmpi sgt, %select_n3A_125, %select_n3A_126 : vector<4x8192xi32>
    %eq3A_130 = arith.cmpi eq, %select_n3A_125, %select_n3A_126 : vector<4x8192xi32>
    %lt3A_131 = arith.cmpi slt, %select_n3A_127, %select_n3A_128 : vector<4x8192xi32>
    %and3A_132 = arith.andi %eq3A_130, %lt3A_131 : vector<4x8192xi1>
    %or3A_133 = arith.ori %gt3A_129, %and3A_132 : vector<4x8192xi1>
    %xor3A_134 = arith.xori %or3A_133, %eq3A_108 : vector<4x8192xi1>
    %select_n3A_135 = arith.select %xor3A_134, %select_n3A_123, %select_n3A_101 : vector<4x8192xi1>, vector<4x8192xi32>
    %select_n3A_136 = arith.select %xor3A_134, %select_n3A_124, %select_n3A_102 : vector<4x8192xi1>, vector<4x8192xi32>
    %and3A_137 = arith.constant 8 : i32
    %and3A_138 = vector.broadcast %and3A_137 : i32 to vector<4x8192xi32>
    %and3A_139 = arith.andi %iota3A_6, %and3A_138 : vector<4x8192xi32>
    %eq3A_140 = arith.constant 0 : i32
    %eq3A_141 = vector.broadcast %eq3A_140 : i32 to vector<4x8192xi32>
    %eq3A_142 = arith.cmpi eq, %and3A_139, %eq3A_141 : vector<4x8192xi32>
    %roll3A_143 = arith.constant 8190 : i32
    %roll3A_144 = tpu.dynamic_rotate %select_n3A_135 by %roll3A_143 dim 1 : vector<4x8192xi32>, i32 -> vector<4x8192xi32>
    %roll3A_145 = arith.constant 2 : i32
    %roll3A_146 = tpu.dynamic_rotate %select_n3A_135 by %roll3A_145 dim 1 : vector<4x8192xi32>, i32 -> vector<4x8192xi32>
    %roll3A_147 = arith.constant 8190 : i32
    %roll3A_148 = tpu.dynamic_rotate %select_n3A_136 by %roll3A_147 dim 1 : vector<4x8192xi32>, i32 -> vector<4x8192xi32>
    %roll3A_149 = arith.constant 2 : i32
    %roll3A_150 = tpu.dynamic_rotate %select_n3A_136 by %roll3A_149 dim 1 : vector<4x8192xi32>, i32 -> vector<4x8192xi32>
    %and3A_151 = arith.constant 2 : i32
    %and3A_152 = vector.broadcast %and3A_151 : i32 to vector<4x8192xi32>
    %and3A_153 = arith.andi %iota3A_6, %and3A_152 : vector<4x8192xi32>
    %ne3A_154 = arith.constant 0 : i32
    %ne3A_155 = vector.broadcast %ne3A_154 : i32 to vector<4x8192xi32>
    %ne3A_156 = arith.cmpi ne, %and3A_153, %ne3A_155 : vector<4x8192xi32>
    %select_n3A_157 = arith.select %ne3A_156, %roll3A_146, %roll3A_144 : vector<4x8192xi1>, vector<4x8192xi32>
    %select_n3A_158 = arith.select %ne3A_156, %roll3A_150, %roll3A_148 : vector<4x8192xi1>, vector<4x8192xi32>
    %select_n3A_159 = arith.select %ne3A_156, %select_n3A_157, %select_n3A_135 : vector<4x8192xi1>, vector<4x8192xi32>
    %select_n3A_160 = arith.select %ne3A_156, %select_n3A_135, %select_n3A_157 : vector<4x8192xi1>, vector<4x8192xi32>
    %select_n3A_161 = arith.select %ne3A_156, %select_n3A_158, %select_n3A_136 : vector<4x8192xi1>, vector<4x8192xi32>
    %select_n3A_162 = arith.select %ne3A_156, %select_n3A_136, %select_n3A_158 : vector<4x8192xi1>, vector<4x8192xi32>
    %gt3A_163 = arith.cmpi sgt, %select_n3A_159, %select_n3A_160 : vector<4x8192xi32>
    %eq3A_164 = arith.cmpi eq, %select_n3A_159, %select_n3A_160 : vector<4x8192xi32>
    %lt3A_165 = arith.cmpi slt, %select_n3A_161, %select_n3A_162 : vector<4x8192xi32>
    %and3A_166 = arith.andi %eq3A_164, %lt3A_165 : vector<4x8192xi1>
    %or3A_167 = arith.ori %gt3A_163, %and3A_166 : vector<4x8192xi1>
    %xor3A_168 = arith.xori %or3A_167, %eq3A_142 : vector<4x8192xi1>
    %select_n3A_169 = arith.select %xor3A_168, %select_n3A_157, %select_n3A_135 : vector<4x8192xi1>, vector<4x8192xi32>
    %select_n3A_170 = arith.select %xor3A_168, %select_n3A_158, %select_n3A_136 : vector<4x8192xi1>, vector<4x8192xi32>
    %and3A_171 = arith.constant 8 : i32
    %and3A_172 = vector.broadcast %and3A_171 : i32 to vector<4x8192xi32>
    %and3A_173 = arith.andi %iota3A_6, %and3A_172 : vector<4x8192xi32>
    %eq3A_174 = arith.constant 0 : i32
    %eq3A_175 = vector.broadcast %eq3A_174 : i32 to vector<4x8192xi32>
    %eq3A_176 = arith.cmpi eq, %and3A_173, %eq3A_175 : vector<4x8192xi32>
    %roll3A_177 = arith.constant 8191 : i32
    %roll3A_178 = tpu.dynamic_rotate %select_n3A_169 by %roll3A_177 dim 1 : vector<4x8192xi32>, i32 -> vector<4x8192xi32>
    %roll3A_179 = arith.constant 1 : i32
    %roll3A_180 = tpu.dynamic_rotate %select_n3A_169 by %roll3A_179 dim 1 : vector<4x8192xi32>, i32 -> vector<4x8192xi32>
    %roll3A_181 = arith.constant 8191 : i32
    %roll3A_182 = tpu.dynamic_rotate %select_n3A_170 by %roll3A_181 dim 1 : vector<4x8192xi32>, i32 -> vector<4x8192xi32>
    %roll3A_183 = arith.constant 1 : i32
    %roll3A_184 = tpu.dynamic_rotate %select_n3A_170 by %roll3A_183 dim 1 : vector<4x8192xi32>, i32 -> vector<4x8192xi32>
    %and3A_185 = arith.constant 1 : i32
    %and3A_186 = vector.broadcast %and3A_185 : i32 to vector<4x8192xi32>
    %and3A_187 = arith.andi %iota3A_6, %and3A_186 : vector<4x8192xi32>
    %ne3A_188 = arith.constant 0 : i32
    %ne3A_189 = vector.broadcast %ne3A_188 : i32 to vector<4x8192xi32>
    %ne3A_190 = arith.cmpi ne, %and3A_187, %ne3A_189 : vector<4x8192xi32>
    %select_n3A_191 = arith.select %ne3A_190, %roll3A_180, %roll3A_178 : vector<4x8192xi1>, vector<4x8192xi32>
    %select_n3A_192 = arith.select %ne3A_190, %roll3A_184, %roll3A_182 : vector<4x8192xi1>, vector<4x8192xi32>
    %select_n3A_193 = arith.select %ne3A_190, %select_n3A_191, %select_n3A_169 : vector<4x8192xi1>, vector<4x8192xi32>
    %select_n3A_194 = arith.select %ne3A_190, %select_n3A_169, %select_n3A_191 : vector<4x8192xi1>, vector<4x8192xi32>
    %select_n3A_195 = arith.select %ne3A_190, %select_n3A_192, %select_n3A_170 : vector<4x8192xi1>, vector<4x8192xi32>
    %select_n3A_196 = arith.select %ne3A_190, %select_n3A_170, %select_n3A_192 : vector<4x8192xi1>, vector<4x8192xi32>
    %gt3A_197 = arith.cmpi sgt, %select_n3A_193, %select_n3A_194 : vector<4x8192xi32>
    %eq3A_198 = arith.cmpi eq, %select_n3A_193, %select_n3A_194 : vector<4x8192xi32>
    %lt3A_199 = arith.cmpi slt, %select_n3A_195, %select_n3A_196 : vector<4x8192xi32>
    %and3A_200 = arith.andi %eq3A_198, %lt3A_199 : vector<4x8192xi1>
    %or3A_201 = arith.ori %gt3A_197, %and3A_200 : vector<4x8192xi1>
    %xor3A_202 = arith.xori %or3A_201, %eq3A_176 : vector<4x8192xi1>
    %select_n3A_203 = arith.select %xor3A_202, %select_n3A_191, %select_n3A_169 : vector<4x8192xi1>, vector<4x8192xi32>
    %select_n3A_204 = arith.select %xor3A_202, %select_n3A_192, %select_n3A_170 : vector<4x8192xi1>, vector<4x8192xi32>
    %and3A_205 = arith.constant 16 : i32
    %and3A_206 = vector.broadcast %and3A_205 : i32 to vector<4x8192xi32>
    %and3A_207 = arith.andi %iota3A_6, %and3A_206 : vector<4x8192xi32>
    %eq3A_208 = arith.constant 0 : i32
    %eq3A_209 = vector.broadcast %eq3A_208 : i32 to vector<4x8192xi32>
    %eq3A_210 = arith.cmpi eq, %and3A_207, %eq3A_209 : vector<4x8192xi32>
    %roll3A_211 = arith.constant 8184 : i32
    %roll3A_212 = tpu.dynamic_rotate %select_n3A_203 by %roll3A_211 dim 1 : vector<4x8192xi32>, i32 -> vector<4x8192xi32>
    %roll3A_213 = arith.constant 8 : i32
    %roll3A_214 = tpu.dynamic_rotate %select_n3A_203 by %roll3A_213 dim 1 : vector<4x8192xi32>, i32 -> vector<4x8192xi32>
    %roll3A_215 = arith.constant 8184 : i32
    %roll3A_216 = tpu.dynamic_rotate %select_n3A_204 by %roll3A_215 dim 1 : vector<4x8192xi32>, i32 -> vector<4x8192xi32>
    %roll3A_217 = arith.constant 8 : i32
    %roll3A_218 = tpu.dynamic_rotate %select_n3A_204 by %roll3A_217 dim 1 : vector<4x8192xi32>, i32 -> vector<4x8192xi32>
    %and3A_219 = arith.constant 8 : i32
    %and3A_220 = vector.broadcast %and3A_219 : i32 to vector<4x8192xi32>
    %and3A_221 = arith.andi %iota3A_6, %and3A_220 : vector<4x8192xi32>
    %ne3A_222 = arith.constant 0 : i32
    %ne3A_223 = vector.broadcast %ne3A_222 : i32 to vector<4x8192xi32>
    %ne3A_224 = arith.cmpi ne, %and3A_221, %ne3A_223 : vector<4x8192xi32>
    %select_n3A_225 = arith.select %ne3A_224, %roll3A_214, %roll3A_212 : vector<4x8192xi1>, vector<4x8192xi32>
    %select_n3A_226 = arith.select %ne3A_224, %roll3A_218, %roll3A_216 : vector<4x8192xi1>, vector<4x8192xi32>
    %select_n3A_227 = arith.select %ne3A_224, %select_n3A_225, %select_n3A_203 : vector<4x8192xi1>, vector<4x8192xi32>
    %select_n3A_228 = arith.select %ne3A_224, %select_n3A_203, %select_n3A_225 : vector<4x8192xi1>, vector<4x8192xi32>
    %select_n3A_229 = arith.select %ne3A_224, %select_n3A_226, %select_n3A_204 : vector<4x8192xi1>, vector<4x8192xi32>
    %select_n3A_230 = arith.select %ne3A_224, %select_n3A_204, %select_n3A_226 : vector<4x8192xi1>, vector<4x8192xi32>
    %gt3A_231 = arith.cmpi sgt, %select_n3A_227, %select_n3A_228 : vector<4x8192xi32>
    %eq3A_232 = arith.cmpi eq, %select_n3A_227, %select_n3A_228 : vector<4x8192xi32>
    %lt3A_233 = arith.cmpi slt, %select_n3A_229, %select_n3A_230 : vector<4x8192xi32>
    %and3A_234 = arith.andi %eq3A_232, %lt3A_233 : vector<4x8192xi1>
    %or3A_235 = arith.ori %gt3A_231, %and3A_234 : vector<4x8192xi1>
    %xor3A_236 = arith.xori %or3A_235, %eq3A_210 : vector<4x8192xi1>
    %select_n3A_237 = arith.select %xor3A_236, %select_n3A_225, %select_n3A_203 : vector<4x8192xi1>, vector<4x8192xi32>
    %select_n3A_238 = arith.select %xor3A_236, %select_n3A_226, %select_n3A_204 : vector<4x8192xi1>, vector<4x8192xi32>
    %and3A_239 = arith.constant 16 : i32
    %and3A_240 = vector.broadcast %and3A_239 : i32 to vector<4x8192xi32>
    %and3A_241 = arith.andi %iota3A_6, %and3A_240 : vector<4x8192xi32>
    %eq3A_242 = arith.constant 0 : i32
    %eq3A_243 = vector.broadcast %eq3A_242 : i32 to vector<4x8192xi32>
    %eq3A_244 = arith.cmpi eq, %and3A_241, %eq3A_243 : vector<4x8192xi32>
    %roll3A_245 = arith.constant 8188 : i32
    %roll3A_246 = tpu.dynamic_rotate %select_n3A_237 by %roll3A_245 dim 1 : vector<4x8192xi32>, i32 -> vector<4x8192xi32>
    %roll3A_247 = arith.constant 4 : i32
    %roll3A_248 = tpu.dynamic_rotate %select_n3A_237 by %roll3A_247 dim 1 : vector<4x8192xi32>, i32 -> vector<4x8192xi32>
    %roll3A_249 = arith.constant 8188 : i32
    %roll3A_250 = tpu.dynamic_rotate %select_n3A_238 by %roll3A_249 dim 1 : vector<4x8192xi32>, i32 -> vector<4x8192xi32>
    %roll3A_251 = arith.constant 4 : i32
    %roll3A_252 = tpu.dynamic_rotate %select_n3A_238 by %roll3A_251 dim 1 : vector<4x8192xi32>, i32 -> vector<4x8192xi32>
    %and3A_253 = arith.constant 4 : i32
    %and3A_254 = vector.broadcast %and3A_253 : i32 to vector<4x8192xi32>
    %and3A_255 = arith.andi %iota3A_6, %and3A_254 : vector<4x8192xi32>
    %ne3A_256 = arith.constant 0 : i32
    %ne3A_257 = vector.broadcast %ne3A_256 : i32 to vector<4x8192xi32>
    %ne3A_258 = arith.cmpi ne, %and3A_255, %ne3A_257 : vector<4x8192xi32>
    %select_n3A_259 = arith.select %ne3A_258, %roll3A_248, %roll3A_246 : vector<4x8192xi1>, vector<4x8192xi32>
    %select_n3A_260 = arith.select %ne3A_258, %roll3A_252, %roll3A_250 : vector<4x8192xi1>, vector<4x8192xi32>
    %select_n3A_261 = arith.select %ne3A_258, %select_n3A_259, %select_n3A_237 : vector<4x8192xi1>, vector<4x8192xi32>
    %select_n3A_262 = arith.select %ne3A_258, %select_n3A_237, %select_n3A_259 : vector<4x8192xi1>, vector<4x8192xi32>
    %select_n3A_263 = arith.select %ne3A_258, %select_n3A_260, %select_n3A_238 : vector<4x8192xi1>, vector<4x8192xi32>
    %select_n3A_264 = arith.select %ne3A_258, %select_n3A_238, %select_n3A_260 : vector<4x8192xi1>, vector<4x8192xi32>
    %gt3A_265 = arith.cmpi sgt, %select_n3A_261, %select_n3A_262 : vector<4x8192xi32>
    %eq3A_266 = arith.cmpi eq, %select_n3A_261, %select_n3A_262 : vector<4x8192xi32>
    %lt3A_267 = arith.cmpi slt, %select_n3A_263, %select_n3A_264 : vector<4x8192xi32>
    %and3A_268 = arith.andi %eq3A_266, %lt3A_267 : vector<4x8192xi1>
    %or3A_269 = arith.ori %gt3A_265, %and3A_268 : vector<4x8192xi1>
    %xor3A_270 = arith.xori %or3A_269, %eq3A_244 : vector<4x8192xi1>
    %select_n3A_271 = arith.select %xor3A_270, %select_n3A_259, %select_n3A_237 : vector<4x8192xi1>, vector<4x8192xi32>
    %select_n3A_272 = arith.select %xor3A_270, %select_n3A_260, %select_n3A_238 : vector<4x8192xi1>, vector<4x8192xi32>
    %and3A_273 = arith.constant 16 : i32
    %and3A_274 = vector.broadcast %and3A_273 : i32 to vector<4x8192xi32>
    %and3A_275 = arith.andi %iota3A_6, %and3A_274 : vector<4x8192xi32>
    %eq3A_276 = arith.constant 0 : i32
    %eq3A_277 = vector.broadcast %eq3A_276 : i32 to vector<4x8192xi32>
    %eq3A_278 = arith.cmpi eq, %and3A_275, %eq3A_277 : vector<4x8192xi32>
    %roll3A_279 = arith.constant 8190 : i32
    %roll3A_280 = tpu.dynamic_rotate %select_n3A_271 by %roll3A_279 dim 1 : vector<4x8192xi32>, i32 -> vector<4x8192xi32>
    %roll3A_281 = arith.constant 2 : i32
    %roll3A_282 = tpu.dynamic_rotate %select_n3A_271 by %roll3A_281 dim 1 : vector<4x8192xi32>, i32 -> vector<4x8192xi32>
    %roll3A_283 = arith.constant 8190 : i32
    %roll3A_284 = tpu.dynamic_rotate %select_n3A_272 by %roll3A_283 dim 1 : vector<4x8192xi32>, i32 -> vector<4x8192xi32>
    %roll3A_285 = arith.constant 2 : i32
    %roll3A_286 = tpu.dynamic_rotate %select_n3A_272 by %roll3A_285 dim 1 : vector<4x8192xi32>, i32 -> vector<4x8192xi32>
    %and3A_287 = arith.constant 2 : i32
    %and3A_288 = vector.broadcast %and3A_287 : i32 to vector<4x8192xi32>
    %and3A_289 = arith.andi %iota3A_6, %and3A_288 : vector<4x8192xi32>
    %ne3A_290 = arith.constant 0 : i32
    %ne3A_291 = vector.broadcast %ne3A_290 : i32 to vector<4x8192xi32>
    %ne3A_292 = arith.cmpi ne, %and3A_289, %ne3A_291 : vector<4x8192xi32>
    %select_n3A_293 = arith.select %ne3A_292, %roll3A_282, %roll3A_280 : vector<4x8192xi1>, vector<4x8192xi32>
    %select_n3A_294 = arith.select %ne3A_292, %roll3A_286, %roll3A_284 : vector<4x8192xi1>, vector<4x8192xi32>
    %select_n3A_295 = arith.select %ne3A_292, %select_n3A_293, %select_n3A_271 : vector<4x8192xi1>, vector<4x8192xi32>
    %select_n3A_296 = arith.select %ne3A_292, %select_n3A_271, %select_n3A_293 : vector<4x8192xi1>, vector<4x8192xi32>
    %select_n3A_297 = arith.select %ne3A_292, %select_n3A_294, %select_n3A_272 : vector<4x8192xi1>, vector<4x8192xi32>
    %select_n3A_298 = arith.select %ne3A_292, %select_n3A_272, %select_n3A_294 : vector<4x8192xi1>, vector<4x8192xi32>
    %gt3A_299 = arith.cmpi sgt, %select_n3A_295, %select_n3A_296 : vector<4x8192xi32>
    %eq3A_300 = arith.cmpi eq, %select_n3A_295, %select_n3A_296 : vector<4x8192xi32>
    %lt3A_301 = arith.cmpi slt, %select_n3A_297, %select_n3A_298 : vector<4x8192xi32>
    %and3A_302 = arith.andi %eq3A_300, %lt3A_301 : vector<4x8192xi1>
    %or3A_303 = arith.ori %gt3A_299, %and3A_302 : vector<4x8192xi1>
    %xor3A_304 = arith.xori %or3A_303, %eq3A_278 : vector<4x8192xi1>
    %select_n3A_305 = arith.select %xor3A_304, %select_n3A_293, %select_n3A_271 : vector<4x8192xi1>, vector<4x8192xi32>
    %select_n3A_306 = arith.select %xor3A_304, %select_n3A_294, %select_n3A_272 : vector<4x8192xi1>, vector<4x8192xi32>
    %and3A_307 = arith.constant 16 : i32
    %and3A_308 = vector.broadcast %and3A_307 : i32 to vector<4x8192xi32>
    %and3A_309 = arith.andi %iota3A_6, %and3A_308 : vector<4x8192xi32>
    %eq3A_310 = arith.constant 0 : i32
    %eq3A_311 = vector.broadcast %eq3A_310 : i32 to vector<4x8192xi32>
    %eq3A_312 = arith.cmpi eq, %and3A_309, %eq3A_311 : vector<4x8192xi32>
    %roll3A_313 = arith.constant 8191 : i32
    %roll3A_314 = tpu.dynamic_rotate %select_n3A_305 by %roll3A_313 dim 1 : vector<4x8192xi32>, i32 -> vector<4x8192xi32>
    %roll3A_315 = arith.constant 1 : i32
    %roll3A_316 = tpu.dynamic_rotate %select_n3A_305 by %roll3A_315 dim 1 : vector<4x8192xi32>, i32 -> vector<4x8192xi32>
    %roll3A_317 = arith.constant 8191 : i32
    %roll3A_318 = tpu.dynamic_rotate %select_n3A_306 by %roll3A_317 dim 1 : vector<4x8192xi32>, i32 -> vector<4x8192xi32>
    %roll3A_319 = arith.constant 1 : i32
    %roll3A_320 = tpu.dynamic_rotate %select_n3A_306 by %roll3A_319 dim 1 : vector<4x8192xi32>, i32 -> vector<4x8192xi32>
    %and3A_321 = arith.constant 1 : i32
    %and3A_322 = vector.broadcast %and3A_321 : i32 to vector<4x8192xi32>
    %and3A_323 = arith.andi %iota3A_6, %and3A_322 : vector<4x8192xi32>
    %ne3A_324 = arith.constant 0 : i32
    %ne3A_325 = vector.broadcast %ne3A_324 : i32 to vector<4x8192xi32>
    %ne3A_326 = arith.cmpi ne, %and3A_323, %ne3A_325 : vector<4x8192xi32>
    %select_n3A_327 = arith.select %ne3A_326, %roll3A_316, %roll3A_314 : vector<4x8192xi1>, vector<4x8192xi32>
    %select_n3A_328 = arith.select %ne3A_326, %roll3A_320, %roll3A_318 : vector<4x8192xi1>, vector<4x8192xi32>
    %select_n3A_329 = arith.select %ne3A_326, %select_n3A_327, %select_n3A_305 : vector<4x8192xi1>, vector<4x8192xi32>
    %select_n3A_330 = arith.select %ne3A_326, %select_n3A_305, %select_n3A_327 : vector<4x8192xi1>, vector<4x8192xi32>
    %select_n3A_331 = arith.select %ne3A_326, %select_n3A_328, %select_n3A_306 : vector<4x8192xi1>, vector<4x8192xi32>
    %select_n3A_332 = arith.select %ne3A_326, %select_n3A_306, %select_n3A_328 : vector<4x8192xi1>, vector<4x8192xi32>
    %gt3A_333 = arith.cmpi sgt, %select_n3A_329, %select_n3A_330 : vector<4x8192xi32>
    %eq3A_334 = arith.cmpi eq, %select_n3A_329, %select_n3A_330 : vector<4x8192xi32>
    %lt3A_335 = arith.cmpi slt, %select_n3A_331, %select_n3A_332 : vector<4x8192xi32>
    %and3A_336 = arith.andi %eq3A_334, %lt3A_335 : vector<4x8192xi1>
    %or3A_337 = arith.ori %gt3A_333, %and3A_336 : vector<4x8192xi1>
    %xor3A_338 = arith.xori %or3A_337, %eq3A_312 : vector<4x8192xi1>
    %select_n3A_339 = arith.select %xor3A_338, %select_n3A_327, %select_n3A_305 : vector<4x8192xi1>, vector<4x8192xi32>
    %select_n3A_340 = arith.select %xor3A_338, %select_n3A_328, %select_n3A_306 : vector<4x8192xi1>, vector<4x8192xi32>
    %and3A_341 = arith.constant 32 : i32
    %and3A_342 = vector.broadcast %and3A_341 : i32 to vector<4x8192xi32>
    %and3A_343 = arith.andi %iota3A_6, %and3A_342 : vector<4x8192xi32>
    %eq3A_344 = arith.constant 0 : i32
    %eq3A_345 = vector.broadcast %eq3A_344 : i32 to vector<4x8192xi32>
    %eq3A_346 = arith.cmpi eq, %and3A_343, %eq3A_345 : vector<4x8192xi32>
    %roll3A_347 = arith.constant 8176 : i32
    %roll3A_348 = tpu.dynamic_rotate %select_n3A_339 by %roll3A_347 dim 1 : vector<4x8192xi32>, i32 -> vector<4x8192xi32>
    %roll3A_349 = arith.constant 16 : i32
    %roll3A_350 = tpu.dynamic_rotate %select_n3A_339 by %roll3A_349 dim 1 : vector<4x8192xi32>, i32 -> vector<4x8192xi32>
    %roll3A_351 = arith.constant 8176 : i32
    %roll3A_352 = tpu.dynamic_rotate %select_n3A_340 by %roll3A_351 dim 1 : vector<4x8192xi32>, i32 -> vector<4x8192xi32>
    %roll3A_353 = arith.constant 16 : i32
    %roll3A_354 = tpu.dynamic_rotate %select_n3A_340 by %roll3A_353 dim 1 : vector<4x8192xi32>, i32 -> vector<4x8192xi32>
    %and3A_355 = arith.constant 16 : i32
    %and3A_356 = vector.broadcast %and3A_355 : i32 to vector<4x8192xi32>
    %and3A_357 = arith.andi %iota3A_6, %and3A_356 : vector<4x8192xi32>
    %ne3A_358 = arith.constant 0 : i32
    %ne3A_359 = vector.broadcast %ne3A_358 : i32 to vector<4x8192xi32>
    %ne3A_360 = arith.cmpi ne, %and3A_357, %ne3A_359 : vector<4x8192xi32>
    %select_n3A_361 = arith.select %ne3A_360, %roll3A_350, %roll3A_348 : vector<4x8192xi1>, vector<4x8192xi32>
    %select_n3A_362 = arith.select %ne3A_360, %roll3A_354, %roll3A_352 : vector<4x8192xi1>, vector<4x8192xi32>
    %select_n3A_363 = arith.select %ne3A_360, %select_n3A_361, %select_n3A_339 : vector<4x8192xi1>, vector<4x8192xi32>
    %select_n3A_364 = arith.select %ne3A_360, %select_n3A_339, %select_n3A_361 : vector<4x8192xi1>, vector<4x8192xi32>
    %select_n3A_365 = arith.select %ne3A_360, %select_n3A_362, %select_n3A_340 : vector<4x8192xi1>, vector<4x8192xi32>
    %select_n3A_366 = arith.select %ne3A_360, %select_n3A_340, %select_n3A_362 : vector<4x8192xi1>, vector<4x8192xi32>
    %gt3A_367 = arith.cmpi sgt, %select_n3A_363, %select_n3A_364 : vector<4x8192xi32>
    %eq3A_368 = arith.cmpi eq, %select_n3A_363, %select_n3A_364 : vector<4x8192xi32>
    %lt3A_369 = arith.cmpi slt, %select_n3A_365, %select_n3A_366 : vector<4x8192xi32>
    %and3A_370 = arith.andi %eq3A_368, %lt3A_369 : vector<4x8192xi1>
    %or3A_371 = arith.ori %gt3A_367, %and3A_370 : vector<4x8192xi1>
    %xor3A_372 = arith.xori %or3A_371, %eq3A_346 : vector<4x8192xi1>
    %select_n3A_373 = arith.select %xor3A_372, %select_n3A_361, %select_n3A_339 : vector<4x8192xi1>, vector<4x8192xi32>
    %select_n3A_374 = arith.select %xor3A_372, %select_n3A_362, %select_n3A_340 : vector<4x8192xi1>, vector<4x8192xi32>
    %and3A_375 = arith.constant 32 : i32
    %and3A_376 = vector.broadcast %and3A_375 : i32 to vector<4x8192xi32>
    %and3A_377 = arith.andi %iota3A_6, %and3A_376 : vector<4x8192xi32>
    %eq3A_378 = arith.constant 0 : i32
    %eq3A_379 = vector.broadcast %eq3A_378 : i32 to vector<4x8192xi32>
    %eq3A_380 = arith.cmpi eq, %and3A_377, %eq3A_379 : vector<4x8192xi32>
    %roll3A_381 = arith.constant 8184 : i32
    %roll3A_382 = tpu.dynamic_rotate %select_n3A_373 by %roll3A_381 dim 1 : vector<4x8192xi32>, i32 -> vector<4x8192xi32>
    %roll3A_383 = arith.constant 8 : i32
    %roll3A_384 = tpu.dynamic_rotate %select_n3A_373 by %roll3A_383 dim 1 : vector<4x8192xi32>, i32 -> vector<4x8192xi32>
    %roll3A_385 = arith.constant 8184 : i32
    %roll3A_386 = tpu.dynamic_rotate %select_n3A_374 by %roll3A_385 dim 1 : vector<4x8192xi32>, i32 -> vector<4x8192xi32>
    %roll3A_387 = arith.constant 8 : i32
    %roll3A_388 = tpu.dynamic_rotate %select_n3A_374 by %roll3A_387 dim 1 : vector<4x8192xi32>, i32 -> vector<4x8192xi32>
    %and3A_389 = arith.constant 8 : i32
    %and3A_390 = vector.broadcast %and3A_389 : i32 to vector<4x8192xi32>
    %and3A_391 = arith.andi %iota3A_6, %and3A_390 : vector<4x8192xi32>
    %ne3A_392 = arith.constant 0 : i32
    %ne3A_393 = vector.broadcast %ne3A_392 : i32 to vector<4x8192xi32>
    %ne3A_394 = arith.cmpi ne, %and3A_391, %ne3A_393 : vector<4x8192xi32>
    %select_n3A_395 = arith.select %ne3A_394, %roll3A_384, %roll3A_382 : vector<4x8192xi1>, vector<4x8192xi32>
    %select_n3A_396 = arith.select %ne3A_394, %roll3A_388, %roll3A_386 : vector<4x8192xi1>, vector<4x8192xi32>
    %select_n3A_397 = arith.select %ne3A_394, %select_n3A_395, %select_n3A_373 : vector<4x8192xi1>, vector<4x8192xi32>
    %select_n3A_398 = arith.select %ne3A_394, %select_n3A_373, %select_n3A_395 : vector<4x8192xi1>, vector<4x8192xi32>
    %select_n3A_399 = arith.select %ne3A_394, %select_n3A_396, %select_n3A_374 : vector<4x8192xi1>, vector<4x8192xi32>
    %select_n3A_400 = arith.select %ne3A_394, %select_n3A_374, %select_n3A_396 : vector<4x8192xi1>, vector<4x8192xi32>
    %gt3A_401 = arith.cmpi sgt, %select_n3A_397, %select_n3A_398 : vector<4x8192xi32>
    %eq3A_402 = arith.cmpi eq, %select_n3A_397, %select_n3A_398 : vector<4x8192xi32>
    %lt3A_403 = arith.cmpi slt, %select_n3A_399, %select_n3A_400 : vector<4x8192xi32>
    %and3A_404 = arith.andi %eq3A_402, %lt3A_403 : vector<4x8192xi1>
    %or3A_405 = arith.ori %gt3A_401, %and3A_404 : vector<4x8192xi1>
    %xor3A_406 = arith.xori %or3A_405, %eq3A_380 : vector<4x8192xi1>
    %select_n3A_407 = arith.select %xor3A_406, %select_n3A_395, %select_n3A_373 : vector<4x8192xi1>, vector<4x8192xi32>
    %select_n3A_408 = arith.select %xor3A_406, %select_n3A_396, %select_n3A_374 : vector<4x8192xi1>, vector<4x8192xi32>
    %and3A_409 = arith.constant 32 : i32
    %and3A_410 = vector.broadcast %and3A_409 : i32 to vector<4x8192xi32>
    %and3A_411 = arith.andi %iota3A_6, %and3A_410 : vector<4x8192xi32>
    %eq3A_412 = arith.constant 0 : i32
    %eq3A_413 = vector.broadcast %eq3A_412 : i32 to vector<4x8192xi32>
    %eq3A_414 = arith.cmpi eq, %and3A_411, %eq3A_413 : vector<4x8192xi32>
    %roll3A_415 = arith.constant 8188 : i32
    %roll3A_416 = tpu.dynamic_rotate %select_n3A_407 by %roll3A_415 dim 1 : vector<4x8192xi32>, i32 -> vector<4x8192xi32>
    %roll3A_417 = arith.constant 4 : i32
    %roll3A_418 = tpu.dynamic_rotate %select_n3A_407 by %roll3A_417 dim 1 : vector<4x8192xi32>, i32 -> vector<4x8192xi32>
    %roll3A_419 = arith.constant 8188 : i32
    %roll3A_420 = tpu.dynamic_rotate %select_n3A_408 by %roll3A_419 dim 1 : vector<4x8192xi32>, i32 -> vector<4x8192xi32>
    %roll3A_421 = arith.constant 4 : i32
    %roll3A_422 = tpu.dynamic_rotate %select_n3A_408 by %roll3A_421 dim 1 : vector<4x8192xi32>, i32 -> vector<4x8192xi32>
    %and3A_423 = arith.constant 4 : i32
    %and3A_424 = vector.broadcast %and3A_423 : i32 to vector<4x8192xi32>
    %and3A_425 = arith.andi %iota3A_6, %and3A_424 : vector<4x8192xi32>
    %ne3A_426 = arith.constant 0 : i32
    %ne3A_427 = vector.broadcast %ne3A_426 : i32 to vector<4x8192xi32>
    %ne3A_428 = arith.cmpi ne, %and3A_425, %ne3A_427 : vector<4x8192xi32>
    %select_n3A_429 = arith.select %ne3A_428, %roll3A_418, %roll3A_416 : vector<4x8192xi1>, vector<4x8192xi32>
    %select_n3A_430 = arith.select %ne3A_428, %roll3A_422, %roll3A_420 : vector<4x8192xi1>, vector<4x8192xi32>
    %select_n3A_431 = arith.select %ne3A_428, %select_n3A_429, %select_n3A_407 : vector<4x8192xi1>, vector<4x8192xi32>
    %select_n3A_432 = arith.select %ne3A_428, %select_n3A_407, %select_n3A_429 : vector<4x8192xi1>, vector<4x8192xi32>
    %select_n3A_433 = arith.select %ne3A_428, %select_n3A_430, %select_n3A_408 : vector<4x8192xi1>, vector<4x8192xi32>
    %select_n3A_434 = arith.select %ne3A_428, %select_n3A_408, %select_n3A_430 : vector<4x8192xi1>, vector<4x8192xi32>
    %gt3A_435 = arith.cmpi sgt, %select_n3A_431, %select_n3A_432 : vector<4x8192xi32>
    %eq3A_436 = arith.cmpi eq, %select_n3A_431, %select_n3A_432 : vector<4x8192xi32>
    %lt3A_437 = arith.cmpi slt, %select_n3A_433, %select_n3A_434 : vector<4x8192xi32>
    %and3A_438 = arith.andi %eq3A_436, %lt3A_437 : vector<4x8192xi1>
    %or3A_439 = arith.ori %gt3A_435, %and3A_438 : vector<4x8192xi1>
    %xor3A_440 = arith.xori %or3A_439, %eq3A_414 : vector<4x8192xi1>
    %select_n3A_441 = arith.select %xor3A_440, %select_n3A_429, %select_n3A_407 : vector<4x8192xi1>, vector<4x8192xi32>
    %select_n3A_442 = arith.select %xor3A_440, %select_n3A_430, %select_n3A_408 : vector<4x8192xi1>, vector<4x8192xi32>
    %and3A_443 = arith.constant 32 : i32
    %and3A_444 = vector.broadcast %and3A_443 : i32 to vector<4x8192xi32>
    %and3A_445 = arith.andi %iota3A_6, %and3A_444 : vector<4x8192xi32>
    %eq3A_446 = arith.constant 0 : i32
    %eq3A_447 = vector.broadcast %eq3A_446 : i32 to vector<4x8192xi32>
    %eq3A_448 = arith.cmpi eq, %and3A_445, %eq3A_447 : vector<4x8192xi32>
    %roll3A_449 = arith.constant 8190 : i32
    %roll3A_450 = tpu.dynamic_rotate %select_n3A_441 by %roll3A_449 dim 1 : vector<4x8192xi32>, i32 -> vector<4x8192xi32>
    %roll3A_451 = arith.constant 2 : i32
    %roll3A_452 = tpu.dynamic_rotate %select_n3A_441 by %roll3A_451 dim 1 : vector<4x8192xi32>, i32 -> vector<4x8192xi32>
    %roll3A_453 = arith.constant 8190 : i32
    %roll3A_454 = tpu.dynamic_rotate %select_n3A_442 by %roll3A_453 dim 1 : vector<4x8192xi32>, i32 -> vector<4x8192xi32>
    %roll3A_455 = arith.constant 2 : i32
    %roll3A_456 = tpu.dynamic_rotate %select_n3A_442 by %roll3A_455 dim 1 : vector<4x8192xi32>, i32 -> vector<4x8192xi32>
    %and3A_457 = arith.constant 2 : i32
    %and3A_458 = vector.broadcast %and3A_457 : i32 to vector<4x8192xi32>
    %and3A_459 = arith.andi %iota3A_6, %and3A_458 : vector<4x8192xi32>
    %ne3A_460 = arith.constant 0 : i32
    %ne3A_461 = vector.broadcast %ne3A_460 : i32 to vector<4x8192xi32>
    %ne3A_462 = arith.cmpi ne, %and3A_459, %ne3A_461 : vector<4x8192xi32>
    %select_n3A_463 = arith.select %ne3A_462, %roll3A_452, %roll3A_450 : vector<4x8192xi1>, vector<4x8192xi32>
    %select_n3A_464 = arith.select %ne3A_462, %roll3A_456, %roll3A_454 : vector<4x8192xi1>, vector<4x8192xi32>
    %select_n3A_465 = arith.select %ne3A_462, %select_n3A_463, %select_n3A_441 : vector<4x8192xi1>, vector<4x8192xi32>
    %select_n3A_466 = arith.select %ne3A_462, %select_n3A_441, %select_n3A_463 : vector<4x8192xi1>, vector<4x8192xi32>
    %select_n3A_467 = arith.select %ne3A_462, %select_n3A_464, %select_n3A_442 : vector<4x8192xi1>, vector<4x8192xi32>
    %select_n3A_468 = arith.select %ne3A_462, %select_n3A_442, %select_n3A_464 : vector<4x8192xi1>, vector<4x8192xi32>
    %gt3A_469 = arith.cmpi sgt, %select_n3A_465, %select_n3A_466 : vector<4x8192xi32>
    %eq3A_470 = arith.cmpi eq, %select_n3A_465, %select_n3A_466 : vector<4x8192xi32>
    %lt3A_471 = arith.cmpi slt, %select_n3A_467, %select_n3A_468 : vector<4x8192xi32>
    %and3A_472 = arith.andi %eq3A_470, %lt3A_471 : vector<4x8192xi1>
    %or3A_473 = arith.ori %gt3A_469, %and3A_472 : vector<4x8192xi1>
    %xor3A_474 = arith.xori %or3A_473, %eq3A_448 : vector<4x8192xi1>
    %select_n3A_475 = arith.select %xor3A_474, %select_n3A_463, %select_n3A_441 : vector<4x8192xi1>, vector<4x8192xi32>
    %select_n3A_476 = arith.select %xor3A_474, %select_n3A_464, %select_n3A_442 : vector<4x8192xi1>, vector<4x8192xi32>
    %and3A_477 = arith.constant 32 : i32
    %and3A_478 = vector.broadcast %and3A_477 : i32 to vector<4x8192xi32>
    %and3A_479 = arith.andi %iota3A_6, %and3A_478 : vector<4x8192xi32>
    %eq3A_480 = arith.constant 0 : i32
    %eq3A_481 = vector.broadcast %eq3A_480 : i32 to vector<4x8192xi32>
    %eq3A_482 = arith.cmpi eq, %and3A_479, %eq3A_481 : vector<4x8192xi32>
    %roll3A_483 = arith.constant 8191 : i32
    %roll3A_484 = tpu.dynamic_rotate %select_n3A_475 by %roll3A_483 dim 1 : vector<4x8192xi32>, i32 -> vector<4x8192xi32>
    %roll3A_485 = arith.constant 1 : i32
    %roll3A_486 = tpu.dynamic_rotate %select_n3A_475 by %roll3A_485 dim 1 : vector<4x8192xi32>, i32 -> vector<4x8192xi32>
    %roll3A_487 = arith.constant 8191 : i32
    %roll3A_488 = tpu.dynamic_rotate %select_n3A_476 by %roll3A_487 dim 1 : vector<4x8192xi32>, i32 -> vector<4x8192xi32>
    %roll3A_489 = arith.constant 1 : i32
    %roll3A_490 = tpu.dynamic_rotate %select_n3A_476 by %roll3A_489 dim 1 : vector<4x8192xi32>, i32 -> vector<4x8192xi32>
    %and3A_491 = arith.constant 1 : i32
    %and3A_492 = vector.broadcast %and3A_491 : i32 to vector<4x8192xi32>
    %and3A_493 = arith.andi %iota3A_6, %and3A_492 : vector<4x8192xi32>
    %ne3A_494 = arith.constant 0 : i32
    %ne3A_495 = vector.broadcast %ne3A_494 : i32 to vector<4x8192xi32>
    %ne3A_496 = arith.cmpi ne, %and3A_493, %ne3A_495 : vector<4x8192xi32>
    %select_n3A_497 = arith.select %ne3A_496, %roll3A_486, %roll3A_484 : vector<4x8192xi1>, vector<4x8192xi32>
    %select_n3A_498 = arith.select %ne3A_496, %roll3A_490, %roll3A_488 : vector<4x8192xi1>, vector<4x8192xi32>
    %select_n3A_499 = arith.select %ne3A_496, %select_n3A_497, %select_n3A_475 : vector<4x8192xi1>, vector<4x8192xi32>
    %select_n3A_500 = arith.select %ne3A_496, %select_n3A_475, %select_n3A_497 : vector<4x8192xi1>, vector<4x8192xi32>
    %select_n3A_501 = arith.select %ne3A_496, %select_n3A_498, %select_n3A_476 : vector<4x8192xi1>, vector<4x8192xi32>
    %select_n3A_502 = arith.select %ne3A_496, %select_n3A_476, %select_n3A_498 : vector<4x8192xi1>, vector<4x8192xi32>
    %gt3A_503 = arith.cmpi sgt, %select_n3A_499, %select_n3A_500 : vector<4x8192xi32>
    %eq3A_504 = arith.cmpi eq, %select_n3A_499, %select_n3A_500 : vector<4x8192xi32>
    %lt3A_505 = arith.cmpi slt, %select_n3A_501, %select_n3A_502 : vector<4x8192xi32>
    %and3A_506 = arith.andi %eq3A_504, %lt3A_505 : vector<4x8192xi1>
    %or3A_507 = arith.ori %gt3A_503, %and3A_506 : vector<4x8192xi1>
    %xor3A_508 = arith.xori %or3A_507, %eq3A_482 : vector<4x8192xi1>
    %select_n3A_509 = arith.select %xor3A_508, %select_n3A_497, %select_n3A_475 : vector<4x8192xi1>, vector<4x8192xi32>
    %select_n3A_510 = arith.select %xor3A_508, %select_n3A_498, %select_n3A_476 : vector<4x8192xi1>, vector<4x8192xi32>
    %and3A_511 = arith.constant 64 : i32
    %and3A_512 = vector.broadcast %and3A_511 : i32 to vector<4x8192xi32>
    %and3A_513 = arith.andi %iota3A_6, %and3A_512 : vector<4x8192xi32>
    %eq3A_514 = arith.constant 0 : i32
    %eq3A_515 = vector.broadcast %eq3A_514 : i32 to vector<4x8192xi32>
    %eq3A_516 = arith.cmpi eq, %and3A_513, %eq3A_515 : vector<4x8192xi32>
    %roll3A_517 = arith.constant 8160 : i32
    %roll3A_518 = tpu.dynamic_rotate %select_n3A_509 by %roll3A_517 dim 1 : vector<4x8192xi32>, i32 -> vector<4x8192xi32>
    %roll3A_519 = arith.constant 32 : i32
    %roll3A_520 = tpu.dynamic_rotate %select_n3A_509 by %roll3A_519 dim 1 : vector<4x8192xi32>, i32 -> vector<4x8192xi32>
    %roll3A_521 = arith.constant 8160 : i32
    %roll3A_522 = tpu.dynamic_rotate %select_n3A_510 by %roll3A_521 dim 1 : vector<4x8192xi32>, i32 -> vector<4x8192xi32>
    %roll3A_523 = arith.constant 32 : i32
    %roll3A_524 = tpu.dynamic_rotate %select_n3A_510 by %roll3A_523 dim 1 : vector<4x8192xi32>, i32 -> vector<4x8192xi32>
    %and3A_525 = arith.constant 32 : i32
    %and3A_526 = vector.broadcast %and3A_525 : i32 to vector<4x8192xi32>
    %and3A_527 = arith.andi %iota3A_6, %and3A_526 : vector<4x8192xi32>
    %ne3A_528 = arith.constant 0 : i32
    %ne3A_529 = vector.broadcast %ne3A_528 : i32 to vector<4x8192xi32>
    %ne3A_530 = arith.cmpi ne, %and3A_527, %ne3A_529 : vector<4x8192xi32>
    %select_n3A_531 = arith.select %ne3A_530, %roll3A_520, %roll3A_518 : vector<4x8192xi1>, vector<4x8192xi32>
    %select_n3A_532 = arith.select %ne3A_530, %roll3A_524, %roll3A_522 : vector<4x8192xi1>, vector<4x8192xi32>
    %select_n3A_533 = arith.select %ne3A_530, %select_n3A_531, %select_n3A_509 : vector<4x8192xi1>, vector<4x8192xi32>
    %select_n3A_534 = arith.select %ne3A_530, %select_n3A_509, %select_n3A_531 : vector<4x8192xi1>, vector<4x8192xi32>
    %select_n3A_535 = arith.select %ne3A_530, %select_n3A_532, %select_n3A_510 : vector<4x8192xi1>, vector<4x8192xi32>
    %select_n3A_536 = arith.select %ne3A_530, %select_n3A_510, %select_n3A_532 : vector<4x8192xi1>, vector<4x8192xi32>
    %gt3A_537 = arith.cmpi sgt, %select_n3A_533, %select_n3A_534 : vector<4x8192xi32>
    %eq3A_538 = arith.cmpi eq, %select_n3A_533, %select_n3A_534 : vector<4x8192xi32>
    %lt3A_539 = arith.cmpi slt, %select_n3A_535, %select_n3A_536 : vector<4x8192xi32>
    %and3A_540 = arith.andi %eq3A_538, %lt3A_539 : vector<4x8192xi1>
    %or3A_541 = arith.ori %gt3A_537, %and3A_540 : vector<4x8192xi1>
    %xor3A_542 = arith.xori %or3A_541, %eq3A_516 : vector<4x8192xi1>
    %select_n3A_543 = arith.select %xor3A_542, %select_n3A_531, %select_n3A_509 : vector<4x8192xi1>, vector<4x8192xi32>
    %select_n3A_544 = arith.select %xor3A_542, %select_n3A_532, %select_n3A_510 : vector<4x8192xi1>, vector<4x8192xi32>
    %and3A_545 = arith.constant 64 : i32
    %and3A_546 = vector.broadcast %and3A_545 : i32 to vector<4x8192xi32>
    %and3A_547 = arith.andi %iota3A_6, %and3A_546 : vector<4x8192xi32>
    %eq3A_548 = arith.constant 0 : i32
    %eq3A_549 = vector.broadcast %eq3A_548 : i32 to vector<4x8192xi32>
    %eq3A_550 = arith.cmpi eq, %and3A_547, %eq3A_549 : vector<4x8192xi32>
    %roll3A_551 = arith.constant 8176 : i32
    %roll3A_552 = tpu.dynamic_rotate %select_n3A_543 by %roll3A_551 dim 1 : vector<4x8192xi32>, i32 -> vector<4x8192xi32>
    %roll3A_553 = arith.constant 16 : i32
    %roll3A_554 = tpu.dynamic_rotate %select_n3A_543 by %roll3A_553 dim 1 : vector<4x8192xi32>, i32 -> vector<4x8192xi32>
    %roll3A_555 = arith.constant 8176 : i32
    %roll3A_556 = tpu.dynamic_rotate %select_n3A_544 by %roll3A_555 dim 1 : vector<4x8192xi32>, i32 -> vector<4x8192xi32>
    %roll3A_557 = arith.constant 16 : i32
    %roll3A_558 = tpu.dynamic_rotate %select_n3A_544 by %roll3A_557 dim 1 : vector<4x8192xi32>, i32 -> vector<4x8192xi32>
    %and3A_559 = arith.constant 16 : i32
    %and3A_560 = vector.broadcast %and3A_559 : i32 to vector<4x8192xi32>
    %and3A_561 = arith.andi %iota3A_6, %and3A_560 : vector<4x8192xi32>
    %ne3A_562 = arith.constant 0 : i32
    %ne3A_563 = vector.broadcast %ne3A_562 : i32 to vector<4x8192xi32>
    %ne3A_564 = arith.cmpi ne, %and3A_561, %ne3A_563 : vector<4x8192xi32>
    %select_n3A_565 = arith.select %ne3A_564, %roll3A_554, %roll3A_552 : vector<4x8192xi1>, vector<4x8192xi32>
    %select_n3A_566 = arith.select %ne3A_564, %roll3A_558, %roll3A_556 : vector<4x8192xi1>, vector<4x8192xi32>
    %select_n3A_567 = arith.select %ne3A_564, %select_n3A_565, %select_n3A_543 : vector<4x8192xi1>, vector<4x8192xi32>
    %select_n3A_568 = arith.select %ne3A_564, %select_n3A_543, %select_n3A_565 : vector<4x8192xi1>, vector<4x8192xi32>
    %select_n3A_569 = arith.select %ne3A_564, %select_n3A_566, %select_n3A_544 : vector<4x8192xi1>, vector<4x8192xi32>
    %select_n3A_570 = arith.select %ne3A_564, %select_n3A_544, %select_n3A_566 : vector<4x8192xi1>, vector<4x8192xi32>
    %gt3A_571 = arith.cmpi sgt, %select_n3A_567, %select_n3A_568 : vector<4x8192xi32>
    %eq3A_572 = arith.cmpi eq, %select_n3A_567, %select_n3A_568 : vector<4x8192xi32>
    %lt3A_573 = arith.cmpi slt, %select_n3A_569, %select_n3A_570 : vector<4x8192xi32>
    %and3A_574 = arith.andi %eq3A_572, %lt3A_573 : vector<4x8192xi1>
    %or3A_575 = arith.ori %gt3A_571, %and3A_574 : vector<4x8192xi1>
    %xor3A_576 = arith.xori %or3A_575, %eq3A_550 : vector<4x8192xi1>
    %select_n3A_577 = arith.select %xor3A_576, %select_n3A_565, %select_n3A_543 : vector<4x8192xi1>, vector<4x8192xi32>
    %select_n3A_578 = arith.select %xor3A_576, %select_n3A_566, %select_n3A_544 : vector<4x8192xi1>, vector<4x8192xi32>
    %and3A_579 = arith.constant 64 : i32
    %and3A_580 = vector.broadcast %and3A_579 : i32 to vector<4x8192xi32>
    %and3A_581 = arith.andi %iota3A_6, %and3A_580 : vector<4x8192xi32>
    %eq3A_582 = arith.constant 0 : i32
    %eq3A_583 = vector.broadcast %eq3A_582 : i32 to vector<4x8192xi32>
    %eq3A_584 = arith.cmpi eq, %and3A_581, %eq3A_583 : vector<4x8192xi32>
    %roll3A_585 = arith.constant 8184 : i32
    %roll3A_586 = tpu.dynamic_rotate %select_n3A_577 by %roll3A_585 dim 1 : vector<4x8192xi32>, i32 -> vector<4x8192xi32>
    %roll3A_587 = arith.constant 8 : i32
    %roll3A_588 = tpu.dynamic_rotate %select_n3A_577 by %roll3A_587 dim 1 : vector<4x8192xi32>, i32 -> vector<4x8192xi32>
    %roll3A_589 = arith.constant 8184 : i32
    %roll3A_590 = tpu.dynamic_rotate %select_n3A_578 by %roll3A_589 dim 1 : vector<4x8192xi32>, i32 -> vector<4x8192xi32>
    %roll3A_591 = arith.constant 8 : i32
    %roll3A_592 = tpu.dynamic_rotate %select_n3A_578 by %roll3A_591 dim 1 : vector<4x8192xi32>, i32 -> vector<4x8192xi32>
    %and3A_593 = arith.constant 8 : i32
    %and3A_594 = vector.broadcast %and3A_593 : i32 to vector<4x8192xi32>
    %and3A_595 = arith.andi %iota3A_6, %and3A_594 : vector<4x8192xi32>
    %ne3A_596 = arith.constant 0 : i32
    %ne3A_597 = vector.broadcast %ne3A_596 : i32 to vector<4x8192xi32>
    %ne3A_598 = arith.cmpi ne, %and3A_595, %ne3A_597 : vector<4x8192xi32>
    %select_n3A_599 = arith.select %ne3A_598, %roll3A_588, %roll3A_586 : vector<4x8192xi1>, vector<4x8192xi32>
    %select_n3A_600 = arith.select %ne3A_598, %roll3A_592, %roll3A_590 : vector<4x8192xi1>, vector<4x8192xi32>
    %select_n3A_601 = arith.select %ne3A_598, %select_n3A_599, %select_n3A_577 : vector<4x8192xi1>, vector<4x8192xi32>
    %select_n3A_602 = arith.select %ne3A_598, %select_n3A_577, %select_n3A_599 : vector<4x8192xi1>, vector<4x8192xi32>
    %select_n3A_603 = arith.select %ne3A_598, %select_n3A_600, %select_n3A_578 : vector<4x8192xi1>, vector<4x8192xi32>
    %select_n3A_604 = arith.select %ne3A_598, %select_n3A_578, %select_n3A_600 : vector<4x8192xi1>, vector<4x8192xi32>
    %gt3A_605 = arith.cmpi sgt, %select_n3A_601, %select_n3A_602 : vector<4x8192xi32>
    %eq3A_606 = arith.cmpi eq, %select_n3A_601, %select_n3A_602 : vector<4x8192xi32>
    %lt3A_607 = arith.cmpi slt, %select_n3A_603, %select_n3A_604 : vector<4x8192xi32>
    %and3A_608 = arith.andi %eq3A_606, %lt3A_607 : vector<4x8192xi1>
    %or3A_609 = arith.ori %gt3A_605, %and3A_608 : vector<4x8192xi1>
    %xor3A_610 = arith.xori %or3A_609, %eq3A_584 : vector<4x8192xi1>
    %select_n3A_611 = arith.select %xor3A_610, %select_n3A_599, %select_n3A_577 : vector<4x8192xi1>, vector<4x8192xi32>
    %select_n3A_612 = arith.select %xor3A_610, %select_n3A_600, %select_n3A_578 : vector<4x8192xi1>, vector<4x8192xi32>
    %and3A_613 = arith.constant 64 : i32
    %and3A_614 = vector.broadcast %and3A_613 : i32 to vector<4x8192xi32>
    %and3A_615 = arith.andi %iota3A_6, %and3A_614 : vector<4x8192xi32>
    %eq3A_616 = arith.constant 0 : i32
    %eq3A_617 = vector.broadcast %eq3A_616 : i32 to vector<4x8192xi32>
    %eq3A_618 = arith.cmpi eq, %and3A_615, %eq3A_617 : vector<4x8192xi32>
    %roll3A_619 = arith.constant 8188 : i32
    %roll3A_620 = tpu.dynamic_rotate %select_n3A_611 by %roll3A_619 dim 1 : vector<4x8192xi32>, i32 -> vector<4x8192xi32>
    %roll3A_621 = arith.constant 4 : i32
    %roll3A_622 = tpu.dynamic_rotate %select_n3A_611 by %roll3A_621 dim 1 : vector<4x8192xi32>, i32 -> vector<4x8192xi32>
    %roll3A_623 = arith.constant 8188 : i32
    %roll3A_624 = tpu.dynamic_rotate %select_n3A_612 by %roll3A_623 dim 1 : vector<4x8192xi32>, i32 -> vector<4x8192xi32>
    %roll3A_625 = arith.constant 4 : i32
    %roll3A_626 = tpu.dynamic_rotate %select_n3A_612 by %roll3A_625 dim 1 : vector<4x8192xi32>, i32 -> vector<4x8192xi32>
    %and3A_627 = arith.constant 4 : i32
    %and3A_628 = vector.broadcast %and3A_627 : i32 to vector<4x8192xi32>
    %and3A_629 = arith.andi %iota3A_6, %and3A_628 : vector<4x8192xi32>
    %ne3A_630 = arith.constant 0 : i32
    %ne3A_631 = vector.broadcast %ne3A_630 : i32 to vector<4x8192xi32>
    %ne3A_632 = arith.cmpi ne, %and3A_629, %ne3A_631 : vector<4x8192xi32>
    %select_n3A_633 = arith.select %ne3A_632, %roll3A_622, %roll3A_620 : vector<4x8192xi1>, vector<4x8192xi32>
    %select_n3A_634 = arith.select %ne3A_632, %roll3A_626, %roll3A_624 : vector<4x8192xi1>, vector<4x8192xi32>
    %select_n3A_635 = arith.select %ne3A_632, %select_n3A_633, %select_n3A_611 : vector<4x8192xi1>, vector<4x8192xi32>
    %select_n3A_636 = arith.select %ne3A_632, %select_n3A_611, %select_n3A_633 : vector<4x8192xi1>, vector<4x8192xi32>
    %select_n3A_637 = arith.select %ne3A_632, %select_n3A_634, %select_n3A_612 : vector<4x8192xi1>, vector<4x8192xi32>
    %select_n3A_638 = arith.select %ne3A_632, %select_n3A_612, %select_n3A_634 : vector<4x8192xi1>, vector<4x8192xi32>
    %gt3A_639 = arith.cmpi sgt, %select_n3A_635, %select_n3A_636 : vector<4x8192xi32>
    %eq3A_640 = arith.cmpi eq, %select_n3A_635, %select_n3A_636 : vector<4x8192xi32>
    %lt3A_641 = arith.cmpi slt, %select_n3A_637, %select_n3A_638 : vector<4x8192xi32>
    %and3A_642 = arith.andi %eq3A_640, %lt3A_641 : vector<4x8192xi1>
    %or3A_643 = arith.ori %gt3A_639, %and3A_642 : vector<4x8192xi1>
    %xor3A_644 = arith.xori %or3A_643, %eq3A_618 : vector<4x8192xi1>
    %select_n3A_645 = arith.select %xor3A_644, %select_n3A_633, %select_n3A_611 : vector<4x8192xi1>, vector<4x8192xi32>
    %select_n3A_646 = arith.select %xor3A_644, %select_n3A_634, %select_n3A_612 : vector<4x8192xi1>, vector<4x8192xi32>
    %and3A_647 = arith.constant 64 : i32
    %and3A_648 = vector.broadcast %and3A_647 : i32 to vector<4x8192xi32>
    %and3A_649 = arith.andi %iota3A_6, %and3A_648 : vector<4x8192xi32>
    %eq3A_650 = arith.constant 0 : i32
    %eq3A_651 = vector.broadcast %eq3A_650 : i32 to vector<4x8192xi32>
    %eq3A_652 = arith.cmpi eq, %and3A_649, %eq3A_651 : vector<4x8192xi32>
    %roll3A_653 = arith.constant 8190 : i32
    %roll3A_654 = tpu.dynamic_rotate %select_n3A_645 by %roll3A_653 dim 1 : vector<4x8192xi32>, i32 -> vector<4x8192xi32>
    %roll3A_655 = arith.constant 2 : i32
    %roll3A_656 = tpu.dynamic_rotate %select_n3A_645 by %roll3A_655 dim 1 : vector<4x8192xi32>, i32 -> vector<4x8192xi32>
    %roll3A_657 = arith.constant 8190 : i32
    %roll3A_658 = tpu.dynamic_rotate %select_n3A_646 by %roll3A_657 dim 1 : vector<4x8192xi32>, i32 -> vector<4x8192xi32>
    %roll3A_659 = arith.constant 2 : i32
    %roll3A_660 = tpu.dynamic_rotate %select_n3A_646 by %roll3A_659 dim 1 : vector<4x8192xi32>, i32 -> vector<4x8192xi32>
    %and3A_661 = arith.constant 2 : i32
    %and3A_662 = vector.broadcast %and3A_661 : i32 to vector<4x8192xi32>
    %and3A_663 = arith.andi %iota3A_6, %and3A_662 : vector<4x8192xi32>
    %ne3A_664 = arith.constant 0 : i32
    %ne3A_665 = vector.broadcast %ne3A_664 : i32 to vector<4x8192xi32>
    %ne3A_666 = arith.cmpi ne, %and3A_663, %ne3A_665 : vector<4x8192xi32>
    %select_n3A_667 = arith.select %ne3A_666, %roll3A_656, %roll3A_654 : vector<4x8192xi1>, vector<4x8192xi32>
    %select_n3A_668 = arith.select %ne3A_666, %roll3A_660, %roll3A_658 : vector<4x8192xi1>, vector<4x8192xi32>
    %select_n3A_669 = arith.select %ne3A_666, %select_n3A_667, %select_n3A_645 : vector<4x8192xi1>, vector<4x8192xi32>
    %select_n3A_670 = arith.select %ne3A_666, %select_n3A_645, %select_n3A_667 : vector<4x8192xi1>, vector<4x8192xi32>
    %select_n3A_671 = arith.select %ne3A_666, %select_n3A_668, %select_n3A_646 : vector<4x8192xi1>, vector<4x8192xi32>
    %select_n3A_672 = arith.select %ne3A_666, %select_n3A_646, %select_n3A_668 : vector<4x8192xi1>, vector<4x8192xi32>
    %gt3A_673 = arith.cmpi sgt, %select_n3A_669, %select_n3A_670 : vector<4x8192xi32>
    %eq3A_674 = arith.cmpi eq, %select_n3A_669, %select_n3A_670 : vector<4x8192xi32>
    %lt3A_675 = arith.cmpi slt, %select_n3A_671, %select_n3A_672 : vector<4x8192xi32>
    %and3A_676 = arith.andi %eq3A_674, %lt3A_675 : vector<4x8192xi1>
    %or3A_677 = arith.ori %gt3A_673, %and3A_676 : vector<4x8192xi1>
    %xor3A_678 = arith.xori %or3A_677, %eq3A_652 : vector<4x8192xi1>
    %select_n3A_679 = arith.select %xor3A_678, %select_n3A_667, %select_n3A_645 : vector<4x8192xi1>, vector<4x8192xi32>
    %select_n3A_680 = arith.select %xor3A_678, %select_n3A_668, %select_n3A_646 : vector<4x8192xi1>, vector<4x8192xi32>
    %and3A_681 = arith.constant 64 : i32
    %and3A_682 = vector.broadcast %and3A_681 : i32 to vector<4x8192xi32>
    %and3A_683 = arith.andi %iota3A_6, %and3A_682 : vector<4x8192xi32>
    %eq3A_684 = arith.constant 0 : i32
    %eq3A_685 = vector.broadcast %eq3A_684 : i32 to vector<4x8192xi32>
    %eq3A_686 = arith.cmpi eq, %and3A_683, %eq3A_685 : vector<4x8192xi32>
    %roll3A_687 = arith.constant 8191 : i32
    %roll3A_688 = tpu.dynamic_rotate %select_n3A_679 by %roll3A_687 dim 1 : vector<4x8192xi32>, i32 -> vector<4x8192xi32>
    %roll3A_689 = arith.constant 1 : i32
    %roll3A_690 = tpu.dynamic_rotate %select_n3A_679 by %roll3A_689 dim 1 : vector<4x8192xi32>, i32 -> vector<4x8192xi32>
    %roll3A_691 = arith.constant 8191 : i32
    %roll3A_692 = tpu.dynamic_rotate %select_n3A_680 by %roll3A_691 dim 1 : vector<4x8192xi32>, i32 -> vector<4x8192xi32>
    %roll3A_693 = arith.constant 1 : i32
    %roll3A_694 = tpu.dynamic_rotate %select_n3A_680 by %roll3A_693 dim 1 : vector<4x8192xi32>, i32 -> vector<4x8192xi32>
    %and3A_695 = arith.constant 1 : i32
    %and3A_696 = vector.broadcast %and3A_695 : i32 to vector<4x8192xi32>
    %and3A_697 = arith.andi %iota3A_6, %and3A_696 : vector<4x8192xi32>
    %ne3A_698 = arith.constant 0 : i32
    %ne3A_699 = vector.broadcast %ne3A_698 : i32 to vector<4x8192xi32>
    %ne3A_700 = arith.cmpi ne, %and3A_697, %ne3A_699 : vector<4x8192xi32>
    %select_n3A_701 = arith.select %ne3A_700, %roll3A_690, %roll3A_688 : vector<4x8192xi1>, vector<4x8192xi32>
    %select_n3A_702 = arith.select %ne3A_700, %roll3A_694, %roll3A_692 : vector<4x8192xi1>, vector<4x8192xi32>
    %select_n3A_703 = arith.select %ne3A_700, %select_n3A_701, %select_n3A_679 : vector<4x8192xi1>, vector<4x8192xi32>
    %select_n3A_704 = arith.select %ne3A_700, %select_n3A_679, %select_n3A_701 : vector<4x8192xi1>, vector<4x8192xi32>
    %select_n3A_705 = arith.select %ne3A_700, %select_n3A_702, %select_n3A_680 : vector<4x8192xi1>, vector<4x8192xi32>
    %select_n3A_706 = arith.select %ne3A_700, %select_n3A_680, %select_n3A_702 : vector<4x8192xi1>, vector<4x8192xi32>
    %gt3A_707 = arith.cmpi sgt, %select_n3A_703, %select_n3A_704 : vector<4x8192xi32>
    %eq3A_708 = arith.cmpi eq, %select_n3A_703, %select_n3A_704 : vector<4x8192xi32>
    %lt3A_709 = arith.cmpi slt, %select_n3A_705, %select_n3A_706 : vector<4x8192xi32>
    %and3A_710 = arith.andi %eq3A_708, %lt3A_709 : vector<4x8192xi1>
    %or3A_711 = arith.ori %gt3A_707, %and3A_710 : vector<4x8192xi1>
    %xor3A_712 = arith.xori %or3A_711, %eq3A_686 : vector<4x8192xi1>
    %select_n3A_713 = arith.select %xor3A_712, %select_n3A_701, %select_n3A_679 : vector<4x8192xi1>, vector<4x8192xi32>
    %select_n3A_714 = arith.select %xor3A_712, %select_n3A_702, %select_n3A_680 : vector<4x8192xi1>, vector<4x8192xi32>
    %and3A_715 = arith.constant 128 : i32
    %and3A_716 = vector.broadcast %and3A_715 : i32 to vector<4x8192xi32>
    %and3A_717 = arith.andi %iota3A_6, %and3A_716 : vector<4x8192xi32>
    %eq3A_718 = arith.constant 0 : i32
    %eq3A_719 = vector.broadcast %eq3A_718 : i32 to vector<4x8192xi32>
    %eq3A_720 = arith.cmpi eq, %and3A_717, %eq3A_719 : vector<4x8192xi32>
    %roll3A_721 = arith.constant 8128 : i32
    %roll3A_722 = tpu.dynamic_rotate %select_n3A_713 by %roll3A_721 dim 1 : vector<4x8192xi32>, i32 -> vector<4x8192xi32>
    %roll3A_723 = arith.constant 64 : i32
    %roll3A_724 = tpu.dynamic_rotate %select_n3A_713 by %roll3A_723 dim 1 : vector<4x8192xi32>, i32 -> vector<4x8192xi32>
    %roll3A_725 = arith.constant 8128 : i32
    %roll3A_726 = tpu.dynamic_rotate %select_n3A_714 by %roll3A_725 dim 1 : vector<4x8192xi32>, i32 -> vector<4x8192xi32>
    %roll3A_727 = arith.constant 64 : i32
    %roll3A_728 = tpu.dynamic_rotate %select_n3A_714 by %roll3A_727 dim 1 : vector<4x8192xi32>, i32 -> vector<4x8192xi32>
    %and3A_729 = arith.constant 64 : i32
    %and3A_730 = vector.broadcast %and3A_729 : i32 to vector<4x8192xi32>
    %and3A_731 = arith.andi %iota3A_6, %and3A_730 : vector<4x8192xi32>
    %ne3A_732 = arith.constant 0 : i32
    %ne3A_733 = vector.broadcast %ne3A_732 : i32 to vector<4x8192xi32>
    %ne3A_734 = arith.cmpi ne, %and3A_731, %ne3A_733 : vector<4x8192xi32>
    %select_n3A_735 = arith.select %ne3A_734, %roll3A_724, %roll3A_722 : vector<4x8192xi1>, vector<4x8192xi32>
    %select_n3A_736 = arith.select %ne3A_734, %roll3A_728, %roll3A_726 : vector<4x8192xi1>, vector<4x8192xi32>
    %select_n3A_737 = arith.select %ne3A_734, %select_n3A_735, %select_n3A_713 : vector<4x8192xi1>, vector<4x8192xi32>
    %select_n3A_738 = arith.select %ne3A_734, %select_n3A_713, %select_n3A_735 : vector<4x8192xi1>, vector<4x8192xi32>
    %select_n3A_739 = arith.select %ne3A_734, %select_n3A_736, %select_n3A_714 : vector<4x8192xi1>, vector<4x8192xi32>
    %select_n3A_740 = arith.select %ne3A_734, %select_n3A_714, %select_n3A_736 : vector<4x8192xi1>, vector<4x8192xi32>
    %gt3A_741 = arith.cmpi sgt, %select_n3A_737, %select_n3A_738 : vector<4x8192xi32>
    %eq3A_742 = arith.cmpi eq, %select_n3A_737, %select_n3A_738 : vector<4x8192xi32>
    %lt3A_743 = arith.cmpi slt, %select_n3A_739, %select_n3A_740 : vector<4x8192xi32>
    %and3A_744 = arith.andi %eq3A_742, %lt3A_743 : vector<4x8192xi1>
    %or3A_745 = arith.ori %gt3A_741, %and3A_744 : vector<4x8192xi1>
    %xor3A_746 = arith.xori %or3A_745, %eq3A_720 : vector<4x8192xi1>
    %select_n3A_747 = arith.select %xor3A_746, %select_n3A_735, %select_n3A_713 : vector<4x8192xi1>, vector<4x8192xi32>
    %select_n3A_748 = arith.select %xor3A_746, %select_n3A_736, %select_n3A_714 : vector<4x8192xi1>, vector<4x8192xi32>
    %and3A_749 = arith.constant 128 : i32
    %and3A_750 = vector.broadcast %and3A_749 : i32 to vector<4x8192xi32>
    %and3A_751 = arith.andi %iota3A_6, %and3A_750 : vector<4x8192xi32>
    %eq3A_752 = arith.constant 0 : i32
    %eq3A_753 = vector.broadcast %eq3A_752 : i32 to vector<4x8192xi32>
    %eq3A_754 = arith.cmpi eq, %and3A_751, %eq3A_753 : vector<4x8192xi32>
    %roll3A_755 = arith.constant 8160 : i32
    %roll3A_756 = tpu.dynamic_rotate %select_n3A_747 by %roll3A_755 dim 1 : vector<4x8192xi32>, i32 -> vector<4x8192xi32>
    %roll3A_757 = arith.constant 32 : i32
    %roll3A_758 = tpu.dynamic_rotate %select_n3A_747 by %roll3A_757 dim 1 : vector<4x8192xi32>, i32 -> vector<4x8192xi32>
    %roll3A_759 = arith.constant 8160 : i32
    %roll3A_760 = tpu.dynamic_rotate %select_n3A_748 by %roll3A_759 dim 1 : vector<4x8192xi32>, i32 -> vector<4x8192xi32>
    %roll3A_761 = arith.constant 32 : i32
    %roll3A_762 = tpu.dynamic_rotate %select_n3A_748 by %roll3A_761 dim 1 : vector<4x8192xi32>, i32 -> vector<4x8192xi32>
    %and3A_763 = arith.constant 32 : i32
    %and3A_764 = vector.broadcast %and3A_763 : i32 to vector<4x8192xi32>
    %and3A_765 = arith.andi %iota3A_6, %and3A_764 : vector<4x8192xi32>
    %ne3A_766 = arith.constant 0 : i32
    %ne3A_767 = vector.broadcast %ne3A_766 : i32 to vector<4x8192xi32>
    %ne3A_768 = arith.cmpi ne, %and3A_765, %ne3A_767 : vector<4x8192xi32>
    %select_n3A_769 = arith.select %ne3A_768, %roll3A_758, %roll3A_756 : vector<4x8192xi1>, vector<4x8192xi32>
    %select_n3A_770 = arith.select %ne3A_768, %roll3A_762, %roll3A_760 : vector<4x8192xi1>, vector<4x8192xi32>
    %select_n3A_771 = arith.select %ne3A_768, %select_n3A_769, %select_n3A_747 : vector<4x8192xi1>, vector<4x8192xi32>
    %select_n3A_772 = arith.select %ne3A_768, %select_n3A_747, %select_n3A_769 : vector<4x8192xi1>, vector<4x8192xi32>
    %select_n3A_773 = arith.select %ne3A_768, %select_n3A_770, %select_n3A_748 : vector<4x8192xi1>, vector<4x8192xi32>
    %select_n3A_774 = arith.select %ne3A_768, %select_n3A_748, %select_n3A_770 : vector<4x8192xi1>, vector<4x8192xi32>
    %gt3A_775 = arith.cmpi sgt, %select_n3A_771, %select_n3A_772 : vector<4x8192xi32>
    %eq3A_776 = arith.cmpi eq, %select_n3A_771, %select_n3A_772 : vector<4x8192xi32>
    %lt3A_777 = arith.cmpi slt, %select_n3A_773, %select_n3A_774 : vector<4x8192xi32>
    %and3A_778 = arith.andi %eq3A_776, %lt3A_777 : vector<4x8192xi1>
    %or3A_779 = arith.ori %gt3A_775, %and3A_778 : vector<4x8192xi1>
    %xor3A_780 = arith.xori %or3A_779, %eq3A_754 : vector<4x8192xi1>
    %select_n3A_781 = arith.select %xor3A_780, %select_n3A_769, %select_n3A_747 : vector<4x8192xi1>, vector<4x8192xi32>
    %select_n3A_782 = arith.select %xor3A_780, %select_n3A_770, %select_n3A_748 : vector<4x8192xi1>, vector<4x8192xi32>
    %and3A_783 = arith.constant 128 : i32
    %and3A_784 = vector.broadcast %and3A_783 : i32 to vector<4x8192xi32>
    %and3A_785 = arith.andi %iota3A_6, %and3A_784 : vector<4x8192xi32>
    %eq3A_786 = arith.constant 0 : i32
    %eq3A_787 = vector.broadcast %eq3A_786 : i32 to vector<4x8192xi32>
    %eq3A_788 = arith.cmpi eq, %and3A_785, %eq3A_787 : vector<4x8192xi32>
    %roll3A_789 = arith.constant 8176 : i32
    %roll3A_790 = tpu.dynamic_rotate %select_n3A_781 by %roll3A_789 dim 1 : vector<4x8192xi32>, i32 -> vector<4x8192xi32>
    %roll3A_791 = arith.constant 16 : i32
    %roll3A_792 = tpu.dynamic_rotate %select_n3A_781 by %roll3A_791 dim 1 : vector<4x8192xi32>, i32 -> vector<4x8192xi32>
    %roll3A_793 = arith.constant 8176 : i32
    %roll3A_794 = tpu.dynamic_rotate %select_n3A_782 by %roll3A_793 dim 1 : vector<4x8192xi32>, i32 -> vector<4x8192xi32>
    %roll3A_795 = arith.constant 16 : i32
    %roll3A_796 = tpu.dynamic_rotate %select_n3A_782 by %roll3A_795 dim 1 : vector<4x8192xi32>, i32 -> vector<4x8192xi32>
    %and3A_797 = arith.constant 16 : i32
    %and3A_798 = vector.broadcast %and3A_797 : i32 to vector<4x8192xi32>
    %and3A_799 = arith.andi %iota3A_6, %and3A_798 : vector<4x8192xi32>
    %ne3A_800 = arith.constant 0 : i32
    %ne3A_801 = vector.broadcast %ne3A_800 : i32 to vector<4x8192xi32>
    %ne3A_802 = arith.cmpi ne, %and3A_799, %ne3A_801 : vector<4x8192xi32>
    %select_n3A_803 = arith.select %ne3A_802, %roll3A_792, %roll3A_790 : vector<4x8192xi1>, vector<4x8192xi32>
    %select_n3A_804 = arith.select %ne3A_802, %roll3A_796, %roll3A_794 : vector<4x8192xi1>, vector<4x8192xi32>
    %select_n3A_805 = arith.select %ne3A_802, %select_n3A_803, %select_n3A_781 : vector<4x8192xi1>, vector<4x8192xi32>
    %select_n3A_806 = arith.select %ne3A_802, %select_n3A_781, %select_n3A_803 : vector<4x8192xi1>, vector<4x8192xi32>
    %select_n3A_807 = arith.select %ne3A_802, %select_n3A_804, %select_n3A_782 : vector<4x8192xi1>, vector<4x8192xi32>
    %select_n3A_808 = arith.select %ne3A_802, %select_n3A_782, %select_n3A_804 : vector<4x8192xi1>, vector<4x8192xi32>
    %gt3A_809 = arith.cmpi sgt, %select_n3A_805, %select_n3A_806 : vector<4x8192xi32>
    %eq3A_810 = arith.cmpi eq, %select_n3A_805, %select_n3A_806 : vector<4x8192xi32>
    %lt3A_811 = arith.cmpi slt, %select_n3A_807, %select_n3A_808 : vector<4x8192xi32>
    %and3A_812 = arith.andi %eq3A_810, %lt3A_811 : vector<4x8192xi1>
    %or3A_813 = arith.ori %gt3A_809, %and3A_812 : vector<4x8192xi1>
    %xor3A_814 = arith.xori %or3A_813, %eq3A_788 : vector<4x8192xi1>
    %select_n3A_815 = arith.select %xor3A_814, %select_n3A_803, %select_n3A_781 : vector<4x8192xi1>, vector<4x8192xi32>
    %select_n3A_816 = arith.select %xor3A_814, %select_n3A_804, %select_n3A_782 : vector<4x8192xi1>, vector<4x8192xi32>
    %and3A_817 = arith.constant 128 : i32
    %and3A_818 = vector.broadcast %and3A_817 : i32 to vector<4x8192xi32>
    %and3A_819 = arith.andi %iota3A_6, %and3A_818 : vector<4x8192xi32>
    %eq3A_820 = arith.constant 0 : i32
    %eq3A_821 = vector.broadcast %eq3A_820 : i32 to vector<4x8192xi32>
    %eq3A_822 = arith.cmpi eq, %and3A_819, %eq3A_821 : vector<4x8192xi32>
    %roll3A_823 = arith.constant 8184 : i32
    %roll3A_824 = tpu.dynamic_rotate %select_n3A_815 by %roll3A_823 dim 1 : vector<4x8192xi32>, i32 -> vector<4x8192xi32>
    %roll3A_825 = arith.constant 8 : i32
    %roll3A_826 = tpu.dynamic_rotate %select_n3A_815 by %roll3A_825 dim 1 : vector<4x8192xi32>, i32 -> vector<4x8192xi32>
    %roll3A_827 = arith.constant 8184 : i32
    %roll3A_828 = tpu.dynamic_rotate %select_n3A_816 by %roll3A_827 dim 1 : vector<4x8192xi32>, i32 -> vector<4x8192xi32>
    %roll3A_829 = arith.constant 8 : i32
    %roll3A_830 = tpu.dynamic_rotate %select_n3A_816 by %roll3A_829 dim 1 : vector<4x8192xi32>, i32 -> vector<4x8192xi32>
    %and3A_831 = arith.constant 8 : i32
    %and3A_832 = vector.broadcast %and3A_831 : i32 to vector<4x8192xi32>
    %and3A_833 = arith.andi %iota3A_6, %and3A_832 : vector<4x8192xi32>
    %ne3A_834 = arith.constant 0 : i32
    %ne3A_835 = vector.broadcast %ne3A_834 : i32 to vector<4x8192xi32>
    %ne3A_836 = arith.cmpi ne, %and3A_833, %ne3A_835 : vector<4x8192xi32>
    %select_n3A_837 = arith.select %ne3A_836, %roll3A_826, %roll3A_824 : vector<4x8192xi1>, vector<4x8192xi32>
    %select_n3A_838 = arith.select %ne3A_836, %roll3A_830, %roll3A_828 : vector<4x8192xi1>, vector<4x8192xi32>
    %select_n3A_839 = arith.select %ne3A_836, %select_n3A_837, %select_n3A_815 : vector<4x8192xi1>, vector<4x8192xi32>
    %select_n3A_840 = arith.select %ne3A_836, %select_n3A_815, %select_n3A_837 : vector<4x8192xi1>, vector<4x8192xi32>
    %select_n3A_841 = arith.select %ne3A_836, %select_n3A_838, %select_n3A_816 : vector<4x8192xi1>, vector<4x8192xi32>
    %select_n3A_842 = arith.select %ne3A_836, %select_n3A_816, %select_n3A_838 : vector<4x8192xi1>, vector<4x8192xi32>
    %gt3A_843 = arith.cmpi sgt, %select_n3A_839, %select_n3A_840 : vector<4x8192xi32>
    %eq3A_844 = arith.cmpi eq, %select_n3A_839, %select_n3A_840 : vector<4x8192xi32>
    %lt3A_845 = arith.cmpi slt, %select_n3A_841, %select_n3A_842 : vector<4x8192xi32>
    %and3A_846 = arith.andi %eq3A_844, %lt3A_845 : vector<4x8192xi1>
    %or3A_847 = arith.ori %gt3A_843, %and3A_846 : vector<4x8192xi1>
    %xor3A_848 = arith.xori %or3A_847, %eq3A_822 : vector<4x8192xi1>
    %select_n3A_849 = arith.select %xor3A_848, %select_n3A_837, %select_n3A_815 : vector<4x8192xi1>, vector<4x8192xi32>
    %select_n3A_850 = arith.select %xor3A_848, %select_n3A_838, %select_n3A_816 : vector<4x8192xi1>, vector<4x8192xi32>
    %and3A_851 = arith.constant 128 : i32
    %and3A_852 = vector.broadcast %and3A_851 : i32 to vector<4x8192xi32>
    %and3A_853 = arith.andi %iota3A_6, %and3A_852 : vector<4x8192xi32>
    %eq3A_854 = arith.constant 0 : i32
    %eq3A_855 = vector.broadcast %eq3A_854 : i32 to vector<4x8192xi32>
    %eq3A_856 = arith.cmpi eq, %and3A_853, %eq3A_855 : vector<4x8192xi32>
    %roll3A_857 = arith.constant 8188 : i32
    %roll3A_858 = tpu.dynamic_rotate %select_n3A_849 by %roll3A_857 dim 1 : vector<4x8192xi32>, i32 -> vector<4x8192xi32>
    %roll3A_859 = arith.constant 4 : i32
    %roll3A_860 = tpu.dynamic_rotate %select_n3A_849 by %roll3A_859 dim 1 : vector<4x8192xi32>, i32 -> vector<4x8192xi32>
    %roll3A_861 = arith.constant 8188 : i32
    %roll3A_862 = tpu.dynamic_rotate %select_n3A_850 by %roll3A_861 dim 1 : vector<4x8192xi32>, i32 -> vector<4x8192xi32>
    %roll3A_863 = arith.constant 4 : i32
    %roll3A_864 = tpu.dynamic_rotate %select_n3A_850 by %roll3A_863 dim 1 : vector<4x8192xi32>, i32 -> vector<4x8192xi32>
    %and3A_865 = arith.constant 4 : i32
    %and3A_866 = vector.broadcast %and3A_865 : i32 to vector<4x8192xi32>
    %and3A_867 = arith.andi %iota3A_6, %and3A_866 : vector<4x8192xi32>
    %ne3A_868 = arith.constant 0 : i32
    %ne3A_869 = vector.broadcast %ne3A_868 : i32 to vector<4x8192xi32>
    %ne3A_870 = arith.cmpi ne, %and3A_867, %ne3A_869 : vector<4x8192xi32>
    %select_n3A_871 = arith.select %ne3A_870, %roll3A_860, %roll3A_858 : vector<4x8192xi1>, vector<4x8192xi32>
    %select_n3A_872 = arith.select %ne3A_870, %roll3A_864, %roll3A_862 : vector<4x8192xi1>, vector<4x8192xi32>
    %select_n3A_873 = arith.select %ne3A_870, %select_n3A_871, %select_n3A_849 : vector<4x8192xi1>, vector<4x8192xi32>
    %select_n3A_874 = arith.select %ne3A_870, %select_n3A_849, %select_n3A_871 : vector<4x8192xi1>, vector<4x8192xi32>
    %select_n3A_875 = arith.select %ne3A_870, %select_n3A_872, %select_n3A_850 : vector<4x8192xi1>, vector<4x8192xi32>
    %select_n3A_876 = arith.select %ne3A_870, %select_n3A_850, %select_n3A_872 : vector<4x8192xi1>, vector<4x8192xi32>
    %gt3A_877 = arith.cmpi sgt, %select_n3A_873, %select_n3A_874 : vector<4x8192xi32>
    %eq3A_878 = arith.cmpi eq, %select_n3A_873, %select_n3A_874 : vector<4x8192xi32>
    %lt3A_879 = arith.cmpi slt, %select_n3A_875, %select_n3A_876 : vector<4x8192xi32>
    %and3A_880 = arith.andi %eq3A_878, %lt3A_879 : vector<4x8192xi1>
    %or3A_881 = arith.ori %gt3A_877, %and3A_880 : vector<4x8192xi1>
    %xor3A_882 = arith.xori %or3A_881, %eq3A_856 : vector<4x8192xi1>
    %select_n3A_883 = arith.select %xor3A_882, %select_n3A_871, %select_n3A_849 : vector<4x8192xi1>, vector<4x8192xi32>
    %select_n3A_884 = arith.select %xor3A_882, %select_n3A_872, %select_n3A_850 : vector<4x8192xi1>, vector<4x8192xi32>
    %and3A_885 = arith.constant 128 : i32
    %and3A_886 = vector.broadcast %and3A_885 : i32 to vector<4x8192xi32>
    %and3A_887 = arith.andi %iota3A_6, %and3A_886 : vector<4x8192xi32>
    %eq3A_888 = arith.constant 0 : i32
    %eq3A_889 = vector.broadcast %eq3A_888 : i32 to vector<4x8192xi32>
    %eq3A_890 = arith.cmpi eq, %and3A_887, %eq3A_889 : vector<4x8192xi32>
    %roll3A_891 = arith.constant 8190 : i32
    %roll3A_892 = tpu.dynamic_rotate %select_n3A_883 by %roll3A_891 dim 1 : vector<4x8192xi32>, i32 -> vector<4x8192xi32>
    %roll3A_893 = arith.constant 2 : i32
    %roll3A_894 = tpu.dynamic_rotate %select_n3A_883 by %roll3A_893 dim 1 : vector<4x8192xi32>, i32 -> vector<4x8192xi32>
    %roll3A_895 = arith.constant 8190 : i32
    %roll3A_896 = tpu.dynamic_rotate %select_n3A_884 by %roll3A_895 dim 1 : vector<4x8192xi32>, i32 -> vector<4x8192xi32>
    %roll3A_897 = arith.constant 2 : i32
    %roll3A_898 = tpu.dynamic_rotate %select_n3A_884 by %roll3A_897 dim 1 : vector<4x8192xi32>, i32 -> vector<4x8192xi32>
    %and3A_899 = arith.constant 2 : i32
    %and3A_900 = vector.broadcast %and3A_899 : i32 to vector<4x8192xi32>
    %and3A_901 = arith.andi %iota3A_6, %and3A_900 : vector<4x8192xi32>
    %ne3A_902 = arith.constant 0 : i32
    %ne3A_903 = vector.broadcast %ne3A_902 : i32 to vector<4x8192xi32>
    %ne3A_904 = arith.cmpi ne, %and3A_901, %ne3A_903 : vector<4x8192xi32>
    %select_n3A_905 = arith.select %ne3A_904, %roll3A_894, %roll3A_892 : vector<4x8192xi1>, vector<4x8192xi32>
    %select_n3A_906 = arith.select %ne3A_904, %roll3A_898, %roll3A_896 : vector<4x8192xi1>, vector<4x8192xi32>
    %select_n3A_907 = arith.select %ne3A_904, %select_n3A_905, %select_n3A_883 : vector<4x8192xi1>, vector<4x8192xi32>
    %select_n3A_908 = arith.select %ne3A_904, %select_n3A_883, %select_n3A_905 : vector<4x8192xi1>, vector<4x8192xi32>
    %select_n3A_909 = arith.select %ne3A_904, %select_n3A_906, %select_n3A_884 : vector<4x8192xi1>, vector<4x8192xi32>
    %select_n3A_910 = arith.select %ne3A_904, %select_n3A_884, %select_n3A_906 : vector<4x8192xi1>, vector<4x8192xi32>
    %gt3A_911 = arith.cmpi sgt, %select_n3A_907, %select_n3A_908 : vector<4x8192xi32>
    %eq3A_912 = arith.cmpi eq, %select_n3A_907, %select_n3A_908 : vector<4x8192xi32>
    %lt3A_913 = arith.cmpi slt, %select_n3A_909, %select_n3A_910 : vector<4x8192xi32>
    %and3A_914 = arith.andi %eq3A_912, %lt3A_913 : vector<4x8192xi1>
    %or3A_915 = arith.ori %gt3A_911, %and3A_914 : vector<4x8192xi1>
    %xor3A_916 = arith.xori %or3A_915, %eq3A_890 : vector<4x8192xi1>
    %select_n3A_917 = arith.select %xor3A_916, %select_n3A_905, %select_n3A_883 : vector<4x8192xi1>, vector<4x8192xi32>
    %select_n3A_918 = arith.select %xor3A_916, %select_n3A_906, %select_n3A_884 : vector<4x8192xi1>, vector<4x8192xi32>
    %and3A_919 = arith.constant 128 : i32
    %and3A_920 = vector.broadcast %and3A_919 : i32 to vector<4x8192xi32>
    %and3A_921 = arith.andi %iota3A_6, %and3A_920 : vector<4x8192xi32>
    %eq3A_922 = arith.constant 0 : i32
    %eq3A_923 = vector.broadcast %eq3A_922 : i32 to vector<4x8192xi32>
    %eq3A_924 = arith.cmpi eq, %and3A_921, %eq3A_923 : vector<4x8192xi32>
    %roll3A_925 = arith.constant 8191 : i32
    %roll3A_926 = tpu.dynamic_rotate %select_n3A_917 by %roll3A_925 dim 1 : vector<4x8192xi32>, i32 -> vector<4x8192xi32>
    %roll3A_927 = arith.constant 1 : i32
    %roll3A_928 = tpu.dynamic_rotate %select_n3A_917 by %roll3A_927 dim 1 : vector<4x8192xi32>, i32 -> vector<4x8192xi32>
    %roll3A_929 = arith.constant 8191 : i32
    %roll3A_930 = tpu.dynamic_rotate %select_n3A_918 by %roll3A_929 dim 1 : vector<4x8192xi32>, i32 -> vector<4x8192xi32>
    %roll3A_931 = arith.constant 1 : i32
    %roll3A_932 = tpu.dynamic_rotate %select_n3A_918 by %roll3A_931 dim 1 : vector<4x8192xi32>, i32 -> vector<4x8192xi32>
    %and3A_933 = arith.constant 1 : i32
    %and3A_934 = vector.broadcast %and3A_933 : i32 to vector<4x8192xi32>
    %and3A_935 = arith.andi %iota3A_6, %and3A_934 : vector<4x8192xi32>
    %ne3A_936 = arith.constant 0 : i32
    %ne3A_937 = vector.broadcast %ne3A_936 : i32 to vector<4x8192xi32>
    %ne3A_938 = arith.cmpi ne, %and3A_935, %ne3A_937 : vector<4x8192xi32>
    %select_n3A_939 = arith.select %ne3A_938, %roll3A_928, %roll3A_926 : vector<4x8192xi1>, vector<4x8192xi32>
    %select_n3A_940 = arith.select %ne3A_938, %roll3A_932, %roll3A_930 : vector<4x8192xi1>, vector<4x8192xi32>
    %select_n3A_941 = arith.select %ne3A_938, %select_n3A_939, %select_n3A_917 : vector<4x8192xi1>, vector<4x8192xi32>
    %select_n3A_942 = arith.select %ne3A_938, %select_n3A_917, %select_n3A_939 : vector<4x8192xi1>, vector<4x8192xi32>
    %select_n3A_943 = arith.select %ne3A_938, %select_n3A_940, %select_n3A_918 : vector<4x8192xi1>, vector<4x8192xi32>
    %select_n3A_944 = arith.select %ne3A_938, %select_n3A_918, %select_n3A_940 : vector<4x8192xi1>, vector<4x8192xi32>
    %gt3A_945 = arith.cmpi sgt, %select_n3A_941, %select_n3A_942 : vector<4x8192xi32>
    %eq3A_946 = arith.cmpi eq, %select_n3A_941, %select_n3A_942 : vector<4x8192xi32>
    %lt3A_947 = arith.cmpi slt, %select_n3A_943, %select_n3A_944 : vector<4x8192xi32>
    %and3A_948 = arith.andi %eq3A_946, %lt3A_947 : vector<4x8192xi1>
    %or3A_949 = arith.ori %gt3A_945, %and3A_948 : vector<4x8192xi1>
    %xor3A_950 = arith.xori %or3A_949, %eq3A_924 : vector<4x8192xi1>
    %select_n3A_951 = arith.select %xor3A_950, %select_n3A_939, %select_n3A_917 : vector<4x8192xi1>, vector<4x8192xi32>
    %select_n3A_952 = arith.select %xor3A_950, %select_n3A_940, %select_n3A_918 : vector<4x8192xi1>, vector<4x8192xi32>
    %and3A_953 = arith.constant 256 : i32
    %and3A_954 = vector.broadcast %and3A_953 : i32 to vector<4x8192xi32>
    %and3A_955 = arith.andi %iota3A_6, %and3A_954 : vector<4x8192xi32>
    %eq3A_956 = arith.constant 0 : i32
    %eq3A_957 = vector.broadcast %eq3A_956 : i32 to vector<4x8192xi32>
    %eq3A_958 = arith.cmpi eq, %and3A_955, %eq3A_957 : vector<4x8192xi32>
    %roll3A_959 = arith.constant 8064 : i32
    %roll3A_960 = tpu.dynamic_rotate %select_n3A_951 by %roll3A_959 dim 1 : vector<4x8192xi32>, i32 -> vector<4x8192xi32>
    %roll3A_961 = arith.constant 128 : i32
    %roll3A_962 = tpu.dynamic_rotate %select_n3A_951 by %roll3A_961 dim 1 : vector<4x8192xi32>, i32 -> vector<4x8192xi32>
    %roll3A_963 = arith.constant 8064 : i32
    %roll3A_964 = tpu.dynamic_rotate %select_n3A_952 by %roll3A_963 dim 1 : vector<4x8192xi32>, i32 -> vector<4x8192xi32>
    %roll3A_965 = arith.constant 128 : i32
    %roll3A_966 = tpu.dynamic_rotate %select_n3A_952 by %roll3A_965 dim 1 : vector<4x8192xi32>, i32 -> vector<4x8192xi32>
    %and3A_967 = arith.constant 128 : i32
    %and3A_968 = vector.broadcast %and3A_967 : i32 to vector<4x8192xi32>
    %and3A_969 = arith.andi %iota3A_6, %and3A_968 : vector<4x8192xi32>
    %ne3A_970 = arith.constant 0 : i32
    %ne3A_971 = vector.broadcast %ne3A_970 : i32 to vector<4x8192xi32>
    %ne3A_972 = arith.cmpi ne, %and3A_969, %ne3A_971 : vector<4x8192xi32>
    %select_n3A_973 = arith.select %ne3A_972, %roll3A_962, %roll3A_960 : vector<4x8192xi1>, vector<4x8192xi32>
    %select_n3A_974 = arith.select %ne3A_972, %roll3A_966, %roll3A_964 : vector<4x8192xi1>, vector<4x8192xi32>
    %select_n3A_975 = arith.select %ne3A_972, %select_n3A_973, %select_n3A_951 : vector<4x8192xi1>, vector<4x8192xi32>
    %select_n3A_976 = arith.select %ne3A_972, %select_n3A_951, %select_n3A_973 : vector<4x8192xi1>, vector<4x8192xi32>
    %select_n3A_977 = arith.select %ne3A_972, %select_n3A_974, %select_n3A_952 : vector<4x8192xi1>, vector<4x8192xi32>
    %select_n3A_978 = arith.select %ne3A_972, %select_n3A_952, %select_n3A_974 : vector<4x8192xi1>, vector<4x8192xi32>
    %gt3A_979 = arith.cmpi sgt, %select_n3A_975, %select_n3A_976 : vector<4x8192xi32>
    %eq3A_980 = arith.cmpi eq, %select_n3A_975, %select_n3A_976 : vector<4x8192xi32>
    %lt3A_981 = arith.cmpi slt, %select_n3A_977, %select_n3A_978 : vector<4x8192xi32>
    %and3A_982 = arith.andi %eq3A_980, %lt3A_981 : vector<4x8192xi1>
    %or3A_983 = arith.ori %gt3A_979, %and3A_982 : vector<4x8192xi1>
    %xor3A_984 = arith.xori %or3A_983, %eq3A_958 : vector<4x8192xi1>
    %select_n3A_985 = arith.select %xor3A_984, %select_n3A_973, %select_n3A_951 : vector<4x8192xi1>, vector<4x8192xi32>
    %select_n3A_986 = arith.select %xor3A_984, %select_n3A_974, %select_n3A_952 : vector<4x8192xi1>, vector<4x8192xi32>
    %and3A_987 = arith.constant 256 : i32
    %and3A_988 = vector.broadcast %and3A_987 : i32 to vector<4x8192xi32>
    %and3A_989 = arith.andi %iota3A_6, %and3A_988 : vector<4x8192xi32>
    %eq3A_990 = arith.constant 0 : i32
    %eq3A_991 = vector.broadcast %eq3A_990 : i32 to vector<4x8192xi32>
    %eq3A_992 = arith.cmpi eq, %and3A_989, %eq3A_991 : vector<4x8192xi32>
    %roll3A_993 = arith.constant 8128 : i32
    %roll3A_994 = tpu.dynamic_rotate %select_n3A_985 by %roll3A_993 dim 1 : vector<4x8192xi32>, i32 -> vector<4x8192xi32>
    %roll3A_995 = arith.constant 64 : i32
    %roll3A_996 = tpu.dynamic_rotate %select_n3A_985 by %roll3A_995 dim 1 : vector<4x8192xi32>, i32 -> vector<4x8192xi32>
    %roll3A_997 = arith.constant 8128 : i32
    %roll3A_998 = tpu.dynamic_rotate %select_n3A_986 by %roll3A_997 dim 1 : vector<4x8192xi32>, i32 -> vector<4x8192xi32>
    %roll3A_999 = arith.constant 64 : i32
    %roll3A_1000 = tpu.dynamic_rotate %select_n3A_986 by %roll3A_999 dim 1 : vector<4x8192xi32>, i32 -> vector<4x8192xi32>
    %and3A_1001 = arith.constant 64 : i32
    %and3A_1002 = vector.broadcast %and3A_1001 : i32 to vector<4x8192xi32>
    %and3A_1003 = arith.andi %iota3A_6, %and3A_1002 : vector<4x8192xi32>
    %ne3A_1004 = arith.constant 0 : i32
    %ne3A_1005 = vector.broadcast %ne3A_1004 : i32 to vector<4x8192xi32>
    %ne3A_1006 = arith.cmpi ne, %and3A_1003, %ne3A_1005 : vector<4x8192xi32>
    %select_n3A_1007 = arith.select %ne3A_1006, %roll3A_996, %roll3A_994 : vector<4x8192xi1>, vector<4x8192xi32>
    %select_n3A_1008 = arith.select %ne3A_1006, %roll3A_1000, %roll3A_998 : vector<4x8192xi1>, vector<4x8192xi32>
    %select_n3A_1009 = arith.select %ne3A_1006, %select_n3A_1007, %select_n3A_985 : vector<4x8192xi1>, vector<4x8192xi32>
    %select_n3A_1010 = arith.select %ne3A_1006, %select_n3A_985, %select_n3A_1007 : vector<4x8192xi1>, vector<4x8192xi32>
    %select_n3A_1011 = arith.select %ne3A_1006, %select_n3A_1008, %select_n3A_986 : vector<4x8192xi1>, vector<4x8192xi32>
    %select_n3A_1012 = arith.select %ne3A_1006, %select_n3A_986, %select_n3A_1008 : vector<4x8192xi1>, vector<4x8192xi32>
    %gt3A_1013 = arith.cmpi sgt, %select_n3A_1009, %select_n3A_1010 : vector<4x8192xi32>
    %eq3A_1014 = arith.cmpi eq, %select_n3A_1009, %select_n3A_1010 : vector<4x8192xi32>
    %lt3A_1015 = arith.cmpi slt, %select_n3A_1011, %select_n3A_1012 : vector<4x8192xi32>
    %and3A_1016 = arith.andi %eq3A_1014, %lt3A_1015 : vector<4x8192xi1>
    %or3A_1017 = arith.ori %gt3A_1013, %and3A_1016 : vector<4x8192xi1>
    %xor3A_1018 = arith.xori %or3A_1017, %eq3A_992 : vector<4x8192xi1>
    %select_n3A_1019 = arith.select %xor3A_1018, %select_n3A_1007, %select_n3A_985 : vector<4x8192xi1>, vector<4x8192xi32>
    %select_n3A_1020 = arith.select %xor3A_1018, %select_n3A_1008, %select_n3A_986 : vector<4x8192xi1>, vector<4x8192xi32>
    %and3A_1021 = arith.constant 256 : i32
    %and3A_1022 = vector.broadcast %and3A_1021 : i32 to vector<4x8192xi32>
    %and3A_1023 = arith.andi %iota3A_6, %and3A_1022 : vector<4x8192xi32>
    %eq3A_1024 = arith.constant 0 : i32
    %eq3A_1025 = vector.broadcast %eq3A_1024 : i32 to vector<4x8192xi32>
    %eq3A_1026 = arith.cmpi eq, %and3A_1023, %eq3A_1025 : vector<4x8192xi32>
    %roll3A_1027 = arith.constant 8160 : i32
    %roll3A_1028 = tpu.dynamic_rotate %select_n3A_1019 by %roll3A_1027 dim 1 : vector<4x8192xi32>, i32 -> vector<4x8192xi32>
    %roll3A_1029 = arith.constant 32 : i32
    %roll3A_1030 = tpu.dynamic_rotate %select_n3A_1019 by %roll3A_1029 dim 1 : vector<4x8192xi32>, i32 -> vector<4x8192xi32>
    %roll3A_1031 = arith.constant 8160 : i32
    %roll3A_1032 = tpu.dynamic_rotate %select_n3A_1020 by %roll3A_1031 dim 1 : vector<4x8192xi32>, i32 -> vector<4x8192xi32>
    %roll3A_1033 = arith.constant 32 : i32
    %roll3A_1034 = tpu.dynamic_rotate %select_n3A_1020 by %roll3A_1033 dim 1 : vector<4x8192xi32>, i32 -> vector<4x8192xi32>
    %and3A_1035 = arith.constant 32 : i32
    %and3A_1036 = vector.broadcast %and3A_1035 : i32 to vector<4x8192xi32>
    %and3A_1037 = arith.andi %iota3A_6, %and3A_1036 : vector<4x8192xi32>
    %ne3A_1038 = arith.constant 0 : i32
    %ne3A_1039 = vector.broadcast %ne3A_1038 : i32 to vector<4x8192xi32>
    %ne3A_1040 = arith.cmpi ne, %and3A_1037, %ne3A_1039 : vector<4x8192xi32>
    %select_n3A_1041 = arith.select %ne3A_1040, %roll3A_1030, %roll3A_1028 : vector<4x8192xi1>, vector<4x8192xi32>
    %select_n3A_1042 = arith.select %ne3A_1040, %roll3A_1034, %roll3A_1032 : vector<4x8192xi1>, vector<4x8192xi32>
    %select_n3A_1043 = arith.select %ne3A_1040, %select_n3A_1041, %select_n3A_1019 : vector<4x8192xi1>, vector<4x8192xi32>
    %select_n3A_1044 = arith.select %ne3A_1040, %select_n3A_1019, %select_n3A_1041 : vector<4x8192xi1>, vector<4x8192xi32>
    %select_n3A_1045 = arith.select %ne3A_1040, %select_n3A_1042, %select_n3A_1020 : vector<4x8192xi1>, vector<4x8192xi32>
    %select_n3A_1046 = arith.select %ne3A_1040, %select_n3A_1020, %select_n3A_1042 : vector<4x8192xi1>, vector<4x8192xi32>
    %gt3A_1047 = arith.cmpi sgt, %select_n3A_1043, %select_n3A_1044 : vector<4x8192xi32>
    %eq3A_1048 = arith.cmpi eq, %select_n3A_1043, %select_n3A_1044 : vector<4x8192xi32>
    %lt3A_1049 = arith.cmpi slt, %select_n3A_1045, %select_n3A_1046 : vector<4x8192xi32>
    %and3A_1050 = arith.andi %eq3A_1048, %lt3A_1049 : vector<4x8192xi1>
    %or3A_1051 = arith.ori %gt3A_1047, %and3A_1050 : vector<4x8192xi1>
    %xor3A_1052 = arith.xori %or3A_1051, %eq3A_1026 : vector<4x8192xi1>
    %select_n3A_1053 = arith.select %xor3A_1052, %select_n3A_1041, %select_n3A_1019 : vector<4x8192xi1>, vector<4x8192xi32>
    %select_n3A_1054 = arith.select %xor3A_1052, %select_n3A_1042, %select_n3A_1020 : vector<4x8192xi1>, vector<4x8192xi32>
    %and3A_1055 = arith.constant 256 : i32
    %and3A_1056 = vector.broadcast %and3A_1055 : i32 to vector<4x8192xi32>
    %and3A_1057 = arith.andi %iota3A_6, %and3A_1056 : vector<4x8192xi32>
    %eq3A_1058 = arith.constant 0 : i32
    %eq3A_1059 = vector.broadcast %eq3A_1058 : i32 to vector<4x8192xi32>
    %eq3A_1060 = arith.cmpi eq, %and3A_1057, %eq3A_1059 : vector<4x8192xi32>
    %roll3A_1061 = arith.constant 8176 : i32
    %roll3A_1062 = tpu.dynamic_rotate %select_n3A_1053 by %roll3A_1061 dim 1 : vector<4x8192xi32>, i32 -> vector<4x8192xi32>
    %roll3A_1063 = arith.constant 16 : i32
    %roll3A_1064 = tpu.dynamic_rotate %select_n3A_1053 by %roll3A_1063 dim 1 : vector<4x8192xi32>, i32 -> vector<4x8192xi32>
    %roll3A_1065 = arith.constant 8176 : i32
    %roll3A_1066 = tpu.dynamic_rotate %select_n3A_1054 by %roll3A_1065 dim 1 : vector<4x8192xi32>, i32 -> vector<4x8192xi32>
    %roll3A_1067 = arith.constant 16 : i32
    %roll3A_1068 = tpu.dynamic_rotate %select_n3A_1054 by %roll3A_1067 dim 1 : vector<4x8192xi32>, i32 -> vector<4x8192xi32>
    %and3A_1069 = arith.constant 16 : i32
    %and3A_1070 = vector.broadcast %and3A_1069 : i32 to vector<4x8192xi32>
    %and3A_1071 = arith.andi %iota3A_6, %and3A_1070 : vector<4x8192xi32>
    %ne3A_1072 = arith.constant 0 : i32
    %ne3A_1073 = vector.broadcast %ne3A_1072 : i32 to vector<4x8192xi32>
    %ne3A_1074 = arith.cmpi ne, %and3A_1071, %ne3A_1073 : vector<4x8192xi32>
    %select_n3A_1075 = arith.select %ne3A_1074, %roll3A_1064, %roll3A_1062 : vector<4x8192xi1>, vector<4x8192xi32>
    %select_n3A_1076 = arith.select %ne3A_1074, %roll3A_1068, %roll3A_1066 : vector<4x8192xi1>, vector<4x8192xi32>
    %select_n3A_1077 = arith.select %ne3A_1074, %select_n3A_1075, %select_n3A_1053 : vector<4x8192xi1>, vector<4x8192xi32>
    %select_n3A_1078 = arith.select %ne3A_1074, %select_n3A_1053, %select_n3A_1075 : vector<4x8192xi1>, vector<4x8192xi32>
    %select_n3A_1079 = arith.select %ne3A_1074, %select_n3A_1076, %select_n3A_1054 : vector<4x8192xi1>, vector<4x8192xi32>
    %select_n3A_1080 = arith.select %ne3A_1074, %select_n3A_1054, %select_n3A_1076 : vector<4x8192xi1>, vector<4x8192xi32>
    %gt3A_1081 = arith.cmpi sgt, %select_n3A_1077, %select_n3A_1078 : vector<4x8192xi32>
    %eq3A_1082 = arith.cmpi eq, %select_n3A_1077, %select_n3A_1078 : vector<4x8192xi32>
    %lt3A_1083 = arith.cmpi slt, %select_n3A_1079, %select_n3A_1080 : vector<4x8192xi32>
    %and3A_1084 = arith.andi %eq3A_1082, %lt3A_1083 : vector<4x8192xi1>
    %or3A_1085 = arith.ori %gt3A_1081, %and3A_1084 : vector<4x8192xi1>
    %xor3A_1086 = arith.xori %or3A_1085, %eq3A_1060 : vector<4x8192xi1>
    %select_n3A_1087 = arith.select %xor3A_1086, %select_n3A_1075, %select_n3A_1053 : vector<4x8192xi1>, vector<4x8192xi32>
    %select_n3A_1088 = arith.select %xor3A_1086, %select_n3A_1076, %select_n3A_1054 : vector<4x8192xi1>, vector<4x8192xi32>
    %and3A_1089 = arith.constant 256 : i32
    %and3A_1090 = vector.broadcast %and3A_1089 : i32 to vector<4x8192xi32>
    %and3A_1091 = arith.andi %iota3A_6, %and3A_1090 : vector<4x8192xi32>
    %eq3A_1092 = arith.constant 0 : i32
    %eq3A_1093 = vector.broadcast %eq3A_1092 : i32 to vector<4x8192xi32>
    %eq3A_1094 = arith.cmpi eq, %and3A_1091, %eq3A_1093 : vector<4x8192xi32>
    %roll3A_1095 = arith.constant 8184 : i32
    %roll3A_1096 = tpu.dynamic_rotate %select_n3A_1087 by %roll3A_1095 dim 1 : vector<4x8192xi32>, i32 -> vector<4x8192xi32>
    %roll3A_1097 = arith.constant 8 : i32
    %roll3A_1098 = tpu.dynamic_rotate %select_n3A_1087 by %roll3A_1097 dim 1 : vector<4x8192xi32>, i32 -> vector<4x8192xi32>
    %roll3A_1099 = arith.constant 8184 : i32
    %roll3A_1100 = tpu.dynamic_rotate %select_n3A_1088 by %roll3A_1099 dim 1 : vector<4x8192xi32>, i32 -> vector<4x8192xi32>
    %roll3A_1101 = arith.constant 8 : i32
    %roll3A_1102 = tpu.dynamic_rotate %select_n3A_1088 by %roll3A_1101 dim 1 : vector<4x8192xi32>, i32 -> vector<4x8192xi32>
    %and3A_1103 = arith.constant 8 : i32
    %and3A_1104 = vector.broadcast %and3A_1103 : i32 to vector<4x8192xi32>
    %and3A_1105 = arith.andi %iota3A_6, %and3A_1104 : vector<4x8192xi32>
    %ne3A_1106 = arith.constant 0 : i32
    %ne3A_1107 = vector.broadcast %ne3A_1106 : i32 to vector<4x8192xi32>
    %ne3A_1108 = arith.cmpi ne, %and3A_1105, %ne3A_1107 : vector<4x8192xi32>
    %select_n3A_1109 = arith.select %ne3A_1108, %roll3A_1098, %roll3A_1096 : vector<4x8192xi1>, vector<4x8192xi32>
    %select_n3A_1110 = arith.select %ne3A_1108, %roll3A_1102, %roll3A_1100 : vector<4x8192xi1>, vector<4x8192xi32>
    %select_n3A_1111 = arith.select %ne3A_1108, %select_n3A_1109, %select_n3A_1087 : vector<4x8192xi1>, vector<4x8192xi32>
    %select_n3A_1112 = arith.select %ne3A_1108, %select_n3A_1087, %select_n3A_1109 : vector<4x8192xi1>, vector<4x8192xi32>
    %select_n3A_1113 = arith.select %ne3A_1108, %select_n3A_1110, %select_n3A_1088 : vector<4x8192xi1>, vector<4x8192xi32>
    %select_n3A_1114 = arith.select %ne3A_1108, %select_n3A_1088, %select_n3A_1110 : vector<4x8192xi1>, vector<4x8192xi32>
    %gt3A_1115 = arith.cmpi sgt, %select_n3A_1111, %select_n3A_1112 : vector<4x8192xi32>
    %eq3A_1116 = arith.cmpi eq, %select_n3A_1111, %select_n3A_1112 : vector<4x8192xi32>
    %lt3A_1117 = arith.cmpi slt, %select_n3A_1113, %select_n3A_1114 : vector<4x8192xi32>
    %and3A_1118 = arith.andi %eq3A_1116, %lt3A_1117 : vector<4x8192xi1>
    %or3A_1119 = arith.ori %gt3A_1115, %and3A_1118 : vector<4x8192xi1>
    %xor3A_1120 = arith.xori %or3A_1119, %eq3A_1094 : vector<4x8192xi1>
    %select_n3A_1121 = arith.select %xor3A_1120, %select_n3A_1109, %select_n3A_1087 : vector<4x8192xi1>, vector<4x8192xi32>
    %select_n3A_1122 = arith.select %xor3A_1120, %select_n3A_1110, %select_n3A_1088 : vector<4x8192xi1>, vector<4x8192xi32>
    %and3A_1123 = arith.constant 256 : i32
    %and3A_1124 = vector.broadcast %and3A_1123 : i32 to vector<4x8192xi32>
    %and3A_1125 = arith.andi %iota3A_6, %and3A_1124 : vector<4x8192xi32>
    %eq3A_1126 = arith.constant 0 : i32
    %eq3A_1127 = vector.broadcast %eq3A_1126 : i32 to vector<4x8192xi32>
    %eq3A_1128 = arith.cmpi eq, %and3A_1125, %eq3A_1127 : vector<4x8192xi32>
    %roll3A_1129 = arith.constant 8188 : i32
    %roll3A_1130 = tpu.dynamic_rotate %select_n3A_1121 by %roll3A_1129 dim 1 : vector<4x8192xi32>, i32 -> vector<4x8192xi32>
    %roll3A_1131 = arith.constant 4 : i32
    %roll3A_1132 = tpu.dynamic_rotate %select_n3A_1121 by %roll3A_1131 dim 1 : vector<4x8192xi32>, i32 -> vector<4x8192xi32>
    %roll3A_1133 = arith.constant 8188 : i32
    %roll3A_1134 = tpu.dynamic_rotate %select_n3A_1122 by %roll3A_1133 dim 1 : vector<4x8192xi32>, i32 -> vector<4x8192xi32>
    %roll3A_1135 = arith.constant 4 : i32
    %roll3A_1136 = tpu.dynamic_rotate %select_n3A_1122 by %roll3A_1135 dim 1 : vector<4x8192xi32>, i32 -> vector<4x8192xi32>
    %and3A_1137 = arith.constant 4 : i32
    %and3A_1138 = vector.broadcast %and3A_1137 : i32 to vector<4x8192xi32>
    %and3A_1139 = arith.andi %iota3A_6, %and3A_1138 : vector<4x8192xi32>
    %ne3A_1140 = arith.constant 0 : i32
    %ne3A_1141 = vector.broadcast %ne3A_1140 : i32 to vector<4x8192xi32>
    %ne3A_1142 = arith.cmpi ne, %and3A_1139, %ne3A_1141 : vector<4x8192xi32>
    %select_n3A_1143 = arith.select %ne3A_1142, %roll3A_1132, %roll3A_1130 : vector<4x8192xi1>, vector<4x8192xi32>
    %select_n3A_1144 = arith.select %ne3A_1142, %roll3A_1136, %roll3A_1134 : vector<4x8192xi1>, vector<4x8192xi32>
    %select_n3A_1145 = arith.select %ne3A_1142, %select_n3A_1143, %select_n3A_1121 : vector<4x8192xi1>, vector<4x8192xi32>
    %select_n3A_1146 = arith.select %ne3A_1142, %select_n3A_1121, %select_n3A_1143 : vector<4x8192xi1>, vector<4x8192xi32>
    %select_n3A_1147 = arith.select %ne3A_1142, %select_n3A_1144, %select_n3A_1122 : vector<4x8192xi1>, vector<4x8192xi32>
    %select_n3A_1148 = arith.select %ne3A_1142, %select_n3A_1122, %select_n3A_1144 : vector<4x8192xi1>, vector<4x8192xi32>
    %gt3A_1149 = arith.cmpi sgt, %select_n3A_1145, %select_n3A_1146 : vector<4x8192xi32>
    %eq3A_1150 = arith.cmpi eq, %select_n3A_1145, %select_n3A_1146 : vector<4x8192xi32>
    %lt3A_1151 = arith.cmpi slt, %select_n3A_1147, %select_n3A_1148 : vector<4x8192xi32>
    %and3A_1152 = arith.andi %eq3A_1150, %lt3A_1151 : vector<4x8192xi1>
    %or3A_1153 = arith.ori %gt3A_1149, %and3A_1152 : vector<4x8192xi1>
    %xor3A_1154 = arith.xori %or3A_1153, %eq3A_1128 : vector<4x8192xi1>
    %select_n3A_1155 = arith.select %xor3A_1154, %select_n3A_1143, %select_n3A_1121 : vector<4x8192xi1>, vector<4x8192xi32>
    %select_n3A_1156 = arith.select %xor3A_1154, %select_n3A_1144, %select_n3A_1122 : vector<4x8192xi1>, vector<4x8192xi32>
    %and3A_1157 = arith.constant 256 : i32
    %and3A_1158 = vector.broadcast %and3A_1157 : i32 to vector<4x8192xi32>
    %and3A_1159 = arith.andi %iota3A_6, %and3A_1158 : vector<4x8192xi32>
    %eq3A_1160 = arith.constant 0 : i32
    %eq3A_1161 = vector.broadcast %eq3A_1160 : i32 to vector<4x8192xi32>
    %eq3A_1162 = arith.cmpi eq, %and3A_1159, %eq3A_1161 : vector<4x8192xi32>
    %roll3A_1163 = arith.constant 8190 : i32
    %roll3A_1164 = tpu.dynamic_rotate %select_n3A_1155 by %roll3A_1163 dim 1 : vector<4x8192xi32>, i32 -> vector<4x8192xi32>
    %roll3A_1165 = arith.constant 2 : i32
    %roll3A_1166 = tpu.dynamic_rotate %select_n3A_1155 by %roll3A_1165 dim 1 : vector<4x8192xi32>, i32 -> vector<4x8192xi32>
    %roll3A_1167 = arith.constant 8190 : i32
    %roll3A_1168 = tpu.dynamic_rotate %select_n3A_1156 by %roll3A_1167 dim 1 : vector<4x8192xi32>, i32 -> vector<4x8192xi32>
    %roll3A_1169 = arith.constant 2 : i32
    %roll3A_1170 = tpu.dynamic_rotate %select_n3A_1156 by %roll3A_1169 dim 1 : vector<4x8192xi32>, i32 -> vector<4x8192xi32>
    %and3A_1171 = arith.constant 2 : i32
    %and3A_1172 = vector.broadcast %and3A_1171 : i32 to vector<4x8192xi32>
    %and3A_1173 = arith.andi %iota3A_6, %and3A_1172 : vector<4x8192xi32>
    %ne3A_1174 = arith.constant 0 : i32
    %ne3A_1175 = vector.broadcast %ne3A_1174 : i32 to vector<4x8192xi32>
    %ne3A_1176 = arith.cmpi ne, %and3A_1173, %ne3A_1175 : vector<4x8192xi32>
    %select_n3A_1177 = arith.select %ne3A_1176, %roll3A_1166, %roll3A_1164 : vector<4x8192xi1>, vector<4x8192xi32>
    %select_n3A_1178 = arith.select %ne3A_1176, %roll3A_1170, %roll3A_1168 : vector<4x8192xi1>, vector<4x8192xi32>
    %select_n3A_1179 = arith.select %ne3A_1176, %select_n3A_1177, %select_n3A_1155 : vector<4x8192xi1>, vector<4x8192xi32>
    %select_n3A_1180 = arith.select %ne3A_1176, %select_n3A_1155, %select_n3A_1177 : vector<4x8192xi1>, vector<4x8192xi32>
    %select_n3A_1181 = arith.select %ne3A_1176, %select_n3A_1178, %select_n3A_1156 : vector<4x8192xi1>, vector<4x8192xi32>
    %select_n3A_1182 = arith.select %ne3A_1176, %select_n3A_1156, %select_n3A_1178 : vector<4x8192xi1>, vector<4x8192xi32>
    %gt3A_1183 = arith.cmpi sgt, %select_n3A_1179, %select_n3A_1180 : vector<4x8192xi32>
    %eq3A_1184 = arith.cmpi eq, %select_n3A_1179, %select_n3A_1180 : vector<4x8192xi32>
    %lt3A_1185 = arith.cmpi slt, %select_n3A_1181, %select_n3A_1182 : vector<4x8192xi32>
    %and3A_1186 = arith.andi %eq3A_1184, %lt3A_1185 : vector<4x8192xi1>
    %or3A_1187 = arith.ori %gt3A_1183, %and3A_1186 : vector<4x8192xi1>
    %xor3A_1188 = arith.xori %or3A_1187, %eq3A_1162 : vector<4x8192xi1>
    %select_n3A_1189 = arith.select %xor3A_1188, %select_n3A_1177, %select_n3A_1155 : vector<4x8192xi1>, vector<4x8192xi32>
    %select_n3A_1190 = arith.select %xor3A_1188, %select_n3A_1178, %select_n3A_1156 : vector<4x8192xi1>, vector<4x8192xi32>
    %and3A_1191 = arith.constant 256 : i32
    %and3A_1192 = vector.broadcast %and3A_1191 : i32 to vector<4x8192xi32>
    %and3A_1193 = arith.andi %iota3A_6, %and3A_1192 : vector<4x8192xi32>
    %eq3A_1194 = arith.constant 0 : i32
    %eq3A_1195 = vector.broadcast %eq3A_1194 : i32 to vector<4x8192xi32>
    %eq3A_1196 = arith.cmpi eq, %and3A_1193, %eq3A_1195 : vector<4x8192xi32>
    %roll3A_1197 = arith.constant 8191 : i32
    %roll3A_1198 = tpu.dynamic_rotate %select_n3A_1189 by %roll3A_1197 dim 1 : vector<4x8192xi32>, i32 -> vector<4x8192xi32>
    %roll3A_1199 = arith.constant 1 : i32
    %roll3A_1200 = tpu.dynamic_rotate %select_n3A_1189 by %roll3A_1199 dim 1 : vector<4x8192xi32>, i32 -> vector<4x8192xi32>
    %roll3A_1201 = arith.constant 8191 : i32
    %roll3A_1202 = tpu.dynamic_rotate %select_n3A_1190 by %roll3A_1201 dim 1 : vector<4x8192xi32>, i32 -> vector<4x8192xi32>
    %roll3A_1203 = arith.constant 1 : i32
    %roll3A_1204 = tpu.dynamic_rotate %select_n3A_1190 by %roll3A_1203 dim 1 : vector<4x8192xi32>, i32 -> vector<4x8192xi32>
    %and3A_1205 = arith.constant 1 : i32
    %and3A_1206 = vector.broadcast %and3A_1205 : i32 to vector<4x8192xi32>
    %and3A_1207 = arith.andi %iota3A_6, %and3A_1206 : vector<4x8192xi32>
    %ne3A_1208 = arith.constant 0 : i32
    %ne3A_1209 = vector.broadcast %ne3A_1208 : i32 to vector<4x8192xi32>
    %ne3A_1210 = arith.cmpi ne, %and3A_1207, %ne3A_1209 : vector<4x8192xi32>
    %select_n3A_1211 = arith.select %ne3A_1210, %roll3A_1200, %roll3A_1198 : vector<4x8192xi1>, vector<4x8192xi32>
    %select_n3A_1212 = arith.select %ne3A_1210, %roll3A_1204, %roll3A_1202 : vector<4x8192xi1>, vector<4x8192xi32>
    %select_n3A_1213 = arith.select %ne3A_1210, %select_n3A_1211, %select_n3A_1189 : vector<4x8192xi1>, vector<4x8192xi32>
    %select_n3A_1214 = arith.select %ne3A_1210, %select_n3A_1189, %select_n3A_1211 : vector<4x8192xi1>, vector<4x8192xi32>
    %select_n3A_1215 = arith.select %ne3A_1210, %select_n3A_1212, %select_n3A_1190 : vector<4x8192xi1>, vector<4x8192xi32>
    %select_n3A_1216 = arith.select %ne3A_1210, %select_n3A_1190, %select_n3A_1212 : vector<4x8192xi1>, vector<4x8192xi32>
    %gt3A_1217 = arith.cmpi sgt, %select_n3A_1213, %select_n3A_1214 : vector<4x8192xi32>
    %eq3A_1218 = arith.cmpi eq, %select_n3A_1213, %select_n3A_1214 : vector<4x8192xi32>
    %lt3A_1219 = arith.cmpi slt, %select_n3A_1215, %select_n3A_1216 : vector<4x8192xi32>
    %and3A_1220 = arith.andi %eq3A_1218, %lt3A_1219 : vector<4x8192xi1>
    %or3A_1221 = arith.ori %gt3A_1217, %and3A_1220 : vector<4x8192xi1>
    %xor3A_1222 = arith.xori %or3A_1221, %eq3A_1196 : vector<4x8192xi1>
    %select_n3A_1223 = arith.select %xor3A_1222, %select_n3A_1211, %select_n3A_1189 : vector<4x8192xi1>, vector<4x8192xi32>
    %select_n3A_1224 = arith.select %xor3A_1222, %select_n3A_1212, %select_n3A_1190 : vector<4x8192xi1>, vector<4x8192xi32>
    %and3A_1225 = arith.constant 512 : i32
    %and3A_1226 = vector.broadcast %and3A_1225 : i32 to vector<4x8192xi32>
    %and3A_1227 = arith.andi %iota3A_6, %and3A_1226 : vector<4x8192xi32>
    %eq3A_1228 = arith.constant 0 : i32
    %eq3A_1229 = vector.broadcast %eq3A_1228 : i32 to vector<4x8192xi32>
    %eq3A_1230 = arith.cmpi eq, %and3A_1227, %eq3A_1229 : vector<4x8192xi32>
    %roll3A_1231 = arith.constant 7936 : i32
    %roll3A_1232 = tpu.dynamic_rotate %select_n3A_1223 by %roll3A_1231 dim 1 : vector<4x8192xi32>, i32 -> vector<4x8192xi32>
    %roll3A_1233 = arith.constant 256 : i32
    %roll3A_1234 = tpu.dynamic_rotate %select_n3A_1223 by %roll3A_1233 dim 1 : vector<4x8192xi32>, i32 -> vector<4x8192xi32>
    %roll3A_1235 = arith.constant 7936 : i32
    %roll3A_1236 = tpu.dynamic_rotate %select_n3A_1224 by %roll3A_1235 dim 1 : vector<4x8192xi32>, i32 -> vector<4x8192xi32>
    %roll3A_1237 = arith.constant 256 : i32
    %roll3A_1238 = tpu.dynamic_rotate %select_n3A_1224 by %roll3A_1237 dim 1 : vector<4x8192xi32>, i32 -> vector<4x8192xi32>
    %and3A_1239 = arith.constant 256 : i32
    %and3A_1240 = vector.broadcast %and3A_1239 : i32 to vector<4x8192xi32>
    %and3A_1241 = arith.andi %iota3A_6, %and3A_1240 : vector<4x8192xi32>
    %ne3A_1242 = arith.constant 0 : i32
    %ne3A_1243 = vector.broadcast %ne3A_1242 : i32 to vector<4x8192xi32>
    %ne3A_1244 = arith.cmpi ne, %and3A_1241, %ne3A_1243 : vector<4x8192xi32>
    %select_n3A_1245 = arith.select %ne3A_1244, %roll3A_1234, %roll3A_1232 : vector<4x8192xi1>, vector<4x8192xi32>
    %select_n3A_1246 = arith.select %ne3A_1244, %roll3A_1238, %roll3A_1236 : vector<4x8192xi1>, vector<4x8192xi32>
    %select_n3A_1247 = arith.select %ne3A_1244, %select_n3A_1245, %select_n3A_1223 : vector<4x8192xi1>, vector<4x8192xi32>
    %select_n3A_1248 = arith.select %ne3A_1244, %select_n3A_1223, %select_n3A_1245 : vector<4x8192xi1>, vector<4x8192xi32>
    %select_n3A_1249 = arith.select %ne3A_1244, %select_n3A_1246, %select_n3A_1224 : vector<4x8192xi1>, vector<4x8192xi32>
    %select_n3A_1250 = arith.select %ne3A_1244, %select_n3A_1224, %select_n3A_1246 : vector<4x8192xi1>, vector<4x8192xi32>
    %gt3A_1251 = arith.cmpi sgt, %select_n3A_1247, %select_n3A_1248 : vector<4x8192xi32>
    %eq3A_1252 = arith.cmpi eq, %select_n3A_1247, %select_n3A_1248 : vector<4x8192xi32>
    %lt3A_1253 = arith.cmpi slt, %select_n3A_1249, %select_n3A_1250 : vector<4x8192xi32>
    %and3A_1254 = arith.andi %eq3A_1252, %lt3A_1253 : vector<4x8192xi1>
    %or3A_1255 = arith.ori %gt3A_1251, %and3A_1254 : vector<4x8192xi1>
    %xor3A_1256 = arith.xori %or3A_1255, %eq3A_1230 : vector<4x8192xi1>
    %select_n3A_1257 = arith.select %xor3A_1256, %select_n3A_1245, %select_n3A_1223 : vector<4x8192xi1>, vector<4x8192xi32>
    %select_n3A_1258 = arith.select %xor3A_1256, %select_n3A_1246, %select_n3A_1224 : vector<4x8192xi1>, vector<4x8192xi32>
    %and3A_1259 = arith.constant 512 : i32
    %and3A_1260 = vector.broadcast %and3A_1259 : i32 to vector<4x8192xi32>
    %and3A_1261 = arith.andi %iota3A_6, %and3A_1260 : vector<4x8192xi32>
    %eq3A_1262 = arith.constant 0 : i32
    %eq3A_1263 = vector.broadcast %eq3A_1262 : i32 to vector<4x8192xi32>
    %eq3A_1264 = arith.cmpi eq, %and3A_1261, %eq3A_1263 : vector<4x8192xi32>
    %roll3A_1265 = arith.constant 8064 : i32
    %roll3A_1266 = tpu.dynamic_rotate %select_n3A_1257 by %roll3A_1265 dim 1 : vector<4x8192xi32>, i32 -> vector<4x8192xi32>
    %roll3A_1267 = arith.constant 128 : i32
    %roll3A_1268 = tpu.dynamic_rotate %select_n3A_1257 by %roll3A_1267 dim 1 : vector<4x8192xi32>, i32 -> vector<4x8192xi32>
    %roll3A_1269 = arith.constant 8064 : i32
    %roll3A_1270 = tpu.dynamic_rotate %select_n3A_1258 by %roll3A_1269 dim 1 : vector<4x8192xi32>, i32 -> vector<4x8192xi32>
    %roll3A_1271 = arith.constant 128 : i32
    %roll3A_1272 = tpu.dynamic_rotate %select_n3A_1258 by %roll3A_1271 dim 1 : vector<4x8192xi32>, i32 -> vector<4x8192xi32>
    %and3A_1273 = arith.constant 128 : i32
    %and3A_1274 = vector.broadcast %and3A_1273 : i32 to vector<4x8192xi32>
    %and3A_1275 = arith.andi %iota3A_6, %and3A_1274 : vector<4x8192xi32>
    %ne3A_1276 = arith.constant 0 : i32
    %ne3A_1277 = vector.broadcast %ne3A_1276 : i32 to vector<4x8192xi32>
    %ne3A_1278 = arith.cmpi ne, %and3A_1275, %ne3A_1277 : vector<4x8192xi32>
    %select_n3A_1279 = arith.select %ne3A_1278, %roll3A_1268, %roll3A_1266 : vector<4x8192xi1>, vector<4x8192xi32>
    %select_n3A_1280 = arith.select %ne3A_1278, %roll3A_1272, %roll3A_1270 : vector<4x8192xi1>, vector<4x8192xi32>
    %select_n3A_1281 = arith.select %ne3A_1278, %select_n3A_1279, %select_n3A_1257 : vector<4x8192xi1>, vector<4x8192xi32>
    %select_n3A_1282 = arith.select %ne3A_1278, %select_n3A_1257, %select_n3A_1279 : vector<4x8192xi1>, vector<4x8192xi32>
    %select_n3A_1283 = arith.select %ne3A_1278, %select_n3A_1280, %select_n3A_1258 : vector<4x8192xi1>, vector<4x8192xi32>
    %select_n3A_1284 = arith.select %ne3A_1278, %select_n3A_1258, %select_n3A_1280 : vector<4x8192xi1>, vector<4x8192xi32>
    %gt3A_1285 = arith.cmpi sgt, %select_n3A_1281, %select_n3A_1282 : vector<4x8192xi32>
    %eq3A_1286 = arith.cmpi eq, %select_n3A_1281, %select_n3A_1282 : vector<4x8192xi32>
    %lt3A_1287 = arith.cmpi slt, %select_n3A_1283, %select_n3A_1284 : vector<4x8192xi32>
    %and3A_1288 = arith.andi %eq3A_1286, %lt3A_1287 : vector<4x8192xi1>
    %or3A_1289 = arith.ori %gt3A_1285, %and3A_1288 : vector<4x8192xi1>
    %xor3A_1290 = arith.xori %or3A_1289, %eq3A_1264 : vector<4x8192xi1>
    %select_n3A_1291 = arith.select %xor3A_1290, %select_n3A_1279, %select_n3A_1257 : vector<4x8192xi1>, vector<4x8192xi32>
    %select_n3A_1292 = arith.select %xor3A_1290, %select_n3A_1280, %select_n3A_1258 : vector<4x8192xi1>, vector<4x8192xi32>
    %and3A_1293 = arith.constant 512 : i32
    %and3A_1294 = vector.broadcast %and3A_1293 : i32 to vector<4x8192xi32>
    %and3A_1295 = arith.andi %iota3A_6, %and3A_1294 : vector<4x8192xi32>
    %eq3A_1296 = arith.constant 0 : i32
    %eq3A_1297 = vector.broadcast %eq3A_1296 : i32 to vector<4x8192xi32>
    %eq3A_1298 = arith.cmpi eq, %and3A_1295, %eq3A_1297 : vector<4x8192xi32>
    %roll3A_1299 = arith.constant 8128 : i32
    %roll3A_1300 = tpu.dynamic_rotate %select_n3A_1291 by %roll3A_1299 dim 1 : vector<4x8192xi32>, i32 -> vector<4x8192xi32>
    %roll3A_1301 = arith.constant 64 : i32
    %roll3A_1302 = tpu.dynamic_rotate %select_n3A_1291 by %roll3A_1301 dim 1 : vector<4x8192xi32>, i32 -> vector<4x8192xi32>
    %roll3A_1303 = arith.constant 8128 : i32
    %roll3A_1304 = tpu.dynamic_rotate %select_n3A_1292 by %roll3A_1303 dim 1 : vector<4x8192xi32>, i32 -> vector<4x8192xi32>
    %roll3A_1305 = arith.constant 64 : i32
    %roll3A_1306 = tpu.dynamic_rotate %select_n3A_1292 by %roll3A_1305 dim 1 : vector<4x8192xi32>, i32 -> vector<4x8192xi32>
    %and3A_1307 = arith.constant 64 : i32
    %and3A_1308 = vector.broadcast %and3A_1307 : i32 to vector<4x8192xi32>
    %and3A_1309 = arith.andi %iota3A_6, %and3A_1308 : vector<4x8192xi32>
    %ne3A_1310 = arith.constant 0 : i32
    %ne3A_1311 = vector.broadcast %ne3A_1310 : i32 to vector<4x8192xi32>
    %ne3A_1312 = arith.cmpi ne, %and3A_1309, %ne3A_1311 : vector<4x8192xi32>
    %select_n3A_1313 = arith.select %ne3A_1312, %roll3A_1302, %roll3A_1300 : vector<4x8192xi1>, vector<4x8192xi32>
    %select_n3A_1314 = arith.select %ne3A_1312, %roll3A_1306, %roll3A_1304 : vector<4x8192xi1>, vector<4x8192xi32>
    %select_n3A_1315 = arith.select %ne3A_1312, %select_n3A_1313, %select_n3A_1291 : vector<4x8192xi1>, vector<4x8192xi32>
    %select_n3A_1316 = arith.select %ne3A_1312, %select_n3A_1291, %select_n3A_1313 : vector<4x8192xi1>, vector<4x8192xi32>
    %select_n3A_1317 = arith.select %ne3A_1312, %select_n3A_1314, %select_n3A_1292 : vector<4x8192xi1>, vector<4x8192xi32>
    %select_n3A_1318 = arith.select %ne3A_1312, %select_n3A_1292, %select_n3A_1314 : vector<4x8192xi1>, vector<4x8192xi32>
    %gt3A_1319 = arith.cmpi sgt, %select_n3A_1315, %select_n3A_1316 : vector<4x8192xi32>
    %eq3A_1320 = arith.cmpi eq, %select_n3A_1315, %select_n3A_1316 : vector<4x8192xi32>
    %lt3A_1321 = arith.cmpi slt, %select_n3A_1317, %select_n3A_1318 : vector<4x8192xi32>
    %and3A_1322 = arith.andi %eq3A_1320, %lt3A_1321 : vector<4x8192xi1>
    %or3A_1323 = arith.ori %gt3A_1319, %and3A_1322 : vector<4x8192xi1>
    %xor3A_1324 = arith.xori %or3A_1323, %eq3A_1298 : vector<4x8192xi1>
    %select_n3A_1325 = arith.select %xor3A_1324, %select_n3A_1313, %select_n3A_1291 : vector<4x8192xi1>, vector<4x8192xi32>
    %select_n3A_1326 = arith.select %xor3A_1324, %select_n3A_1314, %select_n3A_1292 : vector<4x8192xi1>, vector<4x8192xi32>
    %and3A_1327 = arith.constant 512 : i32
    %and3A_1328 = vector.broadcast %and3A_1327 : i32 to vector<4x8192xi32>
    %and3A_1329 = arith.andi %iota3A_6, %and3A_1328 : vector<4x8192xi32>
    %eq3A_1330 = arith.constant 0 : i32
    %eq3A_1331 = vector.broadcast %eq3A_1330 : i32 to vector<4x8192xi32>
    %eq3A_1332 = arith.cmpi eq, %and3A_1329, %eq3A_1331 : vector<4x8192xi32>
    %roll3A_1333 = arith.constant 8160 : i32
    %roll3A_1334 = tpu.dynamic_rotate %select_n3A_1325 by %roll3A_1333 dim 1 : vector<4x8192xi32>, i32 -> vector<4x8192xi32>
    %roll3A_1335 = arith.constant 32 : i32
    %roll3A_1336 = tpu.dynamic_rotate %select_n3A_1325 by %roll3A_1335 dim 1 : vector<4x8192xi32>, i32 -> vector<4x8192xi32>
    %roll3A_1337 = arith.constant 8160 : i32
    %roll3A_1338 = tpu.dynamic_rotate %select_n3A_1326 by %roll3A_1337 dim 1 : vector<4x8192xi32>, i32 -> vector<4x8192xi32>
    %roll3A_1339 = arith.constant 32 : i32
    %roll3A_1340 = tpu.dynamic_rotate %select_n3A_1326 by %roll3A_1339 dim 1 : vector<4x8192xi32>, i32 -> vector<4x8192xi32>
    %and3A_1341 = arith.constant 32 : i32
    %and3A_1342 = vector.broadcast %and3A_1341 : i32 to vector<4x8192xi32>
    %and3A_1343 = arith.andi %iota3A_6, %and3A_1342 : vector<4x8192xi32>
    %ne3A_1344 = arith.constant 0 : i32
    %ne3A_1345 = vector.broadcast %ne3A_1344 : i32 to vector<4x8192xi32>
    %ne3A_1346 = arith.cmpi ne, %and3A_1343, %ne3A_1345 : vector<4x8192xi32>
    %select_n3A_1347 = arith.select %ne3A_1346, %roll3A_1336, %roll3A_1334 : vector<4x8192xi1>, vector<4x8192xi32>
    %select_n3A_1348 = arith.select %ne3A_1346, %roll3A_1340, %roll3A_1338 : vector<4x8192xi1>, vector<4x8192xi32>
    %select_n3A_1349 = arith.select %ne3A_1346, %select_n3A_1347, %select_n3A_1325 : vector<4x8192xi1>, vector<4x8192xi32>
    %select_n3A_1350 = arith.select %ne3A_1346, %select_n3A_1325, %select_n3A_1347 : vector<4x8192xi1>, vector<4x8192xi32>
    %select_n3A_1351 = arith.select %ne3A_1346, %select_n3A_1348, %select_n3A_1326 : vector<4x8192xi1>, vector<4x8192xi32>
    %select_n3A_1352 = arith.select %ne3A_1346, %select_n3A_1326, %select_n3A_1348 : vector<4x8192xi1>, vector<4x8192xi32>
    %gt3A_1353 = arith.cmpi sgt, %select_n3A_1349, %select_n3A_1350 : vector<4x8192xi32>
    %eq3A_1354 = arith.cmpi eq, %select_n3A_1349, %select_n3A_1350 : vector<4x8192xi32>
    %lt3A_1355 = arith.cmpi slt, %select_n3A_1351, %select_n3A_1352 : vector<4x8192xi32>
    %and3A_1356 = arith.andi %eq3A_1354, %lt3A_1355 : vector<4x8192xi1>
    %or3A_1357 = arith.ori %gt3A_1353, %and3A_1356 : vector<4x8192xi1>
    %xor3A_1358 = arith.xori %or3A_1357, %eq3A_1332 : vector<4x8192xi1>
    %select_n3A_1359 = arith.select %xor3A_1358, %select_n3A_1347, %select_n3A_1325 : vector<4x8192xi1>, vector<4x8192xi32>
    %select_n3A_1360 = arith.select %xor3A_1358, %select_n3A_1348, %select_n3A_1326 : vector<4x8192xi1>, vector<4x8192xi32>
    %and3A_1361 = arith.constant 512 : i32
    %and3A_1362 = vector.broadcast %and3A_1361 : i32 to vector<4x8192xi32>
    %and3A_1363 = arith.andi %iota3A_6, %and3A_1362 : vector<4x8192xi32>
    %eq3A_1364 = arith.constant 0 : i32
    %eq3A_1365 = vector.broadcast %eq3A_1364 : i32 to vector<4x8192xi32>
    %eq3A_1366 = arith.cmpi eq, %and3A_1363, %eq3A_1365 : vector<4x8192xi32>
    %roll3A_1367 = arith.constant 8176 : i32
    %roll3A_1368 = tpu.dynamic_rotate %select_n3A_1359 by %roll3A_1367 dim 1 : vector<4x8192xi32>, i32 -> vector<4x8192xi32>
    %roll3A_1369 = arith.constant 16 : i32
    %roll3A_1370 = tpu.dynamic_rotate %select_n3A_1359 by %roll3A_1369 dim 1 : vector<4x8192xi32>, i32 -> vector<4x8192xi32>
    %roll3A_1371 = arith.constant 8176 : i32
    %roll3A_1372 = tpu.dynamic_rotate %select_n3A_1360 by %roll3A_1371 dim 1 : vector<4x8192xi32>, i32 -> vector<4x8192xi32>
    %roll3A_1373 = arith.constant 16 : i32
    %roll3A_1374 = tpu.dynamic_rotate %select_n3A_1360 by %roll3A_1373 dim 1 : vector<4x8192xi32>, i32 -> vector<4x8192xi32>
    %and3A_1375 = arith.constant 16 : i32
    %and3A_1376 = vector.broadcast %and3A_1375 : i32 to vector<4x8192xi32>
    %and3A_1377 = arith.andi %iota3A_6, %and3A_1376 : vector<4x8192xi32>
    %ne3A_1378 = arith.constant 0 : i32
    %ne3A_1379 = vector.broadcast %ne3A_1378 : i32 to vector<4x8192xi32>
    %ne3A_1380 = arith.cmpi ne, %and3A_1377, %ne3A_1379 : vector<4x8192xi32>
    %select_n3A_1381 = arith.select %ne3A_1380, %roll3A_1370, %roll3A_1368 : vector<4x8192xi1>, vector<4x8192xi32>
    %select_n3A_1382 = arith.select %ne3A_1380, %roll3A_1374, %roll3A_1372 : vector<4x8192xi1>, vector<4x8192xi32>
    %select_n3A_1383 = arith.select %ne3A_1380, %select_n3A_1381, %select_n3A_1359 : vector<4x8192xi1>, vector<4x8192xi32>
    %select_n3A_1384 = arith.select %ne3A_1380, %select_n3A_1359, %select_n3A_1381 : vector<4x8192xi1>, vector<4x8192xi32>
    %select_n3A_1385 = arith.select %ne3A_1380, %select_n3A_1382, %select_n3A_1360 : vector<4x8192xi1>, vector<4x8192xi32>
    %select_n3A_1386 = arith.select %ne3A_1380, %select_n3A_1360, %select_n3A_1382 : vector<4x8192xi1>, vector<4x8192xi32>
    %gt3A_1387 = arith.cmpi sgt, %select_n3A_1383, %select_n3A_1384 : vector<4x8192xi32>
    %eq3A_1388 = arith.cmpi eq, %select_n3A_1383, %select_n3A_1384 : vector<4x8192xi32>
    %lt3A_1389 = arith.cmpi slt, %select_n3A_1385, %select_n3A_1386 : vector<4x8192xi32>
    %and3A_1390 = arith.andi %eq3A_1388, %lt3A_1389 : vector<4x8192xi1>
    %or3A_1391 = arith.ori %gt3A_1387, %and3A_1390 : vector<4x8192xi1>
    %xor3A_1392 = arith.xori %or3A_1391, %eq3A_1366 : vector<4x8192xi1>
    %select_n3A_1393 = arith.select %xor3A_1392, %select_n3A_1381, %select_n3A_1359 : vector<4x8192xi1>, vector<4x8192xi32>
    %select_n3A_1394 = arith.select %xor3A_1392, %select_n3A_1382, %select_n3A_1360 : vector<4x8192xi1>, vector<4x8192xi32>
    %and3A_1395 = arith.constant 512 : i32
    %and3A_1396 = vector.broadcast %and3A_1395 : i32 to vector<4x8192xi32>
    %and3A_1397 = arith.andi %iota3A_6, %and3A_1396 : vector<4x8192xi32>
    %eq3A_1398 = arith.constant 0 : i32
    %eq3A_1399 = vector.broadcast %eq3A_1398 : i32 to vector<4x8192xi32>
    %eq3A_1400 = arith.cmpi eq, %and3A_1397, %eq3A_1399 : vector<4x8192xi32>
    %roll3A_1401 = arith.constant 8184 : i32
    %roll3A_1402 = tpu.dynamic_rotate %select_n3A_1393 by %roll3A_1401 dim 1 : vector<4x8192xi32>, i32 -> vector<4x8192xi32>
    %roll3A_1403 = arith.constant 8 : i32
    %roll3A_1404 = tpu.dynamic_rotate %select_n3A_1393 by %roll3A_1403 dim 1 : vector<4x8192xi32>, i32 -> vector<4x8192xi32>
    %roll3A_1405 = arith.constant 8184 : i32
    %roll3A_1406 = tpu.dynamic_rotate %select_n3A_1394 by %roll3A_1405 dim 1 : vector<4x8192xi32>, i32 -> vector<4x8192xi32>
    %roll3A_1407 = arith.constant 8 : i32
    %roll3A_1408 = tpu.dynamic_rotate %select_n3A_1394 by %roll3A_1407 dim 1 : vector<4x8192xi32>, i32 -> vector<4x8192xi32>
    %and3A_1409 = arith.constant 8 : i32
    %and3A_1410 = vector.broadcast %and3A_1409 : i32 to vector<4x8192xi32>
    %and3A_1411 = arith.andi %iota3A_6, %and3A_1410 : vector<4x8192xi32>
    %ne3A_1412 = arith.constant 0 : i32
    %ne3A_1413 = vector.broadcast %ne3A_1412 : i32 to vector<4x8192xi32>
    %ne3A_1414 = arith.cmpi ne, %and3A_1411, %ne3A_1413 : vector<4x8192xi32>
    %select_n3A_1415 = arith.select %ne3A_1414, %roll3A_1404, %roll3A_1402 : vector<4x8192xi1>, vector<4x8192xi32>
    %select_n3A_1416 = arith.select %ne3A_1414, %roll3A_1408, %roll3A_1406 : vector<4x8192xi1>, vector<4x8192xi32>
    %select_n3A_1417 = arith.select %ne3A_1414, %select_n3A_1415, %select_n3A_1393 : vector<4x8192xi1>, vector<4x8192xi32>
    %select_n3A_1418 = arith.select %ne3A_1414, %select_n3A_1393, %select_n3A_1415 : vector<4x8192xi1>, vector<4x8192xi32>
    %select_n3A_1419 = arith.select %ne3A_1414, %select_n3A_1416, %select_n3A_1394 : vector<4x8192xi1>, vector<4x8192xi32>
    %select_n3A_1420 = arith.select %ne3A_1414, %select_n3A_1394, %select_n3A_1416 : vector<4x8192xi1>, vector<4x8192xi32>
    %gt3A_1421 = arith.cmpi sgt, %select_n3A_1417, %select_n3A_1418 : vector<4x8192xi32>
    %eq3A_1422 = arith.cmpi eq, %select_n3A_1417, %select_n3A_1418 : vector<4x8192xi32>
    %lt3A_1423 = arith.cmpi slt, %select_n3A_1419, %select_n3A_1420 : vector<4x8192xi32>
    %and3A_1424 = arith.andi %eq3A_1422, %lt3A_1423 : vector<4x8192xi1>
    %or3A_1425 = arith.ori %gt3A_1421, %and3A_1424 : vector<4x8192xi1>
    %xor3A_1426 = arith.xori %or3A_1425, %eq3A_1400 : vector<4x8192xi1>
    %select_n3A_1427 = arith.select %xor3A_1426, %select_n3A_1415, %select_n3A_1393 : vector<4x8192xi1>, vector<4x8192xi32>
    %select_n3A_1428 = arith.select %xor3A_1426, %select_n3A_1416, %select_n3A_1394 : vector<4x8192xi1>, vector<4x8192xi32>
    %and3A_1429 = arith.constant 512 : i32
    %and3A_1430 = vector.broadcast %and3A_1429 : i32 to vector<4x8192xi32>
    %and3A_1431 = arith.andi %iota3A_6, %and3A_1430 : vector<4x8192xi32>
    %eq3A_1432 = arith.constant 0 : i32
    %eq3A_1433 = vector.broadcast %eq3A_1432 : i32 to vector<4x8192xi32>
    %eq3A_1434 = arith.cmpi eq, %and3A_1431, %eq3A_1433 : vector<4x8192xi32>
    %roll3A_1435 = arith.constant 8188 : i32
    %roll3A_1436 = tpu.dynamic_rotate %select_n3A_1427 by %roll3A_1435 dim 1 : vector<4x8192xi32>, i32 -> vector<4x8192xi32>
    %roll3A_1437 = arith.constant 4 : i32
    %roll3A_1438 = tpu.dynamic_rotate %select_n3A_1427 by %roll3A_1437 dim 1 : vector<4x8192xi32>, i32 -> vector<4x8192xi32>
    %roll3A_1439 = arith.constant 8188 : i32
    %roll3A_1440 = tpu.dynamic_rotate %select_n3A_1428 by %roll3A_1439 dim 1 : vector<4x8192xi32>, i32 -> vector<4x8192xi32>
    %roll3A_1441 = arith.constant 4 : i32
    %roll3A_1442 = tpu.dynamic_rotate %select_n3A_1428 by %roll3A_1441 dim 1 : vector<4x8192xi32>, i32 -> vector<4x8192xi32>
    %and3A_1443 = arith.constant 4 : i32
    %and3A_1444 = vector.broadcast %and3A_1443 : i32 to vector<4x8192xi32>
    %and3A_1445 = arith.andi %iota3A_6, %and3A_1444 : vector<4x8192xi32>
    %ne3A_1446 = arith.constant 0 : i32
    %ne3A_1447 = vector.broadcast %ne3A_1446 : i32 to vector<4x8192xi32>
    %ne3A_1448 = arith.cmpi ne, %and3A_1445, %ne3A_1447 : vector<4x8192xi32>
    %select_n3A_1449 = arith.select %ne3A_1448, %roll3A_1438, %roll3A_1436 : vector<4x8192xi1>, vector<4x8192xi32>
    %select_n3A_1450 = arith.select %ne3A_1448, %roll3A_1442, %roll3A_1440 : vector<4x8192xi1>, vector<4x8192xi32>
    %select_n3A_1451 = arith.select %ne3A_1448, %select_n3A_1449, %select_n3A_1427 : vector<4x8192xi1>, vector<4x8192xi32>
    %select_n3A_1452 = arith.select %ne3A_1448, %select_n3A_1427, %select_n3A_1449 : vector<4x8192xi1>, vector<4x8192xi32>
    %select_n3A_1453 = arith.select %ne3A_1448, %select_n3A_1450, %select_n3A_1428 : vector<4x8192xi1>, vector<4x8192xi32>
    %select_n3A_1454 = arith.select %ne3A_1448, %select_n3A_1428, %select_n3A_1450 : vector<4x8192xi1>, vector<4x8192xi32>
    %gt3A_1455 = arith.cmpi sgt, %select_n3A_1451, %select_n3A_1452 : vector<4x8192xi32>
    %eq3A_1456 = arith.cmpi eq, %select_n3A_1451, %select_n3A_1452 : vector<4x8192xi32>
    %lt3A_1457 = arith.cmpi slt, %select_n3A_1453, %select_n3A_1454 : vector<4x8192xi32>
    %and3A_1458 = arith.andi %eq3A_1456, %lt3A_1457 : vector<4x8192xi1>
    %or3A_1459 = arith.ori %gt3A_1455, %and3A_1458 : vector<4x8192xi1>
    %xor3A_1460 = arith.xori %or3A_1459, %eq3A_1434 : vector<4x8192xi1>
    %select_n3A_1461 = arith.select %xor3A_1460, %select_n3A_1449, %select_n3A_1427 : vector<4x8192xi1>, vector<4x8192xi32>
    %select_n3A_1462 = arith.select %xor3A_1460, %select_n3A_1450, %select_n3A_1428 : vector<4x8192xi1>, vector<4x8192xi32>
    %and3A_1463 = arith.constant 512 : i32
    %and3A_1464 = vector.broadcast %and3A_1463 : i32 to vector<4x8192xi32>
    %and3A_1465 = arith.andi %iota3A_6, %and3A_1464 : vector<4x8192xi32>
    %eq3A_1466 = arith.constant 0 : i32
    %eq3A_1467 = vector.broadcast %eq3A_1466 : i32 to vector<4x8192xi32>
    %eq3A_1468 = arith.cmpi eq, %and3A_1465, %eq3A_1467 : vector<4x8192xi32>
    %roll3A_1469 = arith.constant 8190 : i32
    %roll3A_1470 = tpu.dynamic_rotate %select_n3A_1461 by %roll3A_1469 dim 1 : vector<4x8192xi32>, i32 -> vector<4x8192xi32>
    %roll3A_1471 = arith.constant 2 : i32
    %roll3A_1472 = tpu.dynamic_rotate %select_n3A_1461 by %roll3A_1471 dim 1 : vector<4x8192xi32>, i32 -> vector<4x8192xi32>
    %roll3A_1473 = arith.constant 8190 : i32
    %roll3A_1474 = tpu.dynamic_rotate %select_n3A_1462 by %roll3A_1473 dim 1 : vector<4x8192xi32>, i32 -> vector<4x8192xi32>
    %roll3A_1475 = arith.constant 2 : i32
    %roll3A_1476 = tpu.dynamic_rotate %select_n3A_1462 by %roll3A_1475 dim 1 : vector<4x8192xi32>, i32 -> vector<4x8192xi32>
    %and3A_1477 = arith.constant 2 : i32
    %and3A_1478 = vector.broadcast %and3A_1477 : i32 to vector<4x8192xi32>
    %and3A_1479 = arith.andi %iota3A_6, %and3A_1478 : vector<4x8192xi32>
    %ne3A_1480 = arith.constant 0 : i32
    %ne3A_1481 = vector.broadcast %ne3A_1480 : i32 to vector<4x8192xi32>
    %ne3A_1482 = arith.cmpi ne, %and3A_1479, %ne3A_1481 : vector<4x8192xi32>
    %select_n3A_1483 = arith.select %ne3A_1482, %roll3A_1472, %roll3A_1470 : vector<4x8192xi1>, vector<4x8192xi32>
    %select_n3A_1484 = arith.select %ne3A_1482, %roll3A_1476, %roll3A_1474 : vector<4x8192xi1>, vector<4x8192xi32>
    %select_n3A_1485 = arith.select %ne3A_1482, %select_n3A_1483, %select_n3A_1461 : vector<4x8192xi1>, vector<4x8192xi32>
    %select_n3A_1486 = arith.select %ne3A_1482, %select_n3A_1461, %select_n3A_1483 : vector<4x8192xi1>, vector<4x8192xi32>
    %select_n3A_1487 = arith.select %ne3A_1482, %select_n3A_1484, %select_n3A_1462 : vector<4x8192xi1>, vector<4x8192xi32>
    %select_n3A_1488 = arith.select %ne3A_1482, %select_n3A_1462, %select_n3A_1484 : vector<4x8192xi1>, vector<4x8192xi32>
    %gt3A_1489 = arith.cmpi sgt, %select_n3A_1485, %select_n3A_1486 : vector<4x8192xi32>
    %eq3A_1490 = arith.cmpi eq, %select_n3A_1485, %select_n3A_1486 : vector<4x8192xi32>
    %lt3A_1491 = arith.cmpi slt, %select_n3A_1487, %select_n3A_1488 : vector<4x8192xi32>
    %and3A_1492 = arith.andi %eq3A_1490, %lt3A_1491 : vector<4x8192xi1>
    %or3A_1493 = arith.ori %gt3A_1489, %and3A_1492 : vector<4x8192xi1>
    %xor3A_1494 = arith.xori %or3A_1493, %eq3A_1468 : vector<4x8192xi1>
    %select_n3A_1495 = arith.select %xor3A_1494, %select_n3A_1483, %select_n3A_1461 : vector<4x8192xi1>, vector<4x8192xi32>
    %select_n3A_1496 = arith.select %xor3A_1494, %select_n3A_1484, %select_n3A_1462 : vector<4x8192xi1>, vector<4x8192xi32>
    %and3A_1497 = arith.constant 512 : i32
    %and3A_1498 = vector.broadcast %and3A_1497 : i32 to vector<4x8192xi32>
    %and3A_1499 = arith.andi %iota3A_6, %and3A_1498 : vector<4x8192xi32>
    %eq3A_1500 = arith.constant 0 : i32
    %eq3A_1501 = vector.broadcast %eq3A_1500 : i32 to vector<4x8192xi32>
    %eq3A_1502 = arith.cmpi eq, %and3A_1499, %eq3A_1501 : vector<4x8192xi32>
    %roll3A_1503 = arith.constant 8191 : i32
    %roll3A_1504 = tpu.dynamic_rotate %select_n3A_1495 by %roll3A_1503 dim 1 : vector<4x8192xi32>, i32 -> vector<4x8192xi32>
    %roll3A_1505 = arith.constant 1 : i32
    %roll3A_1506 = tpu.dynamic_rotate %select_n3A_1495 by %roll3A_1505 dim 1 : vector<4x8192xi32>, i32 -> vector<4x8192xi32>
    %roll3A_1507 = arith.constant 8191 : i32
    %roll3A_1508 = tpu.dynamic_rotate %select_n3A_1496 by %roll3A_1507 dim 1 : vector<4x8192xi32>, i32 -> vector<4x8192xi32>
    %roll3A_1509 = arith.constant 1 : i32
    %roll3A_1510 = tpu.dynamic_rotate %select_n3A_1496 by %roll3A_1509 dim 1 : vector<4x8192xi32>, i32 -> vector<4x8192xi32>
    %and3A_1511 = arith.constant 1 : i32
    %and3A_1512 = vector.broadcast %and3A_1511 : i32 to vector<4x8192xi32>
    %and3A_1513 = arith.andi %iota3A_6, %and3A_1512 : vector<4x8192xi32>
    %ne3A_1514 = arith.constant 0 : i32
    %ne3A_1515 = vector.broadcast %ne3A_1514 : i32 to vector<4x8192xi32>
    %ne3A_1516 = arith.cmpi ne, %and3A_1513, %ne3A_1515 : vector<4x8192xi32>
    %select_n3A_1517 = arith.select %ne3A_1516, %roll3A_1506, %roll3A_1504 : vector<4x8192xi1>, vector<4x8192xi32>
    %select_n3A_1518 = arith.select %ne3A_1516, %roll3A_1510, %roll3A_1508 : vector<4x8192xi1>, vector<4x8192xi32>
    %select_n3A_1519 = arith.select %ne3A_1516, %select_n3A_1517, %select_n3A_1495 : vector<4x8192xi1>, vector<4x8192xi32>
    %select_n3A_1520 = arith.select %ne3A_1516, %select_n3A_1495, %select_n3A_1517 : vector<4x8192xi1>, vector<4x8192xi32>
    %select_n3A_1521 = arith.select %ne3A_1516, %select_n3A_1518, %select_n3A_1496 : vector<4x8192xi1>, vector<4x8192xi32>
    %select_n3A_1522 = arith.select %ne3A_1516, %select_n3A_1496, %select_n3A_1518 : vector<4x8192xi1>, vector<4x8192xi32>
    %gt3A_1523 = arith.cmpi sgt, %select_n3A_1519, %select_n3A_1520 : vector<4x8192xi32>
    %eq3A_1524 = arith.cmpi eq, %select_n3A_1519, %select_n3A_1520 : vector<4x8192xi32>
    %lt3A_1525 = arith.cmpi slt, %select_n3A_1521, %select_n3A_1522 : vector<4x8192xi32>
    %and3A_1526 = arith.andi %eq3A_1524, %lt3A_1525 : vector<4x8192xi1>
    %or3A_1527 = arith.ori %gt3A_1523, %and3A_1526 : vector<4x8192xi1>
    %xor3A_1528 = arith.xori %or3A_1527, %eq3A_1502 : vector<4x8192xi1>
    %select_n3A_1529 = arith.select %xor3A_1528, %select_n3A_1517, %select_n3A_1495 : vector<4x8192xi1>, vector<4x8192xi32>
    %select_n3A_1530 = arith.select %xor3A_1528, %select_n3A_1518, %select_n3A_1496 : vector<4x8192xi1>, vector<4x8192xi32>
    %and3A_1531 = arith.constant 1024 : i32
    %and3A_1532 = vector.broadcast %and3A_1531 : i32 to vector<4x8192xi32>
    %and3A_1533 = arith.andi %iota3A_6, %and3A_1532 : vector<4x8192xi32>
    %eq3A_1534 = arith.constant 0 : i32
    %eq3A_1535 = vector.broadcast %eq3A_1534 : i32 to vector<4x8192xi32>
    %eq3A_1536 = arith.cmpi eq, %and3A_1533, %eq3A_1535 : vector<4x8192xi32>
    %roll3A_1537 = arith.constant 7680 : i32
    %roll3A_1538 = tpu.dynamic_rotate %select_n3A_1529 by %roll3A_1537 dim 1 : vector<4x8192xi32>, i32 -> vector<4x8192xi32>
    %roll3A_1539 = arith.constant 512 : i32
    %roll3A_1540 = tpu.dynamic_rotate %select_n3A_1529 by %roll3A_1539 dim 1 : vector<4x8192xi32>, i32 -> vector<4x8192xi32>
    %roll3A_1541 = arith.constant 7680 : i32
    %roll3A_1542 = tpu.dynamic_rotate %select_n3A_1530 by %roll3A_1541 dim 1 : vector<4x8192xi32>, i32 -> vector<4x8192xi32>
    %roll3A_1543 = arith.constant 512 : i32
    %roll3A_1544 = tpu.dynamic_rotate %select_n3A_1530 by %roll3A_1543 dim 1 : vector<4x8192xi32>, i32 -> vector<4x8192xi32>
    %and3A_1545 = arith.constant 512 : i32
    %and3A_1546 = vector.broadcast %and3A_1545 : i32 to vector<4x8192xi32>
    %and3A_1547 = arith.andi %iota3A_6, %and3A_1546 : vector<4x8192xi32>
    %ne3A_1548 = arith.constant 0 : i32
    %ne3A_1549 = vector.broadcast %ne3A_1548 : i32 to vector<4x8192xi32>
    %ne3A_1550 = arith.cmpi ne, %and3A_1547, %ne3A_1549 : vector<4x8192xi32>
    %select_n3A_1551 = arith.select %ne3A_1550, %roll3A_1540, %roll3A_1538 : vector<4x8192xi1>, vector<4x8192xi32>
    %select_n3A_1552 = arith.select %ne3A_1550, %roll3A_1544, %roll3A_1542 : vector<4x8192xi1>, vector<4x8192xi32>
    %select_n3A_1553 = arith.select %ne3A_1550, %select_n3A_1551, %select_n3A_1529 : vector<4x8192xi1>, vector<4x8192xi32>
    %select_n3A_1554 = arith.select %ne3A_1550, %select_n3A_1529, %select_n3A_1551 : vector<4x8192xi1>, vector<4x8192xi32>
    %select_n3A_1555 = arith.select %ne3A_1550, %select_n3A_1552, %select_n3A_1530 : vector<4x8192xi1>, vector<4x8192xi32>
    %select_n3A_1556 = arith.select %ne3A_1550, %select_n3A_1530, %select_n3A_1552 : vector<4x8192xi1>, vector<4x8192xi32>
    %gt3A_1557 = arith.cmpi sgt, %select_n3A_1553, %select_n3A_1554 : vector<4x8192xi32>
    %eq3A_1558 = arith.cmpi eq, %select_n3A_1553, %select_n3A_1554 : vector<4x8192xi32>
    %lt3A_1559 = arith.cmpi slt, %select_n3A_1555, %select_n3A_1556 : vector<4x8192xi32>
    %and3A_1560 = arith.andi %eq3A_1558, %lt3A_1559 : vector<4x8192xi1>
    %or3A_1561 = arith.ori %gt3A_1557, %and3A_1560 : vector<4x8192xi1>
    %xor3A_1562 = arith.xori %or3A_1561, %eq3A_1536 : vector<4x8192xi1>
    %select_n3A_1563 = arith.select %xor3A_1562, %select_n3A_1551, %select_n3A_1529 : vector<4x8192xi1>, vector<4x8192xi32>
    %select_n3A_1564 = arith.select %xor3A_1562, %select_n3A_1552, %select_n3A_1530 : vector<4x8192xi1>, vector<4x8192xi32>
    %and3A_1565 = arith.constant 1024 : i32
    %and3A_1566 = vector.broadcast %and3A_1565 : i32 to vector<4x8192xi32>
    %and3A_1567 = arith.andi %iota3A_6, %and3A_1566 : vector<4x8192xi32>
    %eq3A_1568 = arith.constant 0 : i32
    %eq3A_1569 = vector.broadcast %eq3A_1568 : i32 to vector<4x8192xi32>
    %eq3A_1570 = arith.cmpi eq, %and3A_1567, %eq3A_1569 : vector<4x8192xi32>
    %roll3A_1571 = arith.constant 7936 : i32
    %roll3A_1572 = tpu.dynamic_rotate %select_n3A_1563 by %roll3A_1571 dim 1 : vector<4x8192xi32>, i32 -> vector<4x8192xi32>
    %roll3A_1573 = arith.constant 256 : i32
    %roll3A_1574 = tpu.dynamic_rotate %select_n3A_1563 by %roll3A_1573 dim 1 : vector<4x8192xi32>, i32 -> vector<4x8192xi32>
    %roll3A_1575 = arith.constant 7936 : i32
    %roll3A_1576 = tpu.dynamic_rotate %select_n3A_1564 by %roll3A_1575 dim 1 : vector<4x8192xi32>, i32 -> vector<4x8192xi32>
    %roll3A_1577 = arith.constant 256 : i32
    %roll3A_1578 = tpu.dynamic_rotate %select_n3A_1564 by %roll3A_1577 dim 1 : vector<4x8192xi32>, i32 -> vector<4x8192xi32>
    %and3A_1579 = arith.constant 256 : i32
    %and3A_1580 = vector.broadcast %and3A_1579 : i32 to vector<4x8192xi32>
    %and3A_1581 = arith.andi %iota3A_6, %and3A_1580 : vector<4x8192xi32>
    %ne3A_1582 = arith.constant 0 : i32
    %ne3A_1583 = vector.broadcast %ne3A_1582 : i32 to vector<4x8192xi32>
    %ne3A_1584 = arith.cmpi ne, %and3A_1581, %ne3A_1583 : vector<4x8192xi32>
    %select_n3A_1585 = arith.select %ne3A_1584, %roll3A_1574, %roll3A_1572 : vector<4x8192xi1>, vector<4x8192xi32>
    %select_n3A_1586 = arith.select %ne3A_1584, %roll3A_1578, %roll3A_1576 : vector<4x8192xi1>, vector<4x8192xi32>
    %select_n3A_1587 = arith.select %ne3A_1584, %select_n3A_1585, %select_n3A_1563 : vector<4x8192xi1>, vector<4x8192xi32>
    %select_n3A_1588 = arith.select %ne3A_1584, %select_n3A_1563, %select_n3A_1585 : vector<4x8192xi1>, vector<4x8192xi32>
    %select_n3A_1589 = arith.select %ne3A_1584, %select_n3A_1586, %select_n3A_1564 : vector<4x8192xi1>, vector<4x8192xi32>
    %select_n3A_1590 = arith.select %ne3A_1584, %select_n3A_1564, %select_n3A_1586 : vector<4x8192xi1>, vector<4x8192xi32>
    %gt3A_1591 = arith.cmpi sgt, %select_n3A_1587, %select_n3A_1588 : vector<4x8192xi32>
    %eq3A_1592 = arith.cmpi eq, %select_n3A_1587, %select_n3A_1588 : vector<4x8192xi32>
    %lt3A_1593 = arith.cmpi slt, %select_n3A_1589, %select_n3A_1590 : vector<4x8192xi32>
    %and3A_1594 = arith.andi %eq3A_1592, %lt3A_1593 : vector<4x8192xi1>
    %or3A_1595 = arith.ori %gt3A_1591, %and3A_1594 : vector<4x8192xi1>
    %xor3A_1596 = arith.xori %or3A_1595, %eq3A_1570 : vector<4x8192xi1>
    %select_n3A_1597 = arith.select %xor3A_1596, %select_n3A_1585, %select_n3A_1563 : vector<4x8192xi1>, vector<4x8192xi32>
    %select_n3A_1598 = arith.select %xor3A_1596, %select_n3A_1586, %select_n3A_1564 : vector<4x8192xi1>, vector<4x8192xi32>
    %and3A_1599 = arith.constant 1024 : i32
    %and3A_1600 = vector.broadcast %and3A_1599 : i32 to vector<4x8192xi32>
    %and3A_1601 = arith.andi %iota3A_6, %and3A_1600 : vector<4x8192xi32>
    %eq3A_1602 = arith.constant 0 : i32
    %eq3A_1603 = vector.broadcast %eq3A_1602 : i32 to vector<4x8192xi32>
    %eq3A_1604 = arith.cmpi eq, %and3A_1601, %eq3A_1603 : vector<4x8192xi32>
    %roll3A_1605 = arith.constant 8064 : i32
    %roll3A_1606 = tpu.dynamic_rotate %select_n3A_1597 by %roll3A_1605 dim 1 : vector<4x8192xi32>, i32 -> vector<4x8192xi32>
    %roll3A_1607 = arith.constant 128 : i32
    %roll3A_1608 = tpu.dynamic_rotate %select_n3A_1597 by %roll3A_1607 dim 1 : vector<4x8192xi32>, i32 -> vector<4x8192xi32>
    %roll3A_1609 = arith.constant 8064 : i32
    %roll3A_1610 = tpu.dynamic_rotate %select_n3A_1598 by %roll3A_1609 dim 1 : vector<4x8192xi32>, i32 -> vector<4x8192xi32>
    %roll3A_1611 = arith.constant 128 : i32
    %roll3A_1612 = tpu.dynamic_rotate %select_n3A_1598 by %roll3A_1611 dim 1 : vector<4x8192xi32>, i32 -> vector<4x8192xi32>
    %and3A_1613 = arith.constant 128 : i32
    %and3A_1614 = vector.broadcast %and3A_1613 : i32 to vector<4x8192xi32>
    %and3A_1615 = arith.andi %iota3A_6, %and3A_1614 : vector<4x8192xi32>
    %ne3A_1616 = arith.constant 0 : i32
    %ne3A_1617 = vector.broadcast %ne3A_1616 : i32 to vector<4x8192xi32>
    %ne3A_1618 = arith.cmpi ne, %and3A_1615, %ne3A_1617 : vector<4x8192xi32>
    %select_n3A_1619 = arith.select %ne3A_1618, %roll3A_1608, %roll3A_1606 : vector<4x8192xi1>, vector<4x8192xi32>
    %select_n3A_1620 = arith.select %ne3A_1618, %roll3A_1612, %roll3A_1610 : vector<4x8192xi1>, vector<4x8192xi32>
    %select_n3A_1621 = arith.select %ne3A_1618, %select_n3A_1619, %select_n3A_1597 : vector<4x8192xi1>, vector<4x8192xi32>
    %select_n3A_1622 = arith.select %ne3A_1618, %select_n3A_1597, %select_n3A_1619 : vector<4x8192xi1>, vector<4x8192xi32>
    %select_n3A_1623 = arith.select %ne3A_1618, %select_n3A_1620, %select_n3A_1598 : vector<4x8192xi1>, vector<4x8192xi32>
    %select_n3A_1624 = arith.select %ne3A_1618, %select_n3A_1598, %select_n3A_1620 : vector<4x8192xi1>, vector<4x8192xi32>
    %gt3A_1625 = arith.cmpi sgt, %select_n3A_1621, %select_n3A_1622 : vector<4x8192xi32>
    %eq3A_1626 = arith.cmpi eq, %select_n3A_1621, %select_n3A_1622 : vector<4x8192xi32>
    %lt3A_1627 = arith.cmpi slt, %select_n3A_1623, %select_n3A_1624 : vector<4x8192xi32>
    %and3A_1628 = arith.andi %eq3A_1626, %lt3A_1627 : vector<4x8192xi1>
    %or3A_1629 = arith.ori %gt3A_1625, %and3A_1628 : vector<4x8192xi1>
    %xor3A_1630 = arith.xori %or3A_1629, %eq3A_1604 : vector<4x8192xi1>
    %select_n3A_1631 = arith.select %xor3A_1630, %select_n3A_1619, %select_n3A_1597 : vector<4x8192xi1>, vector<4x8192xi32>
    %select_n3A_1632 = arith.select %xor3A_1630, %select_n3A_1620, %select_n3A_1598 : vector<4x8192xi1>, vector<4x8192xi32>
    %and3A_1633 = arith.constant 1024 : i32
    %and3A_1634 = vector.broadcast %and3A_1633 : i32 to vector<4x8192xi32>
    %and3A_1635 = arith.andi %iota3A_6, %and3A_1634 : vector<4x8192xi32>
    %eq3A_1636 = arith.constant 0 : i32
    %eq3A_1637 = vector.broadcast %eq3A_1636 : i32 to vector<4x8192xi32>
    %eq3A_1638 = arith.cmpi eq, %and3A_1635, %eq3A_1637 : vector<4x8192xi32>
    %roll3A_1639 = arith.constant 8128 : i32
    %roll3A_1640 = tpu.dynamic_rotate %select_n3A_1631 by %roll3A_1639 dim 1 : vector<4x8192xi32>, i32 -> vector<4x8192xi32>
    %roll3A_1641 = arith.constant 64 : i32
    %roll3A_1642 = tpu.dynamic_rotate %select_n3A_1631 by %roll3A_1641 dim 1 : vector<4x8192xi32>, i32 -> vector<4x8192xi32>
    %roll3A_1643 = arith.constant 8128 : i32
    %roll3A_1644 = tpu.dynamic_rotate %select_n3A_1632 by %roll3A_1643 dim 1 : vector<4x8192xi32>, i32 -> vector<4x8192xi32>
    %roll3A_1645 = arith.constant 64 : i32
    %roll3A_1646 = tpu.dynamic_rotate %select_n3A_1632 by %roll3A_1645 dim 1 : vector<4x8192xi32>, i32 -> vector<4x8192xi32>
    %and3A_1647 = arith.constant 64 : i32
    %and3A_1648 = vector.broadcast %and3A_1647 : i32 to vector<4x8192xi32>
    %and3A_1649 = arith.andi %iota3A_6, %and3A_1648 : vector<4x8192xi32>
    %ne3A_1650 = arith.constant 0 : i32
    %ne3A_1651 = vector.broadcast %ne3A_1650 : i32 to vector<4x8192xi32>
    %ne3A_1652 = arith.cmpi ne, %and3A_1649, %ne3A_1651 : vector<4x8192xi32>
    %select_n3A_1653 = arith.select %ne3A_1652, %roll3A_1642, %roll3A_1640 : vector<4x8192xi1>, vector<4x8192xi32>
    %select_n3A_1654 = arith.select %ne3A_1652, %roll3A_1646, %roll3A_1644 : vector<4x8192xi1>, vector<4x8192xi32>
    %select_n3A_1655 = arith.select %ne3A_1652, %select_n3A_1653, %select_n3A_1631 : vector<4x8192xi1>, vector<4x8192xi32>
    %select_n3A_1656 = arith.select %ne3A_1652, %select_n3A_1631, %select_n3A_1653 : vector<4x8192xi1>, vector<4x8192xi32>
    %select_n3A_1657 = arith.select %ne3A_1652, %select_n3A_1654, %select_n3A_1632 : vector<4x8192xi1>, vector<4x8192xi32>
    %select_n3A_1658 = arith.select %ne3A_1652, %select_n3A_1632, %select_n3A_1654 : vector<4x8192xi1>, vector<4x8192xi32>
    %gt3A_1659 = arith.cmpi sgt, %select_n3A_1655, %select_n3A_1656 : vector<4x8192xi32>
    %eq3A_1660 = arith.cmpi eq, %select_n3A_1655, %select_n3A_1656 : vector<4x8192xi32>
    %lt3A_1661 = arith.cmpi slt, %select_n3A_1657, %select_n3A_1658 : vector<4x8192xi32>
    %and3A_1662 = arith.andi %eq3A_1660, %lt3A_1661 : vector<4x8192xi1>
    %or3A_1663 = arith.ori %gt3A_1659, %and3A_1662 : vector<4x8192xi1>
    %xor3A_1664 = arith.xori %or3A_1663, %eq3A_1638 : vector<4x8192xi1>
    %select_n3A_1665 = arith.select %xor3A_1664, %select_n3A_1653, %select_n3A_1631 : vector<4x8192xi1>, vector<4x8192xi32>
    %select_n3A_1666 = arith.select %xor3A_1664, %select_n3A_1654, %select_n3A_1632 : vector<4x8192xi1>, vector<4x8192xi32>
    %and3A_1667 = arith.constant 1024 : i32
    %and3A_1668 = vector.broadcast %and3A_1667 : i32 to vector<4x8192xi32>
    %and3A_1669 = arith.andi %iota3A_6, %and3A_1668 : vector<4x8192xi32>
    %eq3A_1670 = arith.constant 0 : i32
    %eq3A_1671 = vector.broadcast %eq3A_1670 : i32 to vector<4x8192xi32>
    %eq3A_1672 = arith.cmpi eq, %and3A_1669, %eq3A_1671 : vector<4x8192xi32>
    %roll3A_1673 = arith.constant 8160 : i32
    %roll3A_1674 = tpu.dynamic_rotate %select_n3A_1665 by %roll3A_1673 dim 1 : vector<4x8192xi32>, i32 -> vector<4x8192xi32>
    %roll3A_1675 = arith.constant 32 : i32
    %roll3A_1676 = tpu.dynamic_rotate %select_n3A_1665 by %roll3A_1675 dim 1 : vector<4x8192xi32>, i32 -> vector<4x8192xi32>
    %roll3A_1677 = arith.constant 8160 : i32
    %roll3A_1678 = tpu.dynamic_rotate %select_n3A_1666 by %roll3A_1677 dim 1 : vector<4x8192xi32>, i32 -> vector<4x8192xi32>
    %roll3A_1679 = arith.constant 32 : i32
    %roll3A_1680 = tpu.dynamic_rotate %select_n3A_1666 by %roll3A_1679 dim 1 : vector<4x8192xi32>, i32 -> vector<4x8192xi32>
    %and3A_1681 = arith.constant 32 : i32
    %and3A_1682 = vector.broadcast %and3A_1681 : i32 to vector<4x8192xi32>
    %and3A_1683 = arith.andi %iota3A_6, %and3A_1682 : vector<4x8192xi32>
    %ne3A_1684 = arith.constant 0 : i32
    %ne3A_1685 = vector.broadcast %ne3A_1684 : i32 to vector<4x8192xi32>
    %ne3A_1686 = arith.cmpi ne, %and3A_1683, %ne3A_1685 : vector<4x8192xi32>
    %select_n3A_1687 = arith.select %ne3A_1686, %roll3A_1676, %roll3A_1674 : vector<4x8192xi1>, vector<4x8192xi32>
    %select_n3A_1688 = arith.select %ne3A_1686, %roll3A_1680, %roll3A_1678 : vector<4x8192xi1>, vector<4x8192xi32>
    %select_n3A_1689 = arith.select %ne3A_1686, %select_n3A_1687, %select_n3A_1665 : vector<4x8192xi1>, vector<4x8192xi32>
    %select_n3A_1690 = arith.select %ne3A_1686, %select_n3A_1665, %select_n3A_1687 : vector<4x8192xi1>, vector<4x8192xi32>
    %select_n3A_1691 = arith.select %ne3A_1686, %select_n3A_1688, %select_n3A_1666 : vector<4x8192xi1>, vector<4x8192xi32>
    %select_n3A_1692 = arith.select %ne3A_1686, %select_n3A_1666, %select_n3A_1688 : vector<4x8192xi1>, vector<4x8192xi32>
    %gt3A_1693 = arith.cmpi sgt, %select_n3A_1689, %select_n3A_1690 : vector<4x8192xi32>
    %eq3A_1694 = arith.cmpi eq, %select_n3A_1689, %select_n3A_1690 : vector<4x8192xi32>
    %lt3A_1695 = arith.cmpi slt, %select_n3A_1691, %select_n3A_1692 : vector<4x8192xi32>
    %and3A_1696 = arith.andi %eq3A_1694, %lt3A_1695 : vector<4x8192xi1>
    %or3A_1697 = arith.ori %gt3A_1693, %and3A_1696 : vector<4x8192xi1>
    %xor3A_1698 = arith.xori %or3A_1697, %eq3A_1672 : vector<4x8192xi1>
    %select_n3A_1699 = arith.select %xor3A_1698, %select_n3A_1687, %select_n3A_1665 : vector<4x8192xi1>, vector<4x8192xi32>
    %select_n3A_1700 = arith.select %xor3A_1698, %select_n3A_1688, %select_n3A_1666 : vector<4x8192xi1>, vector<4x8192xi32>
    %and3A_1701 = arith.constant 1024 : i32
    %and3A_1702 = vector.broadcast %and3A_1701 : i32 to vector<4x8192xi32>
    %and3A_1703 = arith.andi %iota3A_6, %and3A_1702 : vector<4x8192xi32>
    %eq3A_1704 = arith.constant 0 : i32
    %eq3A_1705 = vector.broadcast %eq3A_1704 : i32 to vector<4x8192xi32>
    %eq3A_1706 = arith.cmpi eq, %and3A_1703, %eq3A_1705 : vector<4x8192xi32>
    %roll3A_1707 = arith.constant 8176 : i32
    %roll3A_1708 = tpu.dynamic_rotate %select_n3A_1699 by %roll3A_1707 dim 1 : vector<4x8192xi32>, i32 -> vector<4x8192xi32>
    %roll3A_1709 = arith.constant 16 : i32
    %roll3A_1710 = tpu.dynamic_rotate %select_n3A_1699 by %roll3A_1709 dim 1 : vector<4x8192xi32>, i32 -> vector<4x8192xi32>
    %roll3A_1711 = arith.constant 8176 : i32
    %roll3A_1712 = tpu.dynamic_rotate %select_n3A_1700 by %roll3A_1711 dim 1 : vector<4x8192xi32>, i32 -> vector<4x8192xi32>
    %roll3A_1713 = arith.constant 16 : i32
    %roll3A_1714 = tpu.dynamic_rotate %select_n3A_1700 by %roll3A_1713 dim 1 : vector<4x8192xi32>, i32 -> vector<4x8192xi32>
    %and3A_1715 = arith.constant 16 : i32
    %and3A_1716 = vector.broadcast %and3A_1715 : i32 to vector<4x8192xi32>
    %and3A_1717 = arith.andi %iota3A_6, %and3A_1716 : vector<4x8192xi32>
    %ne3A_1718 = arith.constant 0 : i32
    %ne3A_1719 = vector.broadcast %ne3A_1718 : i32 to vector<4x8192xi32>
    %ne3A_1720 = arith.cmpi ne, %and3A_1717, %ne3A_1719 : vector<4x8192xi32>
    %select_n3A_1721 = arith.select %ne3A_1720, %roll3A_1710, %roll3A_1708 : vector<4x8192xi1>, vector<4x8192xi32>
    %select_n3A_1722 = arith.select %ne3A_1720, %roll3A_1714, %roll3A_1712 : vector<4x8192xi1>, vector<4x8192xi32>
    %select_n3A_1723 = arith.select %ne3A_1720, %select_n3A_1721, %select_n3A_1699 : vector<4x8192xi1>, vector<4x8192xi32>
    %select_n3A_1724 = arith.select %ne3A_1720, %select_n3A_1699, %select_n3A_1721 : vector<4x8192xi1>, vector<4x8192xi32>
    %select_n3A_1725 = arith.select %ne3A_1720, %select_n3A_1722, %select_n3A_1700 : vector<4x8192xi1>, vector<4x8192xi32>
    %select_n3A_1726 = arith.select %ne3A_1720, %select_n3A_1700, %select_n3A_1722 : vector<4x8192xi1>, vector<4x8192xi32>
    %gt3A_1727 = arith.cmpi sgt, %select_n3A_1723, %select_n3A_1724 : vector<4x8192xi32>
    %eq3A_1728 = arith.cmpi eq, %select_n3A_1723, %select_n3A_1724 : vector<4x8192xi32>
    %lt3A_1729 = arith.cmpi slt, %select_n3A_1725, %select_n3A_1726 : vector<4x8192xi32>
    %and3A_1730 = arith.andi %eq3A_1728, %lt3A_1729 : vector<4x8192xi1>
    %or3A_1731 = arith.ori %gt3A_1727, %and3A_1730 : vector<4x8192xi1>
    %xor3A_1732 = arith.xori %or3A_1731, %eq3A_1706 : vector<4x8192xi1>
    %select_n3A_1733 = arith.select %xor3A_1732, %select_n3A_1721, %select_n3A_1699 : vector<4x8192xi1>, vector<4x8192xi32>
    %select_n3A_1734 = arith.select %xor3A_1732, %select_n3A_1722, %select_n3A_1700 : vector<4x8192xi1>, vector<4x8192xi32>
    %and3A_1735 = arith.constant 1024 : i32
    %and3A_1736 = vector.broadcast %and3A_1735 : i32 to vector<4x8192xi32>
    %and3A_1737 = arith.andi %iota3A_6, %and3A_1736 : vector<4x8192xi32>
    %eq3A_1738 = arith.constant 0 : i32
    %eq3A_1739 = vector.broadcast %eq3A_1738 : i32 to vector<4x8192xi32>
    %eq3A_1740 = arith.cmpi eq, %and3A_1737, %eq3A_1739 : vector<4x8192xi32>
    %roll3A_1741 = arith.constant 8184 : i32
    %roll3A_1742 = tpu.dynamic_rotate %select_n3A_1733 by %roll3A_1741 dim 1 : vector<4x8192xi32>, i32 -> vector<4x8192xi32>
    %roll3A_1743 = arith.constant 8 : i32
    %roll3A_1744 = tpu.dynamic_rotate %select_n3A_1733 by %roll3A_1743 dim 1 : vector<4x8192xi32>, i32 -> vector<4x8192xi32>
    %roll3A_1745 = arith.constant 8184 : i32
    %roll3A_1746 = tpu.dynamic_rotate %select_n3A_1734 by %roll3A_1745 dim 1 : vector<4x8192xi32>, i32 -> vector<4x8192xi32>
    %roll3A_1747 = arith.constant 8 : i32
    %roll3A_1748 = tpu.dynamic_rotate %select_n3A_1734 by %roll3A_1747 dim 1 : vector<4x8192xi32>, i32 -> vector<4x8192xi32>
    %and3A_1749 = arith.constant 8 : i32
    %and3A_1750 = vector.broadcast %and3A_1749 : i32 to vector<4x8192xi32>
    %and3A_1751 = arith.andi %iota3A_6, %and3A_1750 : vector<4x8192xi32>
    %ne3A_1752 = arith.constant 0 : i32
    %ne3A_1753 = vector.broadcast %ne3A_1752 : i32 to vector<4x8192xi32>
    %ne3A_1754 = arith.cmpi ne, %and3A_1751, %ne3A_1753 : vector<4x8192xi32>
    %select_n3A_1755 = arith.select %ne3A_1754, %roll3A_1744, %roll3A_1742 : vector<4x8192xi1>, vector<4x8192xi32>
    %select_n3A_1756 = arith.select %ne3A_1754, %roll3A_1748, %roll3A_1746 : vector<4x8192xi1>, vector<4x8192xi32>
    %select_n3A_1757 = arith.select %ne3A_1754, %select_n3A_1755, %select_n3A_1733 : vector<4x8192xi1>, vector<4x8192xi32>
    %select_n3A_1758 = arith.select %ne3A_1754, %select_n3A_1733, %select_n3A_1755 : vector<4x8192xi1>, vector<4x8192xi32>
    %select_n3A_1759 = arith.select %ne3A_1754, %select_n3A_1756, %select_n3A_1734 : vector<4x8192xi1>, vector<4x8192xi32>
    %select_n3A_1760 = arith.select %ne3A_1754, %select_n3A_1734, %select_n3A_1756 : vector<4x8192xi1>, vector<4x8192xi32>
    %gt3A_1761 = arith.cmpi sgt, %select_n3A_1757, %select_n3A_1758 : vector<4x8192xi32>
    %eq3A_1762 = arith.cmpi eq, %select_n3A_1757, %select_n3A_1758 : vector<4x8192xi32>
    %lt3A_1763 = arith.cmpi slt, %select_n3A_1759, %select_n3A_1760 : vector<4x8192xi32>
    %and3A_1764 = arith.andi %eq3A_1762, %lt3A_1763 : vector<4x8192xi1>
    %or3A_1765 = arith.ori %gt3A_1761, %and3A_1764 : vector<4x8192xi1>
    %xor3A_1766 = arith.xori %or3A_1765, %eq3A_1740 : vector<4x8192xi1>
    %select_n3A_1767 = arith.select %xor3A_1766, %select_n3A_1755, %select_n3A_1733 : vector<4x8192xi1>, vector<4x8192xi32>
    %select_n3A_1768 = arith.select %xor3A_1766, %select_n3A_1756, %select_n3A_1734 : vector<4x8192xi1>, vector<4x8192xi32>
    %and3A_1769 = arith.constant 1024 : i32
    %and3A_1770 = vector.broadcast %and3A_1769 : i32 to vector<4x8192xi32>
    %and3A_1771 = arith.andi %iota3A_6, %and3A_1770 : vector<4x8192xi32>
    %eq3A_1772 = arith.constant 0 : i32
    %eq3A_1773 = vector.broadcast %eq3A_1772 : i32 to vector<4x8192xi32>
    %eq3A_1774 = arith.cmpi eq, %and3A_1771, %eq3A_1773 : vector<4x8192xi32>
    %roll3A_1775 = arith.constant 8188 : i32
    %roll3A_1776 = tpu.dynamic_rotate %select_n3A_1767 by %roll3A_1775 dim 1 : vector<4x8192xi32>, i32 -> vector<4x8192xi32>
    %roll3A_1777 = arith.constant 4 : i32
    %roll3A_1778 = tpu.dynamic_rotate %select_n3A_1767 by %roll3A_1777 dim 1 : vector<4x8192xi32>, i32 -> vector<4x8192xi32>
    %roll3A_1779 = arith.constant 8188 : i32
    %roll3A_1780 = tpu.dynamic_rotate %select_n3A_1768 by %roll3A_1779 dim 1 : vector<4x8192xi32>, i32 -> vector<4x8192xi32>
    %roll3A_1781 = arith.constant 4 : i32
    %roll3A_1782 = tpu.dynamic_rotate %select_n3A_1768 by %roll3A_1781 dim 1 : vector<4x8192xi32>, i32 -> vector<4x8192xi32>
    %and3A_1783 = arith.constant 4 : i32
    %and3A_1784 = vector.broadcast %and3A_1783 : i32 to vector<4x8192xi32>
    %and3A_1785 = arith.andi %iota3A_6, %and3A_1784 : vector<4x8192xi32>
    %ne3A_1786 = arith.constant 0 : i32
    %ne3A_1787 = vector.broadcast %ne3A_1786 : i32 to vector<4x8192xi32>
    %ne3A_1788 = arith.cmpi ne, %and3A_1785, %ne3A_1787 : vector<4x8192xi32>
    %select_n3A_1789 = arith.select %ne3A_1788, %roll3A_1778, %roll3A_1776 : vector<4x8192xi1>, vector<4x8192xi32>
    %select_n3A_1790 = arith.select %ne3A_1788, %roll3A_1782, %roll3A_1780 : vector<4x8192xi1>, vector<4x8192xi32>
    %select_n3A_1791 = arith.select %ne3A_1788, %select_n3A_1789, %select_n3A_1767 : vector<4x8192xi1>, vector<4x8192xi32>
    %select_n3A_1792 = arith.select %ne3A_1788, %select_n3A_1767, %select_n3A_1789 : vector<4x8192xi1>, vector<4x8192xi32>
    %select_n3A_1793 = arith.select %ne3A_1788, %select_n3A_1790, %select_n3A_1768 : vector<4x8192xi1>, vector<4x8192xi32>
    %select_n3A_1794 = arith.select %ne3A_1788, %select_n3A_1768, %select_n3A_1790 : vector<4x8192xi1>, vector<4x8192xi32>
    %gt3A_1795 = arith.cmpi sgt, %select_n3A_1791, %select_n3A_1792 : vector<4x8192xi32>
    %eq3A_1796 = arith.cmpi eq, %select_n3A_1791, %select_n3A_1792 : vector<4x8192xi32>
    %lt3A_1797 = arith.cmpi slt, %select_n3A_1793, %select_n3A_1794 : vector<4x8192xi32>
    %and3A_1798 = arith.andi %eq3A_1796, %lt3A_1797 : vector<4x8192xi1>
    %or3A_1799 = arith.ori %gt3A_1795, %and3A_1798 : vector<4x8192xi1>
    %xor3A_1800 = arith.xori %or3A_1799, %eq3A_1774 : vector<4x8192xi1>
    %select_n3A_1801 = arith.select %xor3A_1800, %select_n3A_1789, %select_n3A_1767 : vector<4x8192xi1>, vector<4x8192xi32>
    %select_n3A_1802 = arith.select %xor3A_1800, %select_n3A_1790, %select_n3A_1768 : vector<4x8192xi1>, vector<4x8192xi32>
    %and3A_1803 = arith.constant 1024 : i32
    %and3A_1804 = vector.broadcast %and3A_1803 : i32 to vector<4x8192xi32>
    %and3A_1805 = arith.andi %iota3A_6, %and3A_1804 : vector<4x8192xi32>
    %eq3A_1806 = arith.constant 0 : i32
    %eq3A_1807 = vector.broadcast %eq3A_1806 : i32 to vector<4x8192xi32>
    %eq3A_1808 = arith.cmpi eq, %and3A_1805, %eq3A_1807 : vector<4x8192xi32>
    %roll3A_1809 = arith.constant 8190 : i32
    %roll3A_1810 = tpu.dynamic_rotate %select_n3A_1801 by %roll3A_1809 dim 1 : vector<4x8192xi32>, i32 -> vector<4x8192xi32>
    %roll3A_1811 = arith.constant 2 : i32
    %roll3A_1812 = tpu.dynamic_rotate %select_n3A_1801 by %roll3A_1811 dim 1 : vector<4x8192xi32>, i32 -> vector<4x8192xi32>
    %roll3A_1813 = arith.constant 8190 : i32
    %roll3A_1814 = tpu.dynamic_rotate %select_n3A_1802 by %roll3A_1813 dim 1 : vector<4x8192xi32>, i32 -> vector<4x8192xi32>
    %roll3A_1815 = arith.constant 2 : i32
    %roll3A_1816 = tpu.dynamic_rotate %select_n3A_1802 by %roll3A_1815 dim 1 : vector<4x8192xi32>, i32 -> vector<4x8192xi32>
    %and3A_1817 = arith.constant 2 : i32
    %and3A_1818 = vector.broadcast %and3A_1817 : i32 to vector<4x8192xi32>
    %and3A_1819 = arith.andi %iota3A_6, %and3A_1818 : vector<4x8192xi32>
    %ne3A_1820 = arith.constant 0 : i32
    %ne3A_1821 = vector.broadcast %ne3A_1820 : i32 to vector<4x8192xi32>
    %ne3A_1822 = arith.cmpi ne, %and3A_1819, %ne3A_1821 : vector<4x8192xi32>
    %select_n3A_1823 = arith.select %ne3A_1822, %roll3A_1812, %roll3A_1810 : vector<4x8192xi1>, vector<4x8192xi32>
    %select_n3A_1824 = arith.select %ne3A_1822, %roll3A_1816, %roll3A_1814 : vector<4x8192xi1>, vector<4x8192xi32>
    %select_n3A_1825 = arith.select %ne3A_1822, %select_n3A_1823, %select_n3A_1801 : vector<4x8192xi1>, vector<4x8192xi32>
    %select_n3A_1826 = arith.select %ne3A_1822, %select_n3A_1801, %select_n3A_1823 : vector<4x8192xi1>, vector<4x8192xi32>
    %select_n3A_1827 = arith.select %ne3A_1822, %select_n3A_1824, %select_n3A_1802 : vector<4x8192xi1>, vector<4x8192xi32>
    %select_n3A_1828 = arith.select %ne3A_1822, %select_n3A_1802, %select_n3A_1824 : vector<4x8192xi1>, vector<4x8192xi32>
    %gt3A_1829 = arith.cmpi sgt, %select_n3A_1825, %select_n3A_1826 : vector<4x8192xi32>
    %eq3A_1830 = arith.cmpi eq, %select_n3A_1825, %select_n3A_1826 : vector<4x8192xi32>
    %lt3A_1831 = arith.cmpi slt, %select_n3A_1827, %select_n3A_1828 : vector<4x8192xi32>
    %and3A_1832 = arith.andi %eq3A_1830, %lt3A_1831 : vector<4x8192xi1>
    %or3A_1833 = arith.ori %gt3A_1829, %and3A_1832 : vector<4x8192xi1>
    %xor3A_1834 = arith.xori %or3A_1833, %eq3A_1808 : vector<4x8192xi1>
    %select_n3A_1835 = arith.select %xor3A_1834, %select_n3A_1823, %select_n3A_1801 : vector<4x8192xi1>, vector<4x8192xi32>
    %select_n3A_1836 = arith.select %xor3A_1834, %select_n3A_1824, %select_n3A_1802 : vector<4x8192xi1>, vector<4x8192xi32>
    %and3A_1837 = arith.constant 1024 : i32
    %and3A_1838 = vector.broadcast %and3A_1837 : i32 to vector<4x8192xi32>
    %and3A_1839 = arith.andi %iota3A_6, %and3A_1838 : vector<4x8192xi32>
    %eq3A_1840 = arith.constant 0 : i32
    %eq3A_1841 = vector.broadcast %eq3A_1840 : i32 to vector<4x8192xi32>
    %eq3A_1842 = arith.cmpi eq, %and3A_1839, %eq3A_1841 : vector<4x8192xi32>
    %roll3A_1843 = arith.constant 8191 : i32
    %roll3A_1844 = tpu.dynamic_rotate %select_n3A_1835 by %roll3A_1843 dim 1 : vector<4x8192xi32>, i32 -> vector<4x8192xi32>
    %roll3A_1845 = arith.constant 1 : i32
    %roll3A_1846 = tpu.dynamic_rotate %select_n3A_1835 by %roll3A_1845 dim 1 : vector<4x8192xi32>, i32 -> vector<4x8192xi32>
    %roll3A_1847 = arith.constant 8191 : i32
    %roll3A_1848 = tpu.dynamic_rotate %select_n3A_1836 by %roll3A_1847 dim 1 : vector<4x8192xi32>, i32 -> vector<4x8192xi32>
    %roll3A_1849 = arith.constant 1 : i32
    %roll3A_1850 = tpu.dynamic_rotate %select_n3A_1836 by %roll3A_1849 dim 1 : vector<4x8192xi32>, i32 -> vector<4x8192xi32>
    %and3A_1851 = arith.constant 1 : i32
    %and3A_1852 = vector.broadcast %and3A_1851 : i32 to vector<4x8192xi32>
    %and3A_1853 = arith.andi %iota3A_6, %and3A_1852 : vector<4x8192xi32>
    %ne3A_1854 = arith.constant 0 : i32
    %ne3A_1855 = vector.broadcast %ne3A_1854 : i32 to vector<4x8192xi32>
    %ne3A_1856 = arith.cmpi ne, %and3A_1853, %ne3A_1855 : vector<4x8192xi32>
    %select_n3A_1857 = arith.select %ne3A_1856, %roll3A_1846, %roll3A_1844 : vector<4x8192xi1>, vector<4x8192xi32>
    %select_n3A_1858 = arith.select %ne3A_1856, %roll3A_1850, %roll3A_1848 : vector<4x8192xi1>, vector<4x8192xi32>
    %select_n3A_1859 = arith.select %ne3A_1856, %select_n3A_1857, %select_n3A_1835 : vector<4x8192xi1>, vector<4x8192xi32>
    %select_n3A_1860 = arith.select %ne3A_1856, %select_n3A_1835, %select_n3A_1857 : vector<4x8192xi1>, vector<4x8192xi32>
    %select_n3A_1861 = arith.select %ne3A_1856, %select_n3A_1858, %select_n3A_1836 : vector<4x8192xi1>, vector<4x8192xi32>
    %select_n3A_1862 = arith.select %ne3A_1856, %select_n3A_1836, %select_n3A_1858 : vector<4x8192xi1>, vector<4x8192xi32>
    %gt3A_1863 = arith.cmpi sgt, %select_n3A_1859, %select_n3A_1860 : vector<4x8192xi32>
    %eq3A_1864 = arith.cmpi eq, %select_n3A_1859, %select_n3A_1860 : vector<4x8192xi32>
    %lt3A_1865 = arith.cmpi slt, %select_n3A_1861, %select_n3A_1862 : vector<4x8192xi32>
    %and3A_1866 = arith.andi %eq3A_1864, %lt3A_1865 : vector<4x8192xi1>
    %or3A_1867 = arith.ori %gt3A_1863, %and3A_1866 : vector<4x8192xi1>
    %xor3A_1868 = arith.xori %or3A_1867, %eq3A_1842 : vector<4x8192xi1>
    %select_n3A_1869 = arith.select %xor3A_1868, %select_n3A_1857, %select_n3A_1835 : vector<4x8192xi1>, vector<4x8192xi32>
    %select_n3A_1870 = arith.select %xor3A_1868, %select_n3A_1858, %select_n3A_1836 : vector<4x8192xi1>, vector<4x8192xi32>
    %ge3A = arith.constant 0 : i32
    %ge3A_1871 = vector.broadcast %ge3A : i32 to vector<4x8192xi32>
    %ge3A_1872 = arith.cmpi sge, %iota3A_6, %ge3A_1871 : vector<4x8192xi32>
    %roll3A_1873 = arith.constant 7168 : i32
    %roll3A_1874 = tpu.dynamic_rotate %select_n3A_1869 by %roll3A_1873 dim 1 : vector<4x8192xi32>, i32 -> vector<4x8192xi32>
    %roll3A_1875 = arith.constant 1024 : i32
    %roll3A_1876 = tpu.dynamic_rotate %select_n3A_1869 by %roll3A_1875 dim 1 : vector<4x8192xi32>, i32 -> vector<4x8192xi32>
    %roll3A_1877 = arith.constant 7168 : i32
    %roll3A_1878 = tpu.dynamic_rotate %select_n3A_1870 by %roll3A_1877 dim 1 : vector<4x8192xi32>, i32 -> vector<4x8192xi32>
    %roll3A_1879 = arith.constant 1024 : i32
    %roll3A_1880 = tpu.dynamic_rotate %select_n3A_1870 by %roll3A_1879 dim 1 : vector<4x8192xi32>, i32 -> vector<4x8192xi32>
    %and3A_1881 = arith.constant 1024 : i32
    %and3A_1882 = vector.broadcast %and3A_1881 : i32 to vector<4x8192xi32>
    %and3A_1883 = arith.andi %iota3A_6, %and3A_1882 : vector<4x8192xi32>
    %ne3A_1884 = arith.constant 0 : i32
    %ne3A_1885 = vector.broadcast %ne3A_1884 : i32 to vector<4x8192xi32>
    %ne3A_1886 = arith.cmpi ne, %and3A_1883, %ne3A_1885 : vector<4x8192xi32>
    %select_n3A_1887 = arith.select %ne3A_1886, %roll3A_1876, %roll3A_1874 : vector<4x8192xi1>, vector<4x8192xi32>
    %select_n3A_1888 = arith.select %ne3A_1886, %roll3A_1880, %roll3A_1878 : vector<4x8192xi1>, vector<4x8192xi32>
    %select_n3A_1889 = arith.select %ne3A_1886, %select_n3A_1887, %select_n3A_1869 : vector<4x8192xi1>, vector<4x8192xi32>
    %select_n3A_1890 = arith.select %ne3A_1886, %select_n3A_1869, %select_n3A_1887 : vector<4x8192xi1>, vector<4x8192xi32>
    %select_n3A_1891 = arith.select %ne3A_1886, %select_n3A_1888, %select_n3A_1870 : vector<4x8192xi1>, vector<4x8192xi32>
    %select_n3A_1892 = arith.select %ne3A_1886, %select_n3A_1870, %select_n3A_1888 : vector<4x8192xi1>, vector<4x8192xi32>
    %gt3A_1893 = arith.cmpi sgt, %select_n3A_1889, %select_n3A_1890 : vector<4x8192xi32>
    %eq3A_1894 = arith.cmpi eq, %select_n3A_1889, %select_n3A_1890 : vector<4x8192xi32>
    %lt3A_1895 = arith.cmpi slt, %select_n3A_1891, %select_n3A_1892 : vector<4x8192xi32>
    %and3A_1896 = arith.andi %eq3A_1894, %lt3A_1895 : vector<4x8192xi1>
    %or3A_1897 = arith.ori %gt3A_1893, %and3A_1896 : vector<4x8192xi1>
    %xor3A_1898 = arith.xori %or3A_1897, %ge3A_1872 : vector<4x8192xi1>
    %select_n3A_1899 = arith.select %xor3A_1898, %select_n3A_1887, %select_n3A_1869 : vector<4x8192xi1>, vector<4x8192xi32>
    %select_n3A_1900 = arith.select %xor3A_1898, %select_n3A_1888, %select_n3A_1870 : vector<4x8192xi1>, vector<4x8192xi32>
    %reshape3A = vector.shape_cast %select_n3A_1899 : vector<4x8192xi32> to vector<4x4x2x1024xi32>
    %slice3A = vector.extract_strided_slice %reshape3A {offsets = [0, 0, 0, 0], sizes = [4, 4, 1, 1024], strides = [1, 1, 1, 1]} : vector<4x4x2x1024xi32> to vector<4x4x1x1024xi32>
    %squeeze3A = vector.shape_cast %slice3A : vector<4x4x1x1024xi32> to vector<4x4x1024xi32>
    %reshape3A_1901 = vector.shape_cast %select_n3A_1900 : vector<4x8192xi32> to vector<4x4x2x1024xi32>
    %slice3A_1902 = vector.extract_strided_slice %reshape3A_1901 {offsets = [0, 0, 0, 0], sizes = [4, 4, 1, 1024], strides = [1, 1, 1, 1]} : vector<4x4x2x1024xi32> to vector<4x4x1x1024xi32>
    %squeeze3A_1903 = vector.shape_cast %slice3A_1902 : vector<4x4x1x1024xi32> to vector<4x4x1024xi32>
    %reshape3A_1904 = vector.shape_cast %squeeze3A : vector<4x4x1024xi32> to vector<4x4096xi32>
    %reshape3A_1905 = vector.shape_cast %squeeze3A_1903 : vector<4x4x1024xi32> to vector<4x4096xi32>
    %iota3A_1906 = tpu.iota {dimensions = array<i32: 1>} : vector<4x4096xi32>
    %and3A_1907 = arith.constant 1024 : i32
    %and3A_1908 = vector.broadcast %and3A_1907 : i32 to vector<4x4096xi32>
    %and3A_1909 = arith.andi %iota3A_1906, %and3A_1908 : vector<4x4096xi32>
    %eq3A_1910 = arith.constant 0 : i32
    %eq3A_1911 = vector.broadcast %eq3A_1910 : i32 to vector<4x4096xi32>
    %eq3A_1912 = arith.cmpi eq, %and3A_1909, %eq3A_1911 : vector<4x4096xi32>
    %roll3A_1913 = arith.constant 3584 : i32
    %roll3A_1914 = tpu.dynamic_rotate %reshape3A_1904 by %roll3A_1913 dim 1 : vector<4x4096xi32>, i32 -> vector<4x4096xi32>
    %roll3A_1915 = arith.constant 512 : i32
    %roll3A_1916 = tpu.dynamic_rotate %reshape3A_1904 by %roll3A_1915 dim 1 : vector<4x4096xi32>, i32 -> vector<4x4096xi32>
    %roll3A_1917 = arith.constant 3584 : i32
    %roll3A_1918 = tpu.dynamic_rotate %reshape3A_1905 by %roll3A_1917 dim 1 : vector<4x4096xi32>, i32 -> vector<4x4096xi32>
    %roll3A_1919 = arith.constant 512 : i32
    %roll3A_1920 = tpu.dynamic_rotate %reshape3A_1905 by %roll3A_1919 dim 1 : vector<4x4096xi32>, i32 -> vector<4x4096xi32>
    %and3A_1921 = arith.constant 512 : i32
    %and3A_1922 = vector.broadcast %and3A_1921 : i32 to vector<4x4096xi32>
    %and3A_1923 = arith.andi %iota3A_1906, %and3A_1922 : vector<4x4096xi32>
    %ne3A_1924 = arith.constant 0 : i32
    %ne3A_1925 = vector.broadcast %ne3A_1924 : i32 to vector<4x4096xi32>
    %ne3A_1926 = arith.cmpi ne, %and3A_1923, %ne3A_1925 : vector<4x4096xi32>
    %select_n3A_1927 = arith.select %ne3A_1926, %roll3A_1916, %roll3A_1914 : vector<4x4096xi1>, vector<4x4096xi32>
    %select_n3A_1928 = arith.select %ne3A_1926, %roll3A_1920, %roll3A_1918 : vector<4x4096xi1>, vector<4x4096xi32>
    %select_n3A_1929 = arith.select %ne3A_1926, %select_n3A_1927, %reshape3A_1904 : vector<4x4096xi1>, vector<4x4096xi32>
    %select_n3A_1930 = arith.select %ne3A_1926, %reshape3A_1904, %select_n3A_1927 : vector<4x4096xi1>, vector<4x4096xi32>
    %select_n3A_1931 = arith.select %ne3A_1926, %select_n3A_1928, %reshape3A_1905 : vector<4x4096xi1>, vector<4x4096xi32>
    %select_n3A_1932 = arith.select %ne3A_1926, %reshape3A_1905, %select_n3A_1928 : vector<4x4096xi1>, vector<4x4096xi32>
    %gt3A_1933 = arith.cmpi sgt, %select_n3A_1929, %select_n3A_1930 : vector<4x4096xi32>
    %eq3A_1934 = arith.cmpi eq, %select_n3A_1929, %select_n3A_1930 : vector<4x4096xi32>
    %lt3A_1935 = arith.cmpi slt, %select_n3A_1931, %select_n3A_1932 : vector<4x4096xi32>
    %and3A_1936 = arith.andi %eq3A_1934, %lt3A_1935 : vector<4x4096xi1>
    %or3A_1937 = arith.ori %gt3A_1933, %and3A_1936 : vector<4x4096xi1>
    %xor3A_1938 = arith.xori %or3A_1937, %eq3A_1912 : vector<4x4096xi1>
    %select_n3A_1939 = arith.select %xor3A_1938, %select_n3A_1927, %reshape3A_1904 : vector<4x4096xi1>, vector<4x4096xi32>
    %select_n3A_1940 = arith.select %xor3A_1938, %select_n3A_1928, %reshape3A_1905 : vector<4x4096xi1>, vector<4x4096xi32>
    %and3A_1941 = arith.constant 1024 : i32
    %and3A_1942 = vector.broadcast %and3A_1941 : i32 to vector<4x4096xi32>
    %and3A_1943 = arith.andi %iota3A_1906, %and3A_1942 : vector<4x4096xi32>
    %eq3A_1944 = arith.constant 0 : i32
    %eq3A_1945 = vector.broadcast %eq3A_1944 : i32 to vector<4x4096xi32>
    %eq3A_1946 = arith.cmpi eq, %and3A_1943, %eq3A_1945 : vector<4x4096xi32>
    %roll3A_1947 = arith.constant 3840 : i32
    %roll3A_1948 = tpu.dynamic_rotate %select_n3A_1939 by %roll3A_1947 dim 1 : vector<4x4096xi32>, i32 -> vector<4x4096xi32>
    %roll3A_1949 = arith.constant 256 : i32
    %roll3A_1950 = tpu.dynamic_rotate %select_n3A_1939 by %roll3A_1949 dim 1 : vector<4x4096xi32>, i32 -> vector<4x4096xi32>
    %roll3A_1951 = arith.constant 3840 : i32
    %roll3A_1952 = tpu.dynamic_rotate %select_n3A_1940 by %roll3A_1951 dim 1 : vector<4x4096xi32>, i32 -> vector<4x4096xi32>
    %roll3A_1953 = arith.constant 256 : i32
    %roll3A_1954 = tpu.dynamic_rotate %select_n3A_1940 by %roll3A_1953 dim 1 : vector<4x4096xi32>, i32 -> vector<4x4096xi32>
    %and3A_1955 = arith.constant 256 : i32
    %and3A_1956 = vector.broadcast %and3A_1955 : i32 to vector<4x4096xi32>
    %and3A_1957 = arith.andi %iota3A_1906, %and3A_1956 : vector<4x4096xi32>
    %ne3A_1958 = arith.constant 0 : i32
    %ne3A_1959 = vector.broadcast %ne3A_1958 : i32 to vector<4x4096xi32>
    %ne3A_1960 = arith.cmpi ne, %and3A_1957, %ne3A_1959 : vector<4x4096xi32>
    %select_n3A_1961 = arith.select %ne3A_1960, %roll3A_1950, %roll3A_1948 : vector<4x4096xi1>, vector<4x4096xi32>
    %select_n3A_1962 = arith.select %ne3A_1960, %roll3A_1954, %roll3A_1952 : vector<4x4096xi1>, vector<4x4096xi32>
    %select_n3A_1963 = arith.select %ne3A_1960, %select_n3A_1961, %select_n3A_1939 : vector<4x4096xi1>, vector<4x4096xi32>
    %select_n3A_1964 = arith.select %ne3A_1960, %select_n3A_1939, %select_n3A_1961 : vector<4x4096xi1>, vector<4x4096xi32>
    %select_n3A_1965 = arith.select %ne3A_1960, %select_n3A_1962, %select_n3A_1940 : vector<4x4096xi1>, vector<4x4096xi32>
    %select_n3A_1966 = arith.select %ne3A_1960, %select_n3A_1940, %select_n3A_1962 : vector<4x4096xi1>, vector<4x4096xi32>
    %gt3A_1967 = arith.cmpi sgt, %select_n3A_1963, %select_n3A_1964 : vector<4x4096xi32>
    %eq3A_1968 = arith.cmpi eq, %select_n3A_1963, %select_n3A_1964 : vector<4x4096xi32>
    %lt3A_1969 = arith.cmpi slt, %select_n3A_1965, %select_n3A_1966 : vector<4x4096xi32>
    %and3A_1970 = arith.andi %eq3A_1968, %lt3A_1969 : vector<4x4096xi1>
    %or3A_1971 = arith.ori %gt3A_1967, %and3A_1970 : vector<4x4096xi1>
    %xor3A_1972 = arith.xori %or3A_1971, %eq3A_1946 : vector<4x4096xi1>
    %select_n3A_1973 = arith.select %xor3A_1972, %select_n3A_1961, %select_n3A_1939 : vector<4x4096xi1>, vector<4x4096xi32>
    %select_n3A_1974 = arith.select %xor3A_1972, %select_n3A_1962, %select_n3A_1940 : vector<4x4096xi1>, vector<4x4096xi32>
    %and3A_1975 = arith.constant 1024 : i32
    %and3A_1976 = vector.broadcast %and3A_1975 : i32 to vector<4x4096xi32>
    %and3A_1977 = arith.andi %iota3A_1906, %and3A_1976 : vector<4x4096xi32>
    %eq3A_1978 = arith.constant 0 : i32
    %eq3A_1979 = vector.broadcast %eq3A_1978 : i32 to vector<4x4096xi32>
    %eq3A_1980 = arith.cmpi eq, %and3A_1977, %eq3A_1979 : vector<4x4096xi32>
    %roll3A_1981 = arith.constant 3968 : i32
    %roll3A_1982 = tpu.dynamic_rotate %select_n3A_1973 by %roll3A_1981 dim 1 : vector<4x4096xi32>, i32 -> vector<4x4096xi32>
    %roll3A_1983 = arith.constant 128 : i32
    %roll3A_1984 = tpu.dynamic_rotate %select_n3A_1973 by %roll3A_1983 dim 1 : vector<4x4096xi32>, i32 -> vector<4x4096xi32>
    %roll3A_1985 = arith.constant 3968 : i32
    %roll3A_1986 = tpu.dynamic_rotate %select_n3A_1974 by %roll3A_1985 dim 1 : vector<4x4096xi32>, i32 -> vector<4x4096xi32>
    %roll3A_1987 = arith.constant 128 : i32
    %roll3A_1988 = tpu.dynamic_rotate %select_n3A_1974 by %roll3A_1987 dim 1 : vector<4x4096xi32>, i32 -> vector<4x4096xi32>
    %and3A_1989 = arith.constant 128 : i32
    %and3A_1990 = vector.broadcast %and3A_1989 : i32 to vector<4x4096xi32>
    %and3A_1991 = arith.andi %iota3A_1906, %and3A_1990 : vector<4x4096xi32>
    %ne3A_1992 = arith.constant 0 : i32
    %ne3A_1993 = vector.broadcast %ne3A_1992 : i32 to vector<4x4096xi32>
    %ne3A_1994 = arith.cmpi ne, %and3A_1991, %ne3A_1993 : vector<4x4096xi32>
    %select_n3A_1995 = arith.select %ne3A_1994, %roll3A_1984, %roll3A_1982 : vector<4x4096xi1>, vector<4x4096xi32>
    %select_n3A_1996 = arith.select %ne3A_1994, %roll3A_1988, %roll3A_1986 : vector<4x4096xi1>, vector<4x4096xi32>
    %select_n3A_1997 = arith.select %ne3A_1994, %select_n3A_1995, %select_n3A_1973 : vector<4x4096xi1>, vector<4x4096xi32>
    %select_n3A_1998 = arith.select %ne3A_1994, %select_n3A_1973, %select_n3A_1995 : vector<4x4096xi1>, vector<4x4096xi32>
    %select_n3A_1999 = arith.select %ne3A_1994, %select_n3A_1996, %select_n3A_1974 : vector<4x4096xi1>, vector<4x4096xi32>
    %select_n3A_2000 = arith.select %ne3A_1994, %select_n3A_1974, %select_n3A_1996 : vector<4x4096xi1>, vector<4x4096xi32>
    %gt3A_2001 = arith.cmpi sgt, %select_n3A_1997, %select_n3A_1998 : vector<4x4096xi32>
    %eq3A_2002 = arith.cmpi eq, %select_n3A_1997, %select_n3A_1998 : vector<4x4096xi32>
    %lt3A_2003 = arith.cmpi slt, %select_n3A_1999, %select_n3A_2000 : vector<4x4096xi32>
    %and3A_2004 = arith.andi %eq3A_2002, %lt3A_2003 : vector<4x4096xi1>
    %or3A_2005 = arith.ori %gt3A_2001, %and3A_2004 : vector<4x4096xi1>
    %xor3A_2006 = arith.xori %or3A_2005, %eq3A_1980 : vector<4x4096xi1>
    %select_n3A_2007 = arith.select %xor3A_2006, %select_n3A_1995, %select_n3A_1973 : vector<4x4096xi1>, vector<4x4096xi32>
    %select_n3A_2008 = arith.select %xor3A_2006, %select_n3A_1996, %select_n3A_1974 : vector<4x4096xi1>, vector<4x4096xi32>
    %and3A_2009 = arith.constant 1024 : i32
    %and3A_2010 = vector.broadcast %and3A_2009 : i32 to vector<4x4096xi32>
    %and3A_2011 = arith.andi %iota3A_1906, %and3A_2010 : vector<4x4096xi32>
    %eq3A_2012 = arith.constant 0 : i32
    %eq3A_2013 = vector.broadcast %eq3A_2012 : i32 to vector<4x4096xi32>
    %eq3A_2014 = arith.cmpi eq, %and3A_2011, %eq3A_2013 : vector<4x4096xi32>
    %roll3A_2015 = arith.constant 4032 : i32
    %roll3A_2016 = tpu.dynamic_rotate %select_n3A_2007 by %roll3A_2015 dim 1 : vector<4x4096xi32>, i32 -> vector<4x4096xi32>
    %roll3A_2017 = arith.constant 64 : i32
    %roll3A_2018 = tpu.dynamic_rotate %select_n3A_2007 by %roll3A_2017 dim 1 : vector<4x4096xi32>, i32 -> vector<4x4096xi32>
    %roll3A_2019 = arith.constant 4032 : i32
    %roll3A_2020 = tpu.dynamic_rotate %select_n3A_2008 by %roll3A_2019 dim 1 : vector<4x4096xi32>, i32 -> vector<4x4096xi32>
    %roll3A_2021 = arith.constant 64 : i32
    %roll3A_2022 = tpu.dynamic_rotate %select_n3A_2008 by %roll3A_2021 dim 1 : vector<4x4096xi32>, i32 -> vector<4x4096xi32>
    %and3A_2023 = arith.constant 64 : i32
    %and3A_2024 = vector.broadcast %and3A_2023 : i32 to vector<4x4096xi32>
    %and3A_2025 = arith.andi %iota3A_1906, %and3A_2024 : vector<4x4096xi32>
    %ne3A_2026 = arith.constant 0 : i32
    %ne3A_2027 = vector.broadcast %ne3A_2026 : i32 to vector<4x4096xi32>
    %ne3A_2028 = arith.cmpi ne, %and3A_2025, %ne3A_2027 : vector<4x4096xi32>
    %select_n3A_2029 = arith.select %ne3A_2028, %roll3A_2018, %roll3A_2016 : vector<4x4096xi1>, vector<4x4096xi32>
    %select_n3A_2030 = arith.select %ne3A_2028, %roll3A_2022, %roll3A_2020 : vector<4x4096xi1>, vector<4x4096xi32>
    %select_n3A_2031 = arith.select %ne3A_2028, %select_n3A_2029, %select_n3A_2007 : vector<4x4096xi1>, vector<4x4096xi32>
    %select_n3A_2032 = arith.select %ne3A_2028, %select_n3A_2007, %select_n3A_2029 : vector<4x4096xi1>, vector<4x4096xi32>
    %select_n3A_2033 = arith.select %ne3A_2028, %select_n3A_2030, %select_n3A_2008 : vector<4x4096xi1>, vector<4x4096xi32>
    %select_n3A_2034 = arith.select %ne3A_2028, %select_n3A_2008, %select_n3A_2030 : vector<4x4096xi1>, vector<4x4096xi32>
    %gt3A_2035 = arith.cmpi sgt, %select_n3A_2031, %select_n3A_2032 : vector<4x4096xi32>
    %eq3A_2036 = arith.cmpi eq, %select_n3A_2031, %select_n3A_2032 : vector<4x4096xi32>
    %lt3A_2037 = arith.cmpi slt, %select_n3A_2033, %select_n3A_2034 : vector<4x4096xi32>
    %and3A_2038 = arith.andi %eq3A_2036, %lt3A_2037 : vector<4x4096xi1>
    %or3A_2039 = arith.ori %gt3A_2035, %and3A_2038 : vector<4x4096xi1>
    %xor3A_2040 = arith.xori %or3A_2039, %eq3A_2014 : vector<4x4096xi1>
    %select_n3A_2041 = arith.select %xor3A_2040, %select_n3A_2029, %select_n3A_2007 : vector<4x4096xi1>, vector<4x4096xi32>
    %select_n3A_2042 = arith.select %xor3A_2040, %select_n3A_2030, %select_n3A_2008 : vector<4x4096xi1>, vector<4x4096xi32>
    %and3A_2043 = arith.constant 1024 : i32
    %and3A_2044 = vector.broadcast %and3A_2043 : i32 to vector<4x4096xi32>
    %and3A_2045 = arith.andi %iota3A_1906, %and3A_2044 : vector<4x4096xi32>
    %eq3A_2046 = arith.constant 0 : i32
    %eq3A_2047 = vector.broadcast %eq3A_2046 : i32 to vector<4x4096xi32>
    %eq3A_2048 = arith.cmpi eq, %and3A_2045, %eq3A_2047 : vector<4x4096xi32>
    %roll3A_2049 = arith.constant 4064 : i32
    %roll3A_2050 = tpu.dynamic_rotate %select_n3A_2041 by %roll3A_2049 dim 1 : vector<4x4096xi32>, i32 -> vector<4x4096xi32>
    %roll3A_2051 = arith.constant 32 : i32
    %roll3A_2052 = tpu.dynamic_rotate %select_n3A_2041 by %roll3A_2051 dim 1 : vector<4x4096xi32>, i32 -> vector<4x4096xi32>
    %roll3A_2053 = arith.constant 4064 : i32
    %roll3A_2054 = tpu.dynamic_rotate %select_n3A_2042 by %roll3A_2053 dim 1 : vector<4x4096xi32>, i32 -> vector<4x4096xi32>
    %roll3A_2055 = arith.constant 32 : i32
    %roll3A_2056 = tpu.dynamic_rotate %select_n3A_2042 by %roll3A_2055 dim 1 : vector<4x4096xi32>, i32 -> vector<4x4096xi32>
    %and3A_2057 = arith.constant 32 : i32
    %and3A_2058 = vector.broadcast %and3A_2057 : i32 to vector<4x4096xi32>
    %and3A_2059 = arith.andi %iota3A_1906, %and3A_2058 : vector<4x4096xi32>
    %ne3A_2060 = arith.constant 0 : i32
    %ne3A_2061 = vector.broadcast %ne3A_2060 : i32 to vector<4x4096xi32>
    %ne3A_2062 = arith.cmpi ne, %and3A_2059, %ne3A_2061 : vector<4x4096xi32>
    %select_n3A_2063 = arith.select %ne3A_2062, %roll3A_2052, %roll3A_2050 : vector<4x4096xi1>, vector<4x4096xi32>
    %select_n3A_2064 = arith.select %ne3A_2062, %roll3A_2056, %roll3A_2054 : vector<4x4096xi1>, vector<4x4096xi32>
    %select_n3A_2065 = arith.select %ne3A_2062, %select_n3A_2063, %select_n3A_2041 : vector<4x4096xi1>, vector<4x4096xi32>
    %select_n3A_2066 = arith.select %ne3A_2062, %select_n3A_2041, %select_n3A_2063 : vector<4x4096xi1>, vector<4x4096xi32>
    %select_n3A_2067 = arith.select %ne3A_2062, %select_n3A_2064, %select_n3A_2042 : vector<4x4096xi1>, vector<4x4096xi32>
    %select_n3A_2068 = arith.select %ne3A_2062, %select_n3A_2042, %select_n3A_2064 : vector<4x4096xi1>, vector<4x4096xi32>
    %gt3A_2069 = arith.cmpi sgt, %select_n3A_2065, %select_n3A_2066 : vector<4x4096xi32>
    %eq3A_2070 = arith.cmpi eq, %select_n3A_2065, %select_n3A_2066 : vector<4x4096xi32>
    %lt3A_2071 = arith.cmpi slt, %select_n3A_2067, %select_n3A_2068 : vector<4x4096xi32>
    %and3A_2072 = arith.andi %eq3A_2070, %lt3A_2071 : vector<4x4096xi1>
    %or3A_2073 = arith.ori %gt3A_2069, %and3A_2072 : vector<4x4096xi1>
    %xor3A_2074 = arith.xori %or3A_2073, %eq3A_2048 : vector<4x4096xi1>
    %select_n3A_2075 = arith.select %xor3A_2074, %select_n3A_2063, %select_n3A_2041 : vector<4x4096xi1>, vector<4x4096xi32>
    %select_n3A_2076 = arith.select %xor3A_2074, %select_n3A_2064, %select_n3A_2042 : vector<4x4096xi1>, vector<4x4096xi32>
    %and3A_2077 = arith.constant 1024 : i32
    %and3A_2078 = vector.broadcast %and3A_2077 : i32 to vector<4x4096xi32>
    %and3A_2079 = arith.andi %iota3A_1906, %and3A_2078 : vector<4x4096xi32>
    %eq3A_2080 = arith.constant 0 : i32
    %eq3A_2081 = vector.broadcast %eq3A_2080 : i32 to vector<4x4096xi32>
    %eq3A_2082 = arith.cmpi eq, %and3A_2079, %eq3A_2081 : vector<4x4096xi32>
    %roll3A_2083 = arith.constant 4080 : i32
    %roll3A_2084 = tpu.dynamic_rotate %select_n3A_2075 by %roll3A_2083 dim 1 : vector<4x4096xi32>, i32 -> vector<4x4096xi32>
    %roll3A_2085 = arith.constant 16 : i32
    %roll3A_2086 = tpu.dynamic_rotate %select_n3A_2075 by %roll3A_2085 dim 1 : vector<4x4096xi32>, i32 -> vector<4x4096xi32>
    %roll3A_2087 = arith.constant 4080 : i32
    %roll3A_2088 = tpu.dynamic_rotate %select_n3A_2076 by %roll3A_2087 dim 1 : vector<4x4096xi32>, i32 -> vector<4x4096xi32>
    %roll3A_2089 = arith.constant 16 : i32
    %roll3A_2090 = tpu.dynamic_rotate %select_n3A_2076 by %roll3A_2089 dim 1 : vector<4x4096xi32>, i32 -> vector<4x4096xi32>
    %and3A_2091 = arith.constant 16 : i32
    %and3A_2092 = vector.broadcast %and3A_2091 : i32 to vector<4x4096xi32>
    %and3A_2093 = arith.andi %iota3A_1906, %and3A_2092 : vector<4x4096xi32>
    %ne3A_2094 = arith.constant 0 : i32
    %ne3A_2095 = vector.broadcast %ne3A_2094 : i32 to vector<4x4096xi32>
    %ne3A_2096 = arith.cmpi ne, %and3A_2093, %ne3A_2095 : vector<4x4096xi32>
    %select_n3A_2097 = arith.select %ne3A_2096, %roll3A_2086, %roll3A_2084 : vector<4x4096xi1>, vector<4x4096xi32>
    %select_n3A_2098 = arith.select %ne3A_2096, %roll3A_2090, %roll3A_2088 : vector<4x4096xi1>, vector<4x4096xi32>
    %select_n3A_2099 = arith.select %ne3A_2096, %select_n3A_2097, %select_n3A_2075 : vector<4x4096xi1>, vector<4x4096xi32>
    %select_n3A_2100 = arith.select %ne3A_2096, %select_n3A_2075, %select_n3A_2097 : vector<4x4096xi1>, vector<4x4096xi32>
    %select_n3A_2101 = arith.select %ne3A_2096, %select_n3A_2098, %select_n3A_2076 : vector<4x4096xi1>, vector<4x4096xi32>
    %select_n3A_2102 = arith.select %ne3A_2096, %select_n3A_2076, %select_n3A_2098 : vector<4x4096xi1>, vector<4x4096xi32>
    %gt3A_2103 = arith.cmpi sgt, %select_n3A_2099, %select_n3A_2100 : vector<4x4096xi32>
    %eq3A_2104 = arith.cmpi eq, %select_n3A_2099, %select_n3A_2100 : vector<4x4096xi32>
    %lt3A_2105 = arith.cmpi slt, %select_n3A_2101, %select_n3A_2102 : vector<4x4096xi32>
    %and3A_2106 = arith.andi %eq3A_2104, %lt3A_2105 : vector<4x4096xi1>
    %or3A_2107 = arith.ori %gt3A_2103, %and3A_2106 : vector<4x4096xi1>
    %xor3A_2108 = arith.xori %or3A_2107, %eq3A_2082 : vector<4x4096xi1>
    %select_n3A_2109 = arith.select %xor3A_2108, %select_n3A_2097, %select_n3A_2075 : vector<4x4096xi1>, vector<4x4096xi32>
    %select_n3A_2110 = arith.select %xor3A_2108, %select_n3A_2098, %select_n3A_2076 : vector<4x4096xi1>, vector<4x4096xi32>
    %and3A_2111 = arith.constant 1024 : i32
    %and3A_2112 = vector.broadcast %and3A_2111 : i32 to vector<4x4096xi32>
    %and3A_2113 = arith.andi %iota3A_1906, %and3A_2112 : vector<4x4096xi32>
    %eq3A_2114 = arith.constant 0 : i32
    %eq3A_2115 = vector.broadcast %eq3A_2114 : i32 to vector<4x4096xi32>
    %eq3A_2116 = arith.cmpi eq, %and3A_2113, %eq3A_2115 : vector<4x4096xi32>
    %roll3A_2117 = arith.constant 4088 : i32
    %roll3A_2118 = tpu.dynamic_rotate %select_n3A_2109 by %roll3A_2117 dim 1 : vector<4x4096xi32>, i32 -> vector<4x4096xi32>
    %roll3A_2119 = arith.constant 8 : i32
    %roll3A_2120 = tpu.dynamic_rotate %select_n3A_2109 by %roll3A_2119 dim 1 : vector<4x4096xi32>, i32 -> vector<4x4096xi32>
    %roll3A_2121 = arith.constant 4088 : i32
    %roll3A_2122 = tpu.dynamic_rotate %select_n3A_2110 by %roll3A_2121 dim 1 : vector<4x4096xi32>, i32 -> vector<4x4096xi32>
    %roll3A_2123 = arith.constant 8 : i32
    %roll3A_2124 = tpu.dynamic_rotate %select_n3A_2110 by %roll3A_2123 dim 1 : vector<4x4096xi32>, i32 -> vector<4x4096xi32>
    %and3A_2125 = arith.constant 8 : i32
    %and3A_2126 = vector.broadcast %and3A_2125 : i32 to vector<4x4096xi32>
    %and3A_2127 = arith.andi %iota3A_1906, %and3A_2126 : vector<4x4096xi32>
    %ne3A_2128 = arith.constant 0 : i32
    %ne3A_2129 = vector.broadcast %ne3A_2128 : i32 to vector<4x4096xi32>
    %ne3A_2130 = arith.cmpi ne, %and3A_2127, %ne3A_2129 : vector<4x4096xi32>
    %select_n3A_2131 = arith.select %ne3A_2130, %roll3A_2120, %roll3A_2118 : vector<4x4096xi1>, vector<4x4096xi32>
    %select_n3A_2132 = arith.select %ne3A_2130, %roll3A_2124, %roll3A_2122 : vector<4x4096xi1>, vector<4x4096xi32>
    %select_n3A_2133 = arith.select %ne3A_2130, %select_n3A_2131, %select_n3A_2109 : vector<4x4096xi1>, vector<4x4096xi32>
    %select_n3A_2134 = arith.select %ne3A_2130, %select_n3A_2109, %select_n3A_2131 : vector<4x4096xi1>, vector<4x4096xi32>
    %select_n3A_2135 = arith.select %ne3A_2130, %select_n3A_2132, %select_n3A_2110 : vector<4x4096xi1>, vector<4x4096xi32>
    %select_n3A_2136 = arith.select %ne3A_2130, %select_n3A_2110, %select_n3A_2132 : vector<4x4096xi1>, vector<4x4096xi32>
    %gt3A_2137 = arith.cmpi sgt, %select_n3A_2133, %select_n3A_2134 : vector<4x4096xi32>
    %eq3A_2138 = arith.cmpi eq, %select_n3A_2133, %select_n3A_2134 : vector<4x4096xi32>
    %lt3A_2139 = arith.cmpi slt, %select_n3A_2135, %select_n3A_2136 : vector<4x4096xi32>
    %and3A_2140 = arith.andi %eq3A_2138, %lt3A_2139 : vector<4x4096xi1>
    %or3A_2141 = arith.ori %gt3A_2137, %and3A_2140 : vector<4x4096xi1>
    %xor3A_2142 = arith.xori %or3A_2141, %eq3A_2116 : vector<4x4096xi1>
    %select_n3A_2143 = arith.select %xor3A_2142, %select_n3A_2131, %select_n3A_2109 : vector<4x4096xi1>, vector<4x4096xi32>
    %select_n3A_2144 = arith.select %xor3A_2142, %select_n3A_2132, %select_n3A_2110 : vector<4x4096xi1>, vector<4x4096xi32>
    %and3A_2145 = arith.constant 1024 : i32
    %and3A_2146 = vector.broadcast %and3A_2145 : i32 to vector<4x4096xi32>
    %and3A_2147 = arith.andi %iota3A_1906, %and3A_2146 : vector<4x4096xi32>
    %eq3A_2148 = arith.constant 0 : i32
    %eq3A_2149 = vector.broadcast %eq3A_2148 : i32 to vector<4x4096xi32>
    %eq3A_2150 = arith.cmpi eq, %and3A_2147, %eq3A_2149 : vector<4x4096xi32>
    %roll3A_2151 = arith.constant 4092 : i32
    %roll3A_2152 = tpu.dynamic_rotate %select_n3A_2143 by %roll3A_2151 dim 1 : vector<4x4096xi32>, i32 -> vector<4x4096xi32>
    %roll3A_2153 = arith.constant 4 : i32
    %roll3A_2154 = tpu.dynamic_rotate %select_n3A_2143 by %roll3A_2153 dim 1 : vector<4x4096xi32>, i32 -> vector<4x4096xi32>
    %roll3A_2155 = arith.constant 4092 : i32
    %roll3A_2156 = tpu.dynamic_rotate %select_n3A_2144 by %roll3A_2155 dim 1 : vector<4x4096xi32>, i32 -> vector<4x4096xi32>
    %roll3A_2157 = arith.constant 4 : i32
    %roll3A_2158 = tpu.dynamic_rotate %select_n3A_2144 by %roll3A_2157 dim 1 : vector<4x4096xi32>, i32 -> vector<4x4096xi32>
    %and3A_2159 = arith.constant 4 : i32
    %and3A_2160 = vector.broadcast %and3A_2159 : i32 to vector<4x4096xi32>
    %and3A_2161 = arith.andi %iota3A_1906, %and3A_2160 : vector<4x4096xi32>
    %ne3A_2162 = arith.constant 0 : i32
    %ne3A_2163 = vector.broadcast %ne3A_2162 : i32 to vector<4x4096xi32>
    %ne3A_2164 = arith.cmpi ne, %and3A_2161, %ne3A_2163 : vector<4x4096xi32>
    %select_n3A_2165 = arith.select %ne3A_2164, %roll3A_2154, %roll3A_2152 : vector<4x4096xi1>, vector<4x4096xi32>
    %select_n3A_2166 = arith.select %ne3A_2164, %roll3A_2158, %roll3A_2156 : vector<4x4096xi1>, vector<4x4096xi32>
    %select_n3A_2167 = arith.select %ne3A_2164, %select_n3A_2165, %select_n3A_2143 : vector<4x4096xi1>, vector<4x4096xi32>
    %select_n3A_2168 = arith.select %ne3A_2164, %select_n3A_2143, %select_n3A_2165 : vector<4x4096xi1>, vector<4x4096xi32>
    %select_n3A_2169 = arith.select %ne3A_2164, %select_n3A_2166, %select_n3A_2144 : vector<4x4096xi1>, vector<4x4096xi32>
    %select_n3A_2170 = arith.select %ne3A_2164, %select_n3A_2144, %select_n3A_2166 : vector<4x4096xi1>, vector<4x4096xi32>
    %gt3A_2171 = arith.cmpi sgt, %select_n3A_2167, %select_n3A_2168 : vector<4x4096xi32>
    %eq3A_2172 = arith.cmpi eq, %select_n3A_2167, %select_n3A_2168 : vector<4x4096xi32>
    %lt3A_2173 = arith.cmpi slt, %select_n3A_2169, %select_n3A_2170 : vector<4x4096xi32>
    %and3A_2174 = arith.andi %eq3A_2172, %lt3A_2173 : vector<4x4096xi1>
    %or3A_2175 = arith.ori %gt3A_2171, %and3A_2174 : vector<4x4096xi1>
    %xor3A_2176 = arith.xori %or3A_2175, %eq3A_2150 : vector<4x4096xi1>
    %select_n3A_2177 = arith.select %xor3A_2176, %select_n3A_2165, %select_n3A_2143 : vector<4x4096xi1>, vector<4x4096xi32>
    %select_n3A_2178 = arith.select %xor3A_2176, %select_n3A_2166, %select_n3A_2144 : vector<4x4096xi1>, vector<4x4096xi32>
    %and3A_2179 = arith.constant 1024 : i32
    %and3A_2180 = vector.broadcast %and3A_2179 : i32 to vector<4x4096xi32>
    %and3A_2181 = arith.andi %iota3A_1906, %and3A_2180 : vector<4x4096xi32>
    %eq3A_2182 = arith.constant 0 : i32
    %eq3A_2183 = vector.broadcast %eq3A_2182 : i32 to vector<4x4096xi32>
    %eq3A_2184 = arith.cmpi eq, %and3A_2181, %eq3A_2183 : vector<4x4096xi32>
    %roll3A_2185 = arith.constant 4094 : i32
    %roll3A_2186 = tpu.dynamic_rotate %select_n3A_2177 by %roll3A_2185 dim 1 : vector<4x4096xi32>, i32 -> vector<4x4096xi32>
    %roll3A_2187 = arith.constant 2 : i32
    %roll3A_2188 = tpu.dynamic_rotate %select_n3A_2177 by %roll3A_2187 dim 1 : vector<4x4096xi32>, i32 -> vector<4x4096xi32>
    %roll3A_2189 = arith.constant 4094 : i32
    %roll3A_2190 = tpu.dynamic_rotate %select_n3A_2178 by %roll3A_2189 dim 1 : vector<4x4096xi32>, i32 -> vector<4x4096xi32>
    %roll3A_2191 = arith.constant 2 : i32
    %roll3A_2192 = tpu.dynamic_rotate %select_n3A_2178 by %roll3A_2191 dim 1 : vector<4x4096xi32>, i32 -> vector<4x4096xi32>
    %and3A_2193 = arith.constant 2 : i32
    %and3A_2194 = vector.broadcast %and3A_2193 : i32 to vector<4x4096xi32>
    %and3A_2195 = arith.andi %iota3A_1906, %and3A_2194 : vector<4x4096xi32>
    %ne3A_2196 = arith.constant 0 : i32
    %ne3A_2197 = vector.broadcast %ne3A_2196 : i32 to vector<4x4096xi32>
    %ne3A_2198 = arith.cmpi ne, %and3A_2195, %ne3A_2197 : vector<4x4096xi32>
    %select_n3A_2199 = arith.select %ne3A_2198, %roll3A_2188, %roll3A_2186 : vector<4x4096xi1>, vector<4x4096xi32>
    %select_n3A_2200 = arith.select %ne3A_2198, %roll3A_2192, %roll3A_2190 : vector<4x4096xi1>, vector<4x4096xi32>
    %select_n3A_2201 = arith.select %ne3A_2198, %select_n3A_2199, %select_n3A_2177 : vector<4x4096xi1>, vector<4x4096xi32>
    %select_n3A_2202 = arith.select %ne3A_2198, %select_n3A_2177, %select_n3A_2199 : vector<4x4096xi1>, vector<4x4096xi32>
    %select_n3A_2203 = arith.select %ne3A_2198, %select_n3A_2200, %select_n3A_2178 : vector<4x4096xi1>, vector<4x4096xi32>
    %select_n3A_2204 = arith.select %ne3A_2198, %select_n3A_2178, %select_n3A_2200 : vector<4x4096xi1>, vector<4x4096xi32>
    %gt3A_2205 = arith.cmpi sgt, %select_n3A_2201, %select_n3A_2202 : vector<4x4096xi32>
    %eq3A_2206 = arith.cmpi eq, %select_n3A_2201, %select_n3A_2202 : vector<4x4096xi32>
    %lt3A_2207 = arith.cmpi slt, %select_n3A_2203, %select_n3A_2204 : vector<4x4096xi32>
    %and3A_2208 = arith.andi %eq3A_2206, %lt3A_2207 : vector<4x4096xi1>
    %or3A_2209 = arith.ori %gt3A_2205, %and3A_2208 : vector<4x4096xi1>
    %xor3A_2210 = arith.xori %or3A_2209, %eq3A_2184 : vector<4x4096xi1>
    %select_n3A_2211 = arith.select %xor3A_2210, %select_n3A_2199, %select_n3A_2177 : vector<4x4096xi1>, vector<4x4096xi32>
    %select_n3A_2212 = arith.select %xor3A_2210, %select_n3A_2200, %select_n3A_2178 : vector<4x4096xi1>, vector<4x4096xi32>
    %and3A_2213 = arith.constant 1024 : i32
    %and3A_2214 = vector.broadcast %and3A_2213 : i32 to vector<4x4096xi32>
    %and3A_2215 = arith.andi %iota3A_1906, %and3A_2214 : vector<4x4096xi32>
    %eq3A_2216 = arith.constant 0 : i32
    %eq3A_2217 = vector.broadcast %eq3A_2216 : i32 to vector<4x4096xi32>
    %eq3A_2218 = arith.cmpi eq, %and3A_2215, %eq3A_2217 : vector<4x4096xi32>
    %roll3A_2219 = arith.constant 4095 : i32
    %roll3A_2220 = tpu.dynamic_rotate %select_n3A_2211 by %roll3A_2219 dim 1 : vector<4x4096xi32>, i32 -> vector<4x4096xi32>
    %roll3A_2221 = arith.constant 1 : i32
    %roll3A_2222 = tpu.dynamic_rotate %select_n3A_2211 by %roll3A_2221 dim 1 : vector<4x4096xi32>, i32 -> vector<4x4096xi32>
    %roll3A_2223 = arith.constant 4095 : i32
    %roll3A_2224 = tpu.dynamic_rotate %select_n3A_2212 by %roll3A_2223 dim 1 : vector<4x4096xi32>, i32 -> vector<4x4096xi32>
    %roll3A_2225 = arith.constant 1 : i32
    %roll3A_2226 = tpu.dynamic_rotate %select_n3A_2212 by %roll3A_2225 dim 1 : vector<4x4096xi32>, i32 -> vector<4x4096xi32>
    %and3A_2227 = arith.constant 1 : i32
    %and3A_2228 = vector.broadcast %and3A_2227 : i32 to vector<4x4096xi32>
    %and3A_2229 = arith.andi %iota3A_1906, %and3A_2228 : vector<4x4096xi32>
    %ne3A_2230 = arith.constant 0 : i32
    %ne3A_2231 = vector.broadcast %ne3A_2230 : i32 to vector<4x4096xi32>
    %ne3A_2232 = arith.cmpi ne, %and3A_2229, %ne3A_2231 : vector<4x4096xi32>
    %select_n3A_2233 = arith.select %ne3A_2232, %roll3A_2222, %roll3A_2220 : vector<4x4096xi1>, vector<4x4096xi32>
    %select_n3A_2234 = arith.select %ne3A_2232, %roll3A_2226, %roll3A_2224 : vector<4x4096xi1>, vector<4x4096xi32>
    %select_n3A_2235 = arith.select %ne3A_2232, %select_n3A_2233, %select_n3A_2211 : vector<4x4096xi1>, vector<4x4096xi32>
    %select_n3A_2236 = arith.select %ne3A_2232, %select_n3A_2211, %select_n3A_2233 : vector<4x4096xi1>, vector<4x4096xi32>
    %select_n3A_2237 = arith.select %ne3A_2232, %select_n3A_2234, %select_n3A_2212 : vector<4x4096xi1>, vector<4x4096xi32>
    %select_n3A_2238 = arith.select %ne3A_2232, %select_n3A_2212, %select_n3A_2234 : vector<4x4096xi1>, vector<4x4096xi32>
    %gt3A_2239 = arith.cmpi sgt, %select_n3A_2235, %select_n3A_2236 : vector<4x4096xi32>
    %eq3A_2240 = arith.cmpi eq, %select_n3A_2235, %select_n3A_2236 : vector<4x4096xi32>
    %lt3A_2241 = arith.cmpi slt, %select_n3A_2237, %select_n3A_2238 : vector<4x4096xi32>
    %and3A_2242 = arith.andi %eq3A_2240, %lt3A_2241 : vector<4x4096xi1>
    %or3A_2243 = arith.ori %gt3A_2239, %and3A_2242 : vector<4x4096xi1>
    %xor3A_2244 = arith.xori %or3A_2243, %eq3A_2218 : vector<4x4096xi1>
    %select_n3A_2245 = arith.select %xor3A_2244, %select_n3A_2233, %select_n3A_2211 : vector<4x4096xi1>, vector<4x4096xi32>
    %select_n3A_2246 = arith.select %xor3A_2244, %select_n3A_2234, %select_n3A_2212 : vector<4x4096xi1>, vector<4x4096xi32>
    %ge3A_2247 = arith.constant 0 : i32
    %ge3A_2248 = vector.broadcast %ge3A_2247 : i32 to vector<4x4096xi32>
    %ge3A_2249 = arith.cmpi sge, %iota3A_1906, %ge3A_2248 : vector<4x4096xi32>
    %roll3A_2250 = arith.constant 3072 : i32
    %roll3A_2251 = tpu.dynamic_rotate %select_n3A_2245 by %roll3A_2250 dim 1 : vector<4x4096xi32>, i32 -> vector<4x4096xi32>
    %roll3A_2252 = arith.constant 1024 : i32
    %roll3A_2253 = tpu.dynamic_rotate %select_n3A_2245 by %roll3A_2252 dim 1 : vector<4x4096xi32>, i32 -> vector<4x4096xi32>
    %roll3A_2254 = arith.constant 3072 : i32
    %roll3A_2255 = tpu.dynamic_rotate %select_n3A_2246 by %roll3A_2254 dim 1 : vector<4x4096xi32>, i32 -> vector<4x4096xi32>
    %roll3A_2256 = arith.constant 1024 : i32
    %roll3A_2257 = tpu.dynamic_rotate %select_n3A_2246 by %roll3A_2256 dim 1 : vector<4x4096xi32>, i32 -> vector<4x4096xi32>
    %and3A_2258 = arith.constant 1024 : i32
    %and3A_2259 = vector.broadcast %and3A_2258 : i32 to vector<4x4096xi32>
    %and3A_2260 = arith.andi %iota3A_1906, %and3A_2259 : vector<4x4096xi32>
    %ne3A_2261 = arith.constant 0 : i32
    %ne3A_2262 = vector.broadcast %ne3A_2261 : i32 to vector<4x4096xi32>
    %ne3A_2263 = arith.cmpi ne, %and3A_2260, %ne3A_2262 : vector<4x4096xi32>
    %select_n3A_2264 = arith.select %ne3A_2263, %roll3A_2253, %roll3A_2251 : vector<4x4096xi1>, vector<4x4096xi32>
    %select_n3A_2265 = arith.select %ne3A_2263, %roll3A_2257, %roll3A_2255 : vector<4x4096xi1>, vector<4x4096xi32>
    %select_n3A_2266 = arith.select %ne3A_2263, %select_n3A_2264, %select_n3A_2245 : vector<4x4096xi1>, vector<4x4096xi32>
    %select_n3A_2267 = arith.select %ne3A_2263, %select_n3A_2245, %select_n3A_2264 : vector<4x4096xi1>, vector<4x4096xi32>
    %select_n3A_2268 = arith.select %ne3A_2263, %select_n3A_2265, %select_n3A_2246 : vector<4x4096xi1>, vector<4x4096xi32>
    %select_n3A_2269 = arith.select %ne3A_2263, %select_n3A_2246, %select_n3A_2265 : vector<4x4096xi1>, vector<4x4096xi32>
    %gt3A_2270 = arith.cmpi sgt, %select_n3A_2266, %select_n3A_2267 : vector<4x4096xi32>
    %eq3A_2271 = arith.cmpi eq, %select_n3A_2266, %select_n3A_2267 : vector<4x4096xi32>
    %lt3A_2272 = arith.cmpi slt, %select_n3A_2268, %select_n3A_2269 : vector<4x4096xi32>
    %and3A_2273 = arith.andi %eq3A_2271, %lt3A_2272 : vector<4x4096xi1>
    %or3A_2274 = arith.ori %gt3A_2270, %and3A_2273 : vector<4x4096xi1>
    %xor3A_2275 = arith.xori %or3A_2274, %ge3A_2249 : vector<4x4096xi1>
    %select_n3A_2276 = arith.select %xor3A_2275, %select_n3A_2264, %select_n3A_2245 : vector<4x4096xi1>, vector<4x4096xi32>
    %select_n3A_2277 = arith.select %xor3A_2275, %select_n3A_2265, %select_n3A_2246 : vector<4x4096xi1>, vector<4x4096xi32>
    %reshape3A_2278 = vector.shape_cast %select_n3A_2276 : vector<4x4096xi32> to vector<4x2x2x1024xi32>
    %slice3A_2279 = vector.extract_strided_slice %reshape3A_2278 {offsets = [0, 0, 0, 0], sizes = [4, 2, 1, 1024], strides = [1, 1, 1, 1]} : vector<4x2x2x1024xi32> to vector<4x2x1x1024xi32>
    %squeeze3A_2280 = vector.shape_cast %slice3A_2279 : vector<4x2x1x1024xi32> to vector<4x2x1024xi32>
    %reshape3A_2281 = vector.shape_cast %select_n3A_2277 : vector<4x4096xi32> to vector<4x2x2x1024xi32>
    %slice3A_2282 = vector.extract_strided_slice %reshape3A_2281 {offsets = [0, 0, 0, 0], sizes = [4, 2, 1, 1024], strides = [1, 1, 1, 1]} : vector<4x2x2x1024xi32> to vector<4x2x1x1024xi32>
    %squeeze3A_2283 = vector.shape_cast %slice3A_2282 : vector<4x2x1x1024xi32> to vector<4x2x1024xi32>
    %reshape3A_2284 = vector.shape_cast %squeeze3A_2280 : vector<4x2x1024xi32> to vector<4x2048xi32>
    %reshape3A_2285 = vector.shape_cast %squeeze3A_2283 : vector<4x2x1024xi32> to vector<4x2048xi32>
    %iota3A_2286 = tpu.iota {dimensions = array<i32: 1>} : vector<4x2048xi32>
    %and3A_2287 = arith.constant 1024 : i32
    %and3A_2288 = vector.broadcast %and3A_2287 : i32 to vector<4x2048xi32>
    %and3A_2289 = arith.andi %iota3A_2286, %and3A_2288 : vector<4x2048xi32>
    %eq3A_2290 = arith.constant 0 : i32
    %eq3A_2291 = vector.broadcast %eq3A_2290 : i32 to vector<4x2048xi32>
    %eq3A_2292 = arith.cmpi eq, %and3A_2289, %eq3A_2291 : vector<4x2048xi32>
    %roll3A_2293 = arith.constant 1536 : i32
    %roll3A_2294 = tpu.dynamic_rotate %reshape3A_2284 by %roll3A_2293 dim 1 : vector<4x2048xi32>, i32 -> vector<4x2048xi32>
    %roll3A_2295 = arith.constant 512 : i32
    %roll3A_2296 = tpu.dynamic_rotate %reshape3A_2284 by %roll3A_2295 dim 1 : vector<4x2048xi32>, i32 -> vector<4x2048xi32>
    %roll3A_2297 = arith.constant 1536 : i32
    %roll3A_2298 = tpu.dynamic_rotate %reshape3A_2285 by %roll3A_2297 dim 1 : vector<4x2048xi32>, i32 -> vector<4x2048xi32>
    %roll3A_2299 = arith.constant 512 : i32
    %roll3A_2300 = tpu.dynamic_rotate %reshape3A_2285 by %roll3A_2299 dim 1 : vector<4x2048xi32>, i32 -> vector<4x2048xi32>
    %and3A_2301 = arith.constant 512 : i32
    %and3A_2302 = vector.broadcast %and3A_2301 : i32 to vector<4x2048xi32>
    %and3A_2303 = arith.andi %iota3A_2286, %and3A_2302 : vector<4x2048xi32>
    %ne3A_2304 = arith.constant 0 : i32
    %ne3A_2305 = vector.broadcast %ne3A_2304 : i32 to vector<4x2048xi32>
    %ne3A_2306 = arith.cmpi ne, %and3A_2303, %ne3A_2305 : vector<4x2048xi32>
    %select_n3A_2307 = arith.select %ne3A_2306, %roll3A_2296, %roll3A_2294 : vector<4x2048xi1>, vector<4x2048xi32>
    %select_n3A_2308 = arith.select %ne3A_2306, %roll3A_2300, %roll3A_2298 : vector<4x2048xi1>, vector<4x2048xi32>
    %select_n3A_2309 = arith.select %ne3A_2306, %select_n3A_2307, %reshape3A_2284 : vector<4x2048xi1>, vector<4x2048xi32>
    %select_n3A_2310 = arith.select %ne3A_2306, %reshape3A_2284, %select_n3A_2307 : vector<4x2048xi1>, vector<4x2048xi32>
    %select_n3A_2311 = arith.select %ne3A_2306, %select_n3A_2308, %reshape3A_2285 : vector<4x2048xi1>, vector<4x2048xi32>
    %select_n3A_2312 = arith.select %ne3A_2306, %reshape3A_2285, %select_n3A_2308 : vector<4x2048xi1>, vector<4x2048xi32>
    %gt3A_2313 = arith.cmpi sgt, %select_n3A_2309, %select_n3A_2310 : vector<4x2048xi32>
    %eq3A_2314 = arith.cmpi eq, %select_n3A_2309, %select_n3A_2310 : vector<4x2048xi32>
    %lt3A_2315 = arith.cmpi slt, %select_n3A_2311, %select_n3A_2312 : vector<4x2048xi32>
    %and3A_2316 = arith.andi %eq3A_2314, %lt3A_2315 : vector<4x2048xi1>
    %or3A_2317 = arith.ori %gt3A_2313, %and3A_2316 : vector<4x2048xi1>
    %xor3A_2318 = arith.xori %or3A_2317, %eq3A_2292 : vector<4x2048xi1>
    %select_n3A_2319 = arith.select %xor3A_2318, %select_n3A_2307, %reshape3A_2284 : vector<4x2048xi1>, vector<4x2048xi32>
    %select_n3A_2320 = arith.select %xor3A_2318, %select_n3A_2308, %reshape3A_2285 : vector<4x2048xi1>, vector<4x2048xi32>
    %and3A_2321 = arith.constant 1024 : i32
    %and3A_2322 = vector.broadcast %and3A_2321 : i32 to vector<4x2048xi32>
    %and3A_2323 = arith.andi %iota3A_2286, %and3A_2322 : vector<4x2048xi32>
    %eq3A_2324 = arith.constant 0 : i32
    %eq3A_2325 = vector.broadcast %eq3A_2324 : i32 to vector<4x2048xi32>
    %eq3A_2326 = arith.cmpi eq, %and3A_2323, %eq3A_2325 : vector<4x2048xi32>
    %roll3A_2327 = arith.constant 1792 : i32
    %roll3A_2328 = tpu.dynamic_rotate %select_n3A_2319 by %roll3A_2327 dim 1 : vector<4x2048xi32>, i32 -> vector<4x2048xi32>
    %roll3A_2329 = arith.constant 256 : i32
    %roll3A_2330 = tpu.dynamic_rotate %select_n3A_2319 by %roll3A_2329 dim 1 : vector<4x2048xi32>, i32 -> vector<4x2048xi32>
    %roll3A_2331 = arith.constant 1792 : i32
    %roll3A_2332 = tpu.dynamic_rotate %select_n3A_2320 by %roll3A_2331 dim 1 : vector<4x2048xi32>, i32 -> vector<4x2048xi32>
    %roll3A_2333 = arith.constant 256 : i32
    %roll3A_2334 = tpu.dynamic_rotate %select_n3A_2320 by %roll3A_2333 dim 1 : vector<4x2048xi32>, i32 -> vector<4x2048xi32>
    %and3A_2335 = arith.constant 256 : i32
    %and3A_2336 = vector.broadcast %and3A_2335 : i32 to vector<4x2048xi32>
    %and3A_2337 = arith.andi %iota3A_2286, %and3A_2336 : vector<4x2048xi32>
    %ne3A_2338 = arith.constant 0 : i32
    %ne3A_2339 = vector.broadcast %ne3A_2338 : i32 to vector<4x2048xi32>
    %ne3A_2340 = arith.cmpi ne, %and3A_2337, %ne3A_2339 : vector<4x2048xi32>
    %select_n3A_2341 = arith.select %ne3A_2340, %roll3A_2330, %roll3A_2328 : vector<4x2048xi1>, vector<4x2048xi32>
    %select_n3A_2342 = arith.select %ne3A_2340, %roll3A_2334, %roll3A_2332 : vector<4x2048xi1>, vector<4x2048xi32>
    %select_n3A_2343 = arith.select %ne3A_2340, %select_n3A_2341, %select_n3A_2319 : vector<4x2048xi1>, vector<4x2048xi32>
    %select_n3A_2344 = arith.select %ne3A_2340, %select_n3A_2319, %select_n3A_2341 : vector<4x2048xi1>, vector<4x2048xi32>
    %select_n3A_2345 = arith.select %ne3A_2340, %select_n3A_2342, %select_n3A_2320 : vector<4x2048xi1>, vector<4x2048xi32>
    %select_n3A_2346 = arith.select %ne3A_2340, %select_n3A_2320, %select_n3A_2342 : vector<4x2048xi1>, vector<4x2048xi32>
    %gt3A_2347 = arith.cmpi sgt, %select_n3A_2343, %select_n3A_2344 : vector<4x2048xi32>
    %eq3A_2348 = arith.cmpi eq, %select_n3A_2343, %select_n3A_2344 : vector<4x2048xi32>
    %lt3A_2349 = arith.cmpi slt, %select_n3A_2345, %select_n3A_2346 : vector<4x2048xi32>
    %and3A_2350 = arith.andi %eq3A_2348, %lt3A_2349 : vector<4x2048xi1>
    %or3A_2351 = arith.ori %gt3A_2347, %and3A_2350 : vector<4x2048xi1>
    %xor3A_2352 = arith.xori %or3A_2351, %eq3A_2326 : vector<4x2048xi1>
    %select_n3A_2353 = arith.select %xor3A_2352, %select_n3A_2341, %select_n3A_2319 : vector<4x2048xi1>, vector<4x2048xi32>
    %select_n3A_2354 = arith.select %xor3A_2352, %select_n3A_2342, %select_n3A_2320 : vector<4x2048xi1>, vector<4x2048xi32>
    %and3A_2355 = arith.constant 1024 : i32
    %and3A_2356 = vector.broadcast %and3A_2355 : i32 to vector<4x2048xi32>
    %and3A_2357 = arith.andi %iota3A_2286, %and3A_2356 : vector<4x2048xi32>
    %eq3A_2358 = arith.constant 0 : i32
    %eq3A_2359 = vector.broadcast %eq3A_2358 : i32 to vector<4x2048xi32>
    %eq3A_2360 = arith.cmpi eq, %and3A_2357, %eq3A_2359 : vector<4x2048xi32>
    %roll3A_2361 = arith.constant 1920 : i32
    %roll3A_2362 = tpu.dynamic_rotate %select_n3A_2353 by %roll3A_2361 dim 1 : vector<4x2048xi32>, i32 -> vector<4x2048xi32>
    %roll3A_2363 = arith.constant 128 : i32
    %roll3A_2364 = tpu.dynamic_rotate %select_n3A_2353 by %roll3A_2363 dim 1 : vector<4x2048xi32>, i32 -> vector<4x2048xi32>
    %roll3A_2365 = arith.constant 1920 : i32
    %roll3A_2366 = tpu.dynamic_rotate %select_n3A_2354 by %roll3A_2365 dim 1 : vector<4x2048xi32>, i32 -> vector<4x2048xi32>
    %roll3A_2367 = arith.constant 128 : i32
    %roll3A_2368 = tpu.dynamic_rotate %select_n3A_2354 by %roll3A_2367 dim 1 : vector<4x2048xi32>, i32 -> vector<4x2048xi32>
    %and3A_2369 = arith.constant 128 : i32
    %and3A_2370 = vector.broadcast %and3A_2369 : i32 to vector<4x2048xi32>
    %and3A_2371 = arith.andi %iota3A_2286, %and3A_2370 : vector<4x2048xi32>
    %ne3A_2372 = arith.constant 0 : i32
    %ne3A_2373 = vector.broadcast %ne3A_2372 : i32 to vector<4x2048xi32>
    %ne3A_2374 = arith.cmpi ne, %and3A_2371, %ne3A_2373 : vector<4x2048xi32>
    %select_n3A_2375 = arith.select %ne3A_2374, %roll3A_2364, %roll3A_2362 : vector<4x2048xi1>, vector<4x2048xi32>
    %select_n3A_2376 = arith.select %ne3A_2374, %roll3A_2368, %roll3A_2366 : vector<4x2048xi1>, vector<4x2048xi32>
    %select_n3A_2377 = arith.select %ne3A_2374, %select_n3A_2375, %select_n3A_2353 : vector<4x2048xi1>, vector<4x2048xi32>
    %select_n3A_2378 = arith.select %ne3A_2374, %select_n3A_2353, %select_n3A_2375 : vector<4x2048xi1>, vector<4x2048xi32>
    %select_n3A_2379 = arith.select %ne3A_2374, %select_n3A_2376, %select_n3A_2354 : vector<4x2048xi1>, vector<4x2048xi32>
    %select_n3A_2380 = arith.select %ne3A_2374, %select_n3A_2354, %select_n3A_2376 : vector<4x2048xi1>, vector<4x2048xi32>
    %gt3A_2381 = arith.cmpi sgt, %select_n3A_2377, %select_n3A_2378 : vector<4x2048xi32>
    %eq3A_2382 = arith.cmpi eq, %select_n3A_2377, %select_n3A_2378 : vector<4x2048xi32>
    %lt3A_2383 = arith.cmpi slt, %select_n3A_2379, %select_n3A_2380 : vector<4x2048xi32>
    %and3A_2384 = arith.andi %eq3A_2382, %lt3A_2383 : vector<4x2048xi1>
    %or3A_2385 = arith.ori %gt3A_2381, %and3A_2384 : vector<4x2048xi1>
    %xor3A_2386 = arith.xori %or3A_2385, %eq3A_2360 : vector<4x2048xi1>
    %select_n3A_2387 = arith.select %xor3A_2386, %select_n3A_2375, %select_n3A_2353 : vector<4x2048xi1>, vector<4x2048xi32>
    %select_n3A_2388 = arith.select %xor3A_2386, %select_n3A_2376, %select_n3A_2354 : vector<4x2048xi1>, vector<4x2048xi32>
    %and3A_2389 = arith.constant 1024 : i32
    %and3A_2390 = vector.broadcast %and3A_2389 : i32 to vector<4x2048xi32>
    %and3A_2391 = arith.andi %iota3A_2286, %and3A_2390 : vector<4x2048xi32>
    %eq3A_2392 = arith.constant 0 : i32
    %eq3A_2393 = vector.broadcast %eq3A_2392 : i32 to vector<4x2048xi32>
    %eq3A_2394 = arith.cmpi eq, %and3A_2391, %eq3A_2393 : vector<4x2048xi32>
    %roll3A_2395 = arith.constant 1984 : i32
    %roll3A_2396 = tpu.dynamic_rotate %select_n3A_2387 by %roll3A_2395 dim 1 : vector<4x2048xi32>, i32 -> vector<4x2048xi32>
    %roll3A_2397 = arith.constant 64 : i32
    %roll3A_2398 = tpu.dynamic_rotate %select_n3A_2387 by %roll3A_2397 dim 1 : vector<4x2048xi32>, i32 -> vector<4x2048xi32>
    %roll3A_2399 = arith.constant 1984 : i32
    %roll3A_2400 = tpu.dynamic_rotate %select_n3A_2388 by %roll3A_2399 dim 1 : vector<4x2048xi32>, i32 -> vector<4x2048xi32>
    %roll3A_2401 = arith.constant 64 : i32
    %roll3A_2402 = tpu.dynamic_rotate %select_n3A_2388 by %roll3A_2401 dim 1 : vector<4x2048xi32>, i32 -> vector<4x2048xi32>
    %and3A_2403 = arith.constant 64 : i32
    %and3A_2404 = vector.broadcast %and3A_2403 : i32 to vector<4x2048xi32>
    %and3A_2405 = arith.andi %iota3A_2286, %and3A_2404 : vector<4x2048xi32>
    %ne3A_2406 = arith.constant 0 : i32
    %ne3A_2407 = vector.broadcast %ne3A_2406 : i32 to vector<4x2048xi32>
    %ne3A_2408 = arith.cmpi ne, %and3A_2405, %ne3A_2407 : vector<4x2048xi32>
    %select_n3A_2409 = arith.select %ne3A_2408, %roll3A_2398, %roll3A_2396 : vector<4x2048xi1>, vector<4x2048xi32>
    %select_n3A_2410 = arith.select %ne3A_2408, %roll3A_2402, %roll3A_2400 : vector<4x2048xi1>, vector<4x2048xi32>
    %select_n3A_2411 = arith.select %ne3A_2408, %select_n3A_2409, %select_n3A_2387 : vector<4x2048xi1>, vector<4x2048xi32>
    %select_n3A_2412 = arith.select %ne3A_2408, %select_n3A_2387, %select_n3A_2409 : vector<4x2048xi1>, vector<4x2048xi32>
    %select_n3A_2413 = arith.select %ne3A_2408, %select_n3A_2410, %select_n3A_2388 : vector<4x2048xi1>, vector<4x2048xi32>
    %select_n3A_2414 = arith.select %ne3A_2408, %select_n3A_2388, %select_n3A_2410 : vector<4x2048xi1>, vector<4x2048xi32>
    %gt3A_2415 = arith.cmpi sgt, %select_n3A_2411, %select_n3A_2412 : vector<4x2048xi32>
    %eq3A_2416 = arith.cmpi eq, %select_n3A_2411, %select_n3A_2412 : vector<4x2048xi32>
    %lt3A_2417 = arith.cmpi slt, %select_n3A_2413, %select_n3A_2414 : vector<4x2048xi32>
    %and3A_2418 = arith.andi %eq3A_2416, %lt3A_2417 : vector<4x2048xi1>
    %or3A_2419 = arith.ori %gt3A_2415, %and3A_2418 : vector<4x2048xi1>
    %xor3A_2420 = arith.xori %or3A_2419, %eq3A_2394 : vector<4x2048xi1>
    %select_n3A_2421 = arith.select %xor3A_2420, %select_n3A_2409, %select_n3A_2387 : vector<4x2048xi1>, vector<4x2048xi32>
    %select_n3A_2422 = arith.select %xor3A_2420, %select_n3A_2410, %select_n3A_2388 : vector<4x2048xi1>, vector<4x2048xi32>
    %and3A_2423 = arith.constant 1024 : i32
    %and3A_2424 = vector.broadcast %and3A_2423 : i32 to vector<4x2048xi32>
    %and3A_2425 = arith.andi %iota3A_2286, %and3A_2424 : vector<4x2048xi32>
    %eq3A_2426 = arith.constant 0 : i32
    %eq3A_2427 = vector.broadcast %eq3A_2426 : i32 to vector<4x2048xi32>
    %eq3A_2428 = arith.cmpi eq, %and3A_2425, %eq3A_2427 : vector<4x2048xi32>
    %roll3A_2429 = arith.constant 2016 : i32
    %roll3A_2430 = tpu.dynamic_rotate %select_n3A_2421 by %roll3A_2429 dim 1 : vector<4x2048xi32>, i32 -> vector<4x2048xi32>
    %roll3A_2431 = arith.constant 32 : i32
    %roll3A_2432 = tpu.dynamic_rotate %select_n3A_2421 by %roll3A_2431 dim 1 : vector<4x2048xi32>, i32 -> vector<4x2048xi32>
    %roll3A_2433 = arith.constant 2016 : i32
    %roll3A_2434 = tpu.dynamic_rotate %select_n3A_2422 by %roll3A_2433 dim 1 : vector<4x2048xi32>, i32 -> vector<4x2048xi32>
    %roll3A_2435 = arith.constant 32 : i32
    %roll3A_2436 = tpu.dynamic_rotate %select_n3A_2422 by %roll3A_2435 dim 1 : vector<4x2048xi32>, i32 -> vector<4x2048xi32>
    %and3A_2437 = arith.constant 32 : i32
    %and3A_2438 = vector.broadcast %and3A_2437 : i32 to vector<4x2048xi32>
    %and3A_2439 = arith.andi %iota3A_2286, %and3A_2438 : vector<4x2048xi32>
    %ne3A_2440 = arith.constant 0 : i32
    %ne3A_2441 = vector.broadcast %ne3A_2440 : i32 to vector<4x2048xi32>
    %ne3A_2442 = arith.cmpi ne, %and3A_2439, %ne3A_2441 : vector<4x2048xi32>
    %select_n3A_2443 = arith.select %ne3A_2442, %roll3A_2432, %roll3A_2430 : vector<4x2048xi1>, vector<4x2048xi32>
    %select_n3A_2444 = arith.select %ne3A_2442, %roll3A_2436, %roll3A_2434 : vector<4x2048xi1>, vector<4x2048xi32>
    %select_n3A_2445 = arith.select %ne3A_2442, %select_n3A_2443, %select_n3A_2421 : vector<4x2048xi1>, vector<4x2048xi32>
    %select_n3A_2446 = arith.select %ne3A_2442, %select_n3A_2421, %select_n3A_2443 : vector<4x2048xi1>, vector<4x2048xi32>
    %select_n3A_2447 = arith.select %ne3A_2442, %select_n3A_2444, %select_n3A_2422 : vector<4x2048xi1>, vector<4x2048xi32>
    %select_n3A_2448 = arith.select %ne3A_2442, %select_n3A_2422, %select_n3A_2444 : vector<4x2048xi1>, vector<4x2048xi32>
    %gt3A_2449 = arith.cmpi sgt, %select_n3A_2445, %select_n3A_2446 : vector<4x2048xi32>
    %eq3A_2450 = arith.cmpi eq, %select_n3A_2445, %select_n3A_2446 : vector<4x2048xi32>
    %lt3A_2451 = arith.cmpi slt, %select_n3A_2447, %select_n3A_2448 : vector<4x2048xi32>
    %and3A_2452 = arith.andi %eq3A_2450, %lt3A_2451 : vector<4x2048xi1>
    %or3A_2453 = arith.ori %gt3A_2449, %and3A_2452 : vector<4x2048xi1>
    %xor3A_2454 = arith.xori %or3A_2453, %eq3A_2428 : vector<4x2048xi1>
    %select_n3A_2455 = arith.select %xor3A_2454, %select_n3A_2443, %select_n3A_2421 : vector<4x2048xi1>, vector<4x2048xi32>
    %select_n3A_2456 = arith.select %xor3A_2454, %select_n3A_2444, %select_n3A_2422 : vector<4x2048xi1>, vector<4x2048xi32>
    %and3A_2457 = arith.constant 1024 : i32
    %and3A_2458 = vector.broadcast %and3A_2457 : i32 to vector<4x2048xi32>
    %and3A_2459 = arith.andi %iota3A_2286, %and3A_2458 : vector<4x2048xi32>
    %eq3A_2460 = arith.constant 0 : i32
    %eq3A_2461 = vector.broadcast %eq3A_2460 : i32 to vector<4x2048xi32>
    %eq3A_2462 = arith.cmpi eq, %and3A_2459, %eq3A_2461 : vector<4x2048xi32>
    %roll3A_2463 = arith.constant 2032 : i32
    %roll3A_2464 = tpu.dynamic_rotate %select_n3A_2455 by %roll3A_2463 dim 1 : vector<4x2048xi32>, i32 -> vector<4x2048xi32>
    %roll3A_2465 = arith.constant 16 : i32
    %roll3A_2466 = tpu.dynamic_rotate %select_n3A_2455 by %roll3A_2465 dim 1 : vector<4x2048xi32>, i32 -> vector<4x2048xi32>
    %roll3A_2467 = arith.constant 2032 : i32
    %roll3A_2468 = tpu.dynamic_rotate %select_n3A_2456 by %roll3A_2467 dim 1 : vector<4x2048xi32>, i32 -> vector<4x2048xi32>
    %roll3A_2469 = arith.constant 16 : i32
    %roll3A_2470 = tpu.dynamic_rotate %select_n3A_2456 by %roll3A_2469 dim 1 : vector<4x2048xi32>, i32 -> vector<4x2048xi32>
    %and3A_2471 = arith.constant 16 : i32
    %and3A_2472 = vector.broadcast %and3A_2471 : i32 to vector<4x2048xi32>
    %and3A_2473 = arith.andi %iota3A_2286, %and3A_2472 : vector<4x2048xi32>
    %ne3A_2474 = arith.constant 0 : i32
    %ne3A_2475 = vector.broadcast %ne3A_2474 : i32 to vector<4x2048xi32>
    %ne3A_2476 = arith.cmpi ne, %and3A_2473, %ne3A_2475 : vector<4x2048xi32>
    %select_n3A_2477 = arith.select %ne3A_2476, %roll3A_2466, %roll3A_2464 : vector<4x2048xi1>, vector<4x2048xi32>
    %select_n3A_2478 = arith.select %ne3A_2476, %roll3A_2470, %roll3A_2468 : vector<4x2048xi1>, vector<4x2048xi32>
    %select_n3A_2479 = arith.select %ne3A_2476, %select_n3A_2477, %select_n3A_2455 : vector<4x2048xi1>, vector<4x2048xi32>
    %select_n3A_2480 = arith.select %ne3A_2476, %select_n3A_2455, %select_n3A_2477 : vector<4x2048xi1>, vector<4x2048xi32>
    %select_n3A_2481 = arith.select %ne3A_2476, %select_n3A_2478, %select_n3A_2456 : vector<4x2048xi1>, vector<4x2048xi32>
    %select_n3A_2482 = arith.select %ne3A_2476, %select_n3A_2456, %select_n3A_2478 : vector<4x2048xi1>, vector<4x2048xi32>
    %gt3A_2483 = arith.cmpi sgt, %select_n3A_2479, %select_n3A_2480 : vector<4x2048xi32>
    %eq3A_2484 = arith.cmpi eq, %select_n3A_2479, %select_n3A_2480 : vector<4x2048xi32>
    %lt3A_2485 = arith.cmpi slt, %select_n3A_2481, %select_n3A_2482 : vector<4x2048xi32>
    %and3A_2486 = arith.andi %eq3A_2484, %lt3A_2485 : vector<4x2048xi1>
    %or3A_2487 = arith.ori %gt3A_2483, %and3A_2486 : vector<4x2048xi1>
    %xor3A_2488 = arith.xori %or3A_2487, %eq3A_2462 : vector<4x2048xi1>
    %select_n3A_2489 = arith.select %xor3A_2488, %select_n3A_2477, %select_n3A_2455 : vector<4x2048xi1>, vector<4x2048xi32>
    %select_n3A_2490 = arith.select %xor3A_2488, %select_n3A_2478, %select_n3A_2456 : vector<4x2048xi1>, vector<4x2048xi32>
    %and3A_2491 = arith.constant 1024 : i32
    %and3A_2492 = vector.broadcast %and3A_2491 : i32 to vector<4x2048xi32>
    %and3A_2493 = arith.andi %iota3A_2286, %and3A_2492 : vector<4x2048xi32>
    %eq3A_2494 = arith.constant 0 : i32
    %eq3A_2495 = vector.broadcast %eq3A_2494 : i32 to vector<4x2048xi32>
    %eq3A_2496 = arith.cmpi eq, %and3A_2493, %eq3A_2495 : vector<4x2048xi32>
    %roll3A_2497 = arith.constant 2040 : i32
    %roll3A_2498 = tpu.dynamic_rotate %select_n3A_2489 by %roll3A_2497 dim 1 : vector<4x2048xi32>, i32 -> vector<4x2048xi32>
    %roll3A_2499 = arith.constant 8 : i32
    %roll3A_2500 = tpu.dynamic_rotate %select_n3A_2489 by %roll3A_2499 dim 1 : vector<4x2048xi32>, i32 -> vector<4x2048xi32>
    %roll3A_2501 = arith.constant 2040 : i32
    %roll3A_2502 = tpu.dynamic_rotate %select_n3A_2490 by %roll3A_2501 dim 1 : vector<4x2048xi32>, i32 -> vector<4x2048xi32>
    %roll3A_2503 = arith.constant 8 : i32
    %roll3A_2504 = tpu.dynamic_rotate %select_n3A_2490 by %roll3A_2503 dim 1 : vector<4x2048xi32>, i32 -> vector<4x2048xi32>
    %and3A_2505 = arith.constant 8 : i32
    %and3A_2506 = vector.broadcast %and3A_2505 : i32 to vector<4x2048xi32>
    %and3A_2507 = arith.andi %iota3A_2286, %and3A_2506 : vector<4x2048xi32>
    %ne3A_2508 = arith.constant 0 : i32
    %ne3A_2509 = vector.broadcast %ne3A_2508 : i32 to vector<4x2048xi32>
    %ne3A_2510 = arith.cmpi ne, %and3A_2507, %ne3A_2509 : vector<4x2048xi32>
    %select_n3A_2511 = arith.select %ne3A_2510, %roll3A_2500, %roll3A_2498 : vector<4x2048xi1>, vector<4x2048xi32>
    %select_n3A_2512 = arith.select %ne3A_2510, %roll3A_2504, %roll3A_2502 : vector<4x2048xi1>, vector<4x2048xi32>
    %select_n3A_2513 = arith.select %ne3A_2510, %select_n3A_2511, %select_n3A_2489 : vector<4x2048xi1>, vector<4x2048xi32>
    %select_n3A_2514 = arith.select %ne3A_2510, %select_n3A_2489, %select_n3A_2511 : vector<4x2048xi1>, vector<4x2048xi32>
    %select_n3A_2515 = arith.select %ne3A_2510, %select_n3A_2512, %select_n3A_2490 : vector<4x2048xi1>, vector<4x2048xi32>
    %select_n3A_2516 = arith.select %ne3A_2510, %select_n3A_2490, %select_n3A_2512 : vector<4x2048xi1>, vector<4x2048xi32>
    %gt3A_2517 = arith.cmpi sgt, %select_n3A_2513, %select_n3A_2514 : vector<4x2048xi32>
    %eq3A_2518 = arith.cmpi eq, %select_n3A_2513, %select_n3A_2514 : vector<4x2048xi32>
    %lt3A_2519 = arith.cmpi slt, %select_n3A_2515, %select_n3A_2516 : vector<4x2048xi32>
    %and3A_2520 = arith.andi %eq3A_2518, %lt3A_2519 : vector<4x2048xi1>
    %or3A_2521 = arith.ori %gt3A_2517, %and3A_2520 : vector<4x2048xi1>
    %xor3A_2522 = arith.xori %or3A_2521, %eq3A_2496 : vector<4x2048xi1>
    %select_n3A_2523 = arith.select %xor3A_2522, %select_n3A_2511, %select_n3A_2489 : vector<4x2048xi1>, vector<4x2048xi32>
    %select_n3A_2524 = arith.select %xor3A_2522, %select_n3A_2512, %select_n3A_2490 : vector<4x2048xi1>, vector<4x2048xi32>
    %and3A_2525 = arith.constant 1024 : i32
    %and3A_2526 = vector.broadcast %and3A_2525 : i32 to vector<4x2048xi32>
    %and3A_2527 = arith.andi %iota3A_2286, %and3A_2526 : vector<4x2048xi32>
    %eq3A_2528 = arith.constant 0 : i32
    %eq3A_2529 = vector.broadcast %eq3A_2528 : i32 to vector<4x2048xi32>
    %eq3A_2530 = arith.cmpi eq, %and3A_2527, %eq3A_2529 : vector<4x2048xi32>
    %roll3A_2531 = arith.constant 2044 : i32
    %roll3A_2532 = tpu.dynamic_rotate %select_n3A_2523 by %roll3A_2531 dim 1 : vector<4x2048xi32>, i32 -> vector<4x2048xi32>
    %roll3A_2533 = arith.constant 4 : i32
    %roll3A_2534 = tpu.dynamic_rotate %select_n3A_2523 by %roll3A_2533 dim 1 : vector<4x2048xi32>, i32 -> vector<4x2048xi32>
    %roll3A_2535 = arith.constant 2044 : i32
    %roll3A_2536 = tpu.dynamic_rotate %select_n3A_2524 by %roll3A_2535 dim 1 : vector<4x2048xi32>, i32 -> vector<4x2048xi32>
    %roll3A_2537 = arith.constant 4 : i32
    %roll3A_2538 = tpu.dynamic_rotate %select_n3A_2524 by %roll3A_2537 dim 1 : vector<4x2048xi32>, i32 -> vector<4x2048xi32>
    %and3A_2539 = arith.constant 4 : i32
    %and3A_2540 = vector.broadcast %and3A_2539 : i32 to vector<4x2048xi32>
    %and3A_2541 = arith.andi %iota3A_2286, %and3A_2540 : vector<4x2048xi32>
    %ne3A_2542 = arith.constant 0 : i32
    %ne3A_2543 = vector.broadcast %ne3A_2542 : i32 to vector<4x2048xi32>
    %ne3A_2544 = arith.cmpi ne, %and3A_2541, %ne3A_2543 : vector<4x2048xi32>
    %select_n3A_2545 = arith.select %ne3A_2544, %roll3A_2534, %roll3A_2532 : vector<4x2048xi1>, vector<4x2048xi32>
    %select_n3A_2546 = arith.select %ne3A_2544, %roll3A_2538, %roll3A_2536 : vector<4x2048xi1>, vector<4x2048xi32>
    %select_n3A_2547 = arith.select %ne3A_2544, %select_n3A_2545, %select_n3A_2523 : vector<4x2048xi1>, vector<4x2048xi32>
    %select_n3A_2548 = arith.select %ne3A_2544, %select_n3A_2523, %select_n3A_2545 : vector<4x2048xi1>, vector<4x2048xi32>
    %select_n3A_2549 = arith.select %ne3A_2544, %select_n3A_2546, %select_n3A_2524 : vector<4x2048xi1>, vector<4x2048xi32>
    %select_n3A_2550 = arith.select %ne3A_2544, %select_n3A_2524, %select_n3A_2546 : vector<4x2048xi1>, vector<4x2048xi32>
    %gt3A_2551 = arith.cmpi sgt, %select_n3A_2547, %select_n3A_2548 : vector<4x2048xi32>
    %eq3A_2552 = arith.cmpi eq, %select_n3A_2547, %select_n3A_2548 : vector<4x2048xi32>
    %lt3A_2553 = arith.cmpi slt, %select_n3A_2549, %select_n3A_2550 : vector<4x2048xi32>
    %and3A_2554 = arith.andi %eq3A_2552, %lt3A_2553 : vector<4x2048xi1>
    %or3A_2555 = arith.ori %gt3A_2551, %and3A_2554 : vector<4x2048xi1>
    %xor3A_2556 = arith.xori %or3A_2555, %eq3A_2530 : vector<4x2048xi1>
    %select_n3A_2557 = arith.select %xor3A_2556, %select_n3A_2545, %select_n3A_2523 : vector<4x2048xi1>, vector<4x2048xi32>
    %select_n3A_2558 = arith.select %xor3A_2556, %select_n3A_2546, %select_n3A_2524 : vector<4x2048xi1>, vector<4x2048xi32>
    %and3A_2559 = arith.constant 1024 : i32
    %and3A_2560 = vector.broadcast %and3A_2559 : i32 to vector<4x2048xi32>
    %and3A_2561 = arith.andi %iota3A_2286, %and3A_2560 : vector<4x2048xi32>
    %eq3A_2562 = arith.constant 0 : i32
    %eq3A_2563 = vector.broadcast %eq3A_2562 : i32 to vector<4x2048xi32>
    %eq3A_2564 = arith.cmpi eq, %and3A_2561, %eq3A_2563 : vector<4x2048xi32>
    %roll3A_2565 = arith.constant 2046 : i32
    %roll3A_2566 = tpu.dynamic_rotate %select_n3A_2557 by %roll3A_2565 dim 1 : vector<4x2048xi32>, i32 -> vector<4x2048xi32>
    %roll3A_2567 = arith.constant 2 : i32
    %roll3A_2568 = tpu.dynamic_rotate %select_n3A_2557 by %roll3A_2567 dim 1 : vector<4x2048xi32>, i32 -> vector<4x2048xi32>
    %roll3A_2569 = arith.constant 2046 : i32
    %roll3A_2570 = tpu.dynamic_rotate %select_n3A_2558 by %roll3A_2569 dim 1 : vector<4x2048xi32>, i32 -> vector<4x2048xi32>
    %roll3A_2571 = arith.constant 2 : i32
    %roll3A_2572 = tpu.dynamic_rotate %select_n3A_2558 by %roll3A_2571 dim 1 : vector<4x2048xi32>, i32 -> vector<4x2048xi32>
    %and3A_2573 = arith.constant 2 : i32
    %and3A_2574 = vector.broadcast %and3A_2573 : i32 to vector<4x2048xi32>
    %and3A_2575 = arith.andi %iota3A_2286, %and3A_2574 : vector<4x2048xi32>
    %ne3A_2576 = arith.constant 0 : i32
    %ne3A_2577 = vector.broadcast %ne3A_2576 : i32 to vector<4x2048xi32>
    %ne3A_2578 = arith.cmpi ne, %and3A_2575, %ne3A_2577 : vector<4x2048xi32>
    %select_n3A_2579 = arith.select %ne3A_2578, %roll3A_2568, %roll3A_2566 : vector<4x2048xi1>, vector<4x2048xi32>
    %select_n3A_2580 = arith.select %ne3A_2578, %roll3A_2572, %roll3A_2570 : vector<4x2048xi1>, vector<4x2048xi32>
    %select_n3A_2581 = arith.select %ne3A_2578, %select_n3A_2579, %select_n3A_2557 : vector<4x2048xi1>, vector<4x2048xi32>
    %select_n3A_2582 = arith.select %ne3A_2578, %select_n3A_2557, %select_n3A_2579 : vector<4x2048xi1>, vector<4x2048xi32>
    %select_n3A_2583 = arith.select %ne3A_2578, %select_n3A_2580, %select_n3A_2558 : vector<4x2048xi1>, vector<4x2048xi32>
    %select_n3A_2584 = arith.select %ne3A_2578, %select_n3A_2558, %select_n3A_2580 : vector<4x2048xi1>, vector<4x2048xi32>
    %gt3A_2585 = arith.cmpi sgt, %select_n3A_2581, %select_n3A_2582 : vector<4x2048xi32>
    %eq3A_2586 = arith.cmpi eq, %select_n3A_2581, %select_n3A_2582 : vector<4x2048xi32>
    %lt3A_2587 = arith.cmpi slt, %select_n3A_2583, %select_n3A_2584 : vector<4x2048xi32>
    %and3A_2588 = arith.andi %eq3A_2586, %lt3A_2587 : vector<4x2048xi1>
    %or3A_2589 = arith.ori %gt3A_2585, %and3A_2588 : vector<4x2048xi1>
    %xor3A_2590 = arith.xori %or3A_2589, %eq3A_2564 : vector<4x2048xi1>
    %select_n3A_2591 = arith.select %xor3A_2590, %select_n3A_2579, %select_n3A_2557 : vector<4x2048xi1>, vector<4x2048xi32>
    %select_n3A_2592 = arith.select %xor3A_2590, %select_n3A_2580, %select_n3A_2558 : vector<4x2048xi1>, vector<4x2048xi32>
    %and3A_2593 = arith.constant 1024 : i32
    %and3A_2594 = vector.broadcast %and3A_2593 : i32 to vector<4x2048xi32>
    %and3A_2595 = arith.andi %iota3A_2286, %and3A_2594 : vector<4x2048xi32>
    %eq3A_2596 = arith.constant 0 : i32
    %eq3A_2597 = vector.broadcast %eq3A_2596 : i32 to vector<4x2048xi32>
    %eq3A_2598 = arith.cmpi eq, %and3A_2595, %eq3A_2597 : vector<4x2048xi32>
    %roll3A_2599 = arith.constant 2047 : i32
    %roll3A_2600 = tpu.dynamic_rotate %select_n3A_2591 by %roll3A_2599 dim 1 : vector<4x2048xi32>, i32 -> vector<4x2048xi32>
    %roll3A_2601 = arith.constant 1 : i32
    %roll3A_2602 = tpu.dynamic_rotate %select_n3A_2591 by %roll3A_2601 dim 1 : vector<4x2048xi32>, i32 -> vector<4x2048xi32>
    %roll3A_2603 = arith.constant 2047 : i32
    %roll3A_2604 = tpu.dynamic_rotate %select_n3A_2592 by %roll3A_2603 dim 1 : vector<4x2048xi32>, i32 -> vector<4x2048xi32>
    %roll3A_2605 = arith.constant 1 : i32
    %roll3A_2606 = tpu.dynamic_rotate %select_n3A_2592 by %roll3A_2605 dim 1 : vector<4x2048xi32>, i32 -> vector<4x2048xi32>
    %and3A_2607 = arith.constant 1 : i32
    %and3A_2608 = vector.broadcast %and3A_2607 : i32 to vector<4x2048xi32>
    %and3A_2609 = arith.andi %iota3A_2286, %and3A_2608 : vector<4x2048xi32>
    %ne3A_2610 = arith.constant 0 : i32
    %ne3A_2611 = vector.broadcast %ne3A_2610 : i32 to vector<4x2048xi32>
    %ne3A_2612 = arith.cmpi ne, %and3A_2609, %ne3A_2611 : vector<4x2048xi32>
    %select_n3A_2613 = arith.select %ne3A_2612, %roll3A_2602, %roll3A_2600 : vector<4x2048xi1>, vector<4x2048xi32>
    %select_n3A_2614 = arith.select %ne3A_2612, %roll3A_2606, %roll3A_2604 : vector<4x2048xi1>, vector<4x2048xi32>
    %select_n3A_2615 = arith.select %ne3A_2612, %select_n3A_2613, %select_n3A_2591 : vector<4x2048xi1>, vector<4x2048xi32>
    %select_n3A_2616 = arith.select %ne3A_2612, %select_n3A_2591, %select_n3A_2613 : vector<4x2048xi1>, vector<4x2048xi32>
    %select_n3A_2617 = arith.select %ne3A_2612, %select_n3A_2614, %select_n3A_2592 : vector<4x2048xi1>, vector<4x2048xi32>
    %select_n3A_2618 = arith.select %ne3A_2612, %select_n3A_2592, %select_n3A_2614 : vector<4x2048xi1>, vector<4x2048xi32>
    %gt3A_2619 = arith.cmpi sgt, %select_n3A_2615, %select_n3A_2616 : vector<4x2048xi32>
    %eq3A_2620 = arith.cmpi eq, %select_n3A_2615, %select_n3A_2616 : vector<4x2048xi32>
    %lt3A_2621 = arith.cmpi slt, %select_n3A_2617, %select_n3A_2618 : vector<4x2048xi32>
    %and3A_2622 = arith.andi %eq3A_2620, %lt3A_2621 : vector<4x2048xi1>
    %or3A_2623 = arith.ori %gt3A_2619, %and3A_2622 : vector<4x2048xi1>
    %xor3A_2624 = arith.xori %or3A_2623, %eq3A_2598 : vector<4x2048xi1>
    %select_n3A_2625 = arith.select %xor3A_2624, %select_n3A_2613, %select_n3A_2591 : vector<4x2048xi1>, vector<4x2048xi32>
    %select_n3A_2626 = arith.select %xor3A_2624, %select_n3A_2614, %select_n3A_2592 : vector<4x2048xi1>, vector<4x2048xi32>
    %ge3A_2627 = arith.constant 0 : i32
    %ge3A_2628 = vector.broadcast %ge3A_2627 : i32 to vector<4x2048xi32>
    %ge3A_2629 = arith.cmpi sge, %iota3A_2286, %ge3A_2628 : vector<4x2048xi32>
    %roll3A_2630 = arith.constant 1024 : i32
    %roll3A_2631 = tpu.dynamic_rotate %select_n3A_2625 by %roll3A_2630 dim 1 : vector<4x2048xi32>, i32 -> vector<4x2048xi32>
    %roll3A_2632 = arith.constant 1024 : i32
    %roll3A_2633 = tpu.dynamic_rotate %select_n3A_2625 by %roll3A_2632 dim 1 : vector<4x2048xi32>, i32 -> vector<4x2048xi32>
    %roll3A_2634 = arith.constant 1024 : i32
    %roll3A_2635 = tpu.dynamic_rotate %select_n3A_2626 by %roll3A_2634 dim 1 : vector<4x2048xi32>, i32 -> vector<4x2048xi32>
    %roll3A_2636 = arith.constant 1024 : i32
    %roll3A_2637 = tpu.dynamic_rotate %select_n3A_2626 by %roll3A_2636 dim 1 : vector<4x2048xi32>, i32 -> vector<4x2048xi32>
    %and3A_2638 = arith.constant 1024 : i32
    %and3A_2639 = vector.broadcast %and3A_2638 : i32 to vector<4x2048xi32>
    %and3A_2640 = arith.andi %iota3A_2286, %and3A_2639 : vector<4x2048xi32>
    %ne3A_2641 = arith.constant 0 : i32
    %ne3A_2642 = vector.broadcast %ne3A_2641 : i32 to vector<4x2048xi32>
    %ne3A_2643 = arith.cmpi ne, %and3A_2640, %ne3A_2642 : vector<4x2048xi32>
    %select_n3A_2644 = arith.select %ne3A_2643, %roll3A_2633, %roll3A_2631 : vector<4x2048xi1>, vector<4x2048xi32>
    %select_n3A_2645 = arith.select %ne3A_2643, %roll3A_2637, %roll3A_2635 : vector<4x2048xi1>, vector<4x2048xi32>
    %select_n3A_2646 = arith.select %ne3A_2643, %select_n3A_2644, %select_n3A_2625 : vector<4x2048xi1>, vector<4x2048xi32>
    %select_n3A_2647 = arith.select %ne3A_2643, %select_n3A_2625, %select_n3A_2644 : vector<4x2048xi1>, vector<4x2048xi32>
    %select_n3A_2648 = arith.select %ne3A_2643, %select_n3A_2645, %select_n3A_2626 : vector<4x2048xi1>, vector<4x2048xi32>
    %select_n3A_2649 = arith.select %ne3A_2643, %select_n3A_2626, %select_n3A_2645 : vector<4x2048xi1>, vector<4x2048xi32>
    %gt3A_2650 = arith.cmpi sgt, %select_n3A_2646, %select_n3A_2647 : vector<4x2048xi32>
    %eq3A_2651 = arith.cmpi eq, %select_n3A_2646, %select_n3A_2647 : vector<4x2048xi32>
    %lt3A_2652 = arith.cmpi slt, %select_n3A_2648, %select_n3A_2649 : vector<4x2048xi32>
    %and3A_2653 = arith.andi %eq3A_2651, %lt3A_2652 : vector<4x2048xi1>
    %or3A_2654 = arith.ori %gt3A_2650, %and3A_2653 : vector<4x2048xi1>
    %xor3A_2655 = arith.xori %or3A_2654, %ge3A_2629 : vector<4x2048xi1>
    %select_n3A_2656 = arith.select %xor3A_2655, %select_n3A_2644, %select_n3A_2625 : vector<4x2048xi1>, vector<4x2048xi32>
    %select_n3A_2657 = arith.select %xor3A_2655, %select_n3A_2645, %select_n3A_2626 : vector<4x2048xi1>, vector<4x2048xi32>
    %reshape3A_2658 = vector.shape_cast %select_n3A_2656 : vector<4x2048xi32> to vector<4x1x2x1024xi32>
    %slice3A_2659 = vector.extract_strided_slice %reshape3A_2658 {offsets = [0, 0, 0, 0], sizes = [4, 1, 1, 1024], strides = [1, 1, 1, 1]} : vector<4x1x2x1024xi32> to vector<4x1x1x1024xi32>
    %squeeze3A_2660 = vector.shape_cast %slice3A_2659 : vector<4x1x1x1024xi32> to vector<4x1x1024xi32>
    %reshape3A_2661 = vector.shape_cast %select_n3A_2657 : vector<4x2048xi32> to vector<4x1x2x1024xi32>
    %slice3A_2662 = vector.extract_strided_slice %reshape3A_2661 {offsets = [0, 0, 0, 0], sizes = [4, 1, 1, 1024], strides = [1, 1, 1, 1]} : vector<4x1x2x1024xi32> to vector<4x1x1x1024xi32>
    %squeeze3A_2663 = vector.shape_cast %slice3A_2662 : vector<4x1x1x1024xi32> to vector<4x1x1024xi32>
    %reshape3A_2664 = vector.shape_cast %squeeze3A_2660 : vector<4x1x1024xi32> to vector<4x1024xi32>
    %reshape3A_2665 = vector.shape_cast %squeeze3A_2663 : vector<4x1x1024xi32> to vector<4x1024xi32>
    %iota3A_2666 = tpu.iota {dimensions = array<i32: 1>} : vector<4x1024xi32>
    %and3A_2667 = arith.constant 1024 : i32
    %and3A_2668 = vector.broadcast %and3A_2667 : i32 to vector<4x1024xi32>
    %and3A_2669 = arith.andi %iota3A_2666, %and3A_2668 : vector<4x1024xi32>
    %eq3A_2670 = arith.constant 0 : i32
    %eq3A_2671 = vector.broadcast %eq3A_2670 : i32 to vector<4x1024xi32>
    %eq3A_2672 = arith.cmpi eq, %and3A_2669, %eq3A_2671 : vector<4x1024xi32>
    %roll3A_2673 = arith.constant 512 : i32
    %roll3A_2674 = tpu.dynamic_rotate %reshape3A_2664 by %roll3A_2673 dim 1 : vector<4x1024xi32>, i32 -> vector<4x1024xi32>
    %roll3A_2675 = arith.constant 512 : i32
    %roll3A_2676 = tpu.dynamic_rotate %reshape3A_2664 by %roll3A_2675 dim 1 : vector<4x1024xi32>, i32 -> vector<4x1024xi32>
    %roll3A_2677 = arith.constant 512 : i32
    %roll3A_2678 = tpu.dynamic_rotate %reshape3A_2665 by %roll3A_2677 dim 1 : vector<4x1024xi32>, i32 -> vector<4x1024xi32>
    %roll3A_2679 = arith.constant 512 : i32
    %roll3A_2680 = tpu.dynamic_rotate %reshape3A_2665 by %roll3A_2679 dim 1 : vector<4x1024xi32>, i32 -> vector<4x1024xi32>
    %and3A_2681 = arith.constant 512 : i32
    %and3A_2682 = vector.broadcast %and3A_2681 : i32 to vector<4x1024xi32>
    %and3A_2683 = arith.andi %iota3A_2666, %and3A_2682 : vector<4x1024xi32>
    %ne3A_2684 = arith.constant 0 : i32
    %ne3A_2685 = vector.broadcast %ne3A_2684 : i32 to vector<4x1024xi32>
    %ne3A_2686 = arith.cmpi ne, %and3A_2683, %ne3A_2685 : vector<4x1024xi32>
    %select_n3A_2687 = arith.select %ne3A_2686, %roll3A_2676, %roll3A_2674 : vector<4x1024xi1>, vector<4x1024xi32>
    %select_n3A_2688 = arith.select %ne3A_2686, %roll3A_2680, %roll3A_2678 : vector<4x1024xi1>, vector<4x1024xi32>
    %select_n3A_2689 = arith.select %ne3A_2686, %select_n3A_2687, %reshape3A_2664 : vector<4x1024xi1>, vector<4x1024xi32>
    %select_n3A_2690 = arith.select %ne3A_2686, %reshape3A_2664, %select_n3A_2687 : vector<4x1024xi1>, vector<4x1024xi32>
    %select_n3A_2691 = arith.select %ne3A_2686, %select_n3A_2688, %reshape3A_2665 : vector<4x1024xi1>, vector<4x1024xi32>
    %select_n3A_2692 = arith.select %ne3A_2686, %reshape3A_2665, %select_n3A_2688 : vector<4x1024xi1>, vector<4x1024xi32>
    %gt3A_2693 = arith.cmpi sgt, %select_n3A_2689, %select_n3A_2690 : vector<4x1024xi32>
    %eq3A_2694 = arith.cmpi eq, %select_n3A_2689, %select_n3A_2690 : vector<4x1024xi32>
    %lt3A_2695 = arith.cmpi slt, %select_n3A_2691, %select_n3A_2692 : vector<4x1024xi32>
    %and3A_2696 = arith.andi %eq3A_2694, %lt3A_2695 : vector<4x1024xi1>
    %or3A_2697 = arith.ori %gt3A_2693, %and3A_2696 : vector<4x1024xi1>
    %xor3A_2698 = arith.xori %or3A_2697, %eq3A_2672 : vector<4x1024xi1>
    %select_n3A_2699 = arith.select %xor3A_2698, %select_n3A_2687, %reshape3A_2664 : vector<4x1024xi1>, vector<4x1024xi32>
    %select_n3A_2700 = arith.select %xor3A_2698, %select_n3A_2688, %reshape3A_2665 : vector<4x1024xi1>, vector<4x1024xi32>
    %and3A_2701 = arith.constant 1024 : i32
    %and3A_2702 = vector.broadcast %and3A_2701 : i32 to vector<4x1024xi32>
    %and3A_2703 = arith.andi %iota3A_2666, %and3A_2702 : vector<4x1024xi32>
    %eq3A_2704 = arith.constant 0 : i32
    %eq3A_2705 = vector.broadcast %eq3A_2704 : i32 to vector<4x1024xi32>
    %eq3A_2706 = arith.cmpi eq, %and3A_2703, %eq3A_2705 : vector<4x1024xi32>
    %roll3A_2707 = arith.constant 768 : i32
    %roll3A_2708 = tpu.dynamic_rotate %select_n3A_2699 by %roll3A_2707 dim 1 : vector<4x1024xi32>, i32 -> vector<4x1024xi32>
    %roll3A_2709 = arith.constant 256 : i32
    %roll3A_2710 = tpu.dynamic_rotate %select_n3A_2699 by %roll3A_2709 dim 1 : vector<4x1024xi32>, i32 -> vector<4x1024xi32>
    %roll3A_2711 = arith.constant 768 : i32
    %roll3A_2712 = tpu.dynamic_rotate %select_n3A_2700 by %roll3A_2711 dim 1 : vector<4x1024xi32>, i32 -> vector<4x1024xi32>
    %roll3A_2713 = arith.constant 256 : i32
    %roll3A_2714 = tpu.dynamic_rotate %select_n3A_2700 by %roll3A_2713 dim 1 : vector<4x1024xi32>, i32 -> vector<4x1024xi32>
    %and3A_2715 = arith.constant 256 : i32
    %and3A_2716 = vector.broadcast %and3A_2715 : i32 to vector<4x1024xi32>
    %and3A_2717 = arith.andi %iota3A_2666, %and3A_2716 : vector<4x1024xi32>
    %ne3A_2718 = arith.constant 0 : i32
    %ne3A_2719 = vector.broadcast %ne3A_2718 : i32 to vector<4x1024xi32>
    %ne3A_2720 = arith.cmpi ne, %and3A_2717, %ne3A_2719 : vector<4x1024xi32>
    %select_n3A_2721 = arith.select %ne3A_2720, %roll3A_2710, %roll3A_2708 : vector<4x1024xi1>, vector<4x1024xi32>
    %select_n3A_2722 = arith.select %ne3A_2720, %roll3A_2714, %roll3A_2712 : vector<4x1024xi1>, vector<4x1024xi32>
    %select_n3A_2723 = arith.select %ne3A_2720, %select_n3A_2721, %select_n3A_2699 : vector<4x1024xi1>, vector<4x1024xi32>
    %select_n3A_2724 = arith.select %ne3A_2720, %select_n3A_2699, %select_n3A_2721 : vector<4x1024xi1>, vector<4x1024xi32>
    %select_n3A_2725 = arith.select %ne3A_2720, %select_n3A_2722, %select_n3A_2700 : vector<4x1024xi1>, vector<4x1024xi32>
    %select_n3A_2726 = arith.select %ne3A_2720, %select_n3A_2700, %select_n3A_2722 : vector<4x1024xi1>, vector<4x1024xi32>
    %gt3A_2727 = arith.cmpi sgt, %select_n3A_2723, %select_n3A_2724 : vector<4x1024xi32>
    %eq3A_2728 = arith.cmpi eq, %select_n3A_2723, %select_n3A_2724 : vector<4x1024xi32>
    %lt3A_2729 = arith.cmpi slt, %select_n3A_2725, %select_n3A_2726 : vector<4x1024xi32>
    %and3A_2730 = arith.andi %eq3A_2728, %lt3A_2729 : vector<4x1024xi1>
    %or3A_2731 = arith.ori %gt3A_2727, %and3A_2730 : vector<4x1024xi1>
    %xor3A_2732 = arith.xori %or3A_2731, %eq3A_2706 : vector<4x1024xi1>
    %select_n3A_2733 = arith.select %xor3A_2732, %select_n3A_2721, %select_n3A_2699 : vector<4x1024xi1>, vector<4x1024xi32>
    %select_n3A_2734 = arith.select %xor3A_2732, %select_n3A_2722, %select_n3A_2700 : vector<4x1024xi1>, vector<4x1024xi32>
    %and3A_2735 = arith.constant 1024 : i32
    %and3A_2736 = vector.broadcast %and3A_2735 : i32 to vector<4x1024xi32>
    %and3A_2737 = arith.andi %iota3A_2666, %and3A_2736 : vector<4x1024xi32>
    %eq3A_2738 = arith.constant 0 : i32
    %eq3A_2739 = vector.broadcast %eq3A_2738 : i32 to vector<4x1024xi32>
    %eq3A_2740 = arith.cmpi eq, %and3A_2737, %eq3A_2739 : vector<4x1024xi32>
    %roll3A_2741 = arith.constant 896 : i32
    %roll3A_2742 = tpu.dynamic_rotate %select_n3A_2733 by %roll3A_2741 dim 1 : vector<4x1024xi32>, i32 -> vector<4x1024xi32>
    %roll3A_2743 = arith.constant 128 : i32
    %roll3A_2744 = tpu.dynamic_rotate %select_n3A_2733 by %roll3A_2743 dim 1 : vector<4x1024xi32>, i32 -> vector<4x1024xi32>
    %roll3A_2745 = arith.constant 896 : i32
    %roll3A_2746 = tpu.dynamic_rotate %select_n3A_2734 by %roll3A_2745 dim 1 : vector<4x1024xi32>, i32 -> vector<4x1024xi32>
    %roll3A_2747 = arith.constant 128 : i32
    %roll3A_2748 = tpu.dynamic_rotate %select_n3A_2734 by %roll3A_2747 dim 1 : vector<4x1024xi32>, i32 -> vector<4x1024xi32>
    %and3A_2749 = arith.constant 128 : i32
    %and3A_2750 = vector.broadcast %and3A_2749 : i32 to vector<4x1024xi32>
    %and3A_2751 = arith.andi %iota3A_2666, %and3A_2750 : vector<4x1024xi32>
    %ne3A_2752 = arith.constant 0 : i32
    %ne3A_2753 = vector.broadcast %ne3A_2752 : i32 to vector<4x1024xi32>
    %ne3A_2754 = arith.cmpi ne, %and3A_2751, %ne3A_2753 : vector<4x1024xi32>
    %select_n3A_2755 = arith.select %ne3A_2754, %roll3A_2744, %roll3A_2742 : vector<4x1024xi1>, vector<4x1024xi32>
    %select_n3A_2756 = arith.select %ne3A_2754, %roll3A_2748, %roll3A_2746 : vector<4x1024xi1>, vector<4x1024xi32>
    %select_n3A_2757 = arith.select %ne3A_2754, %select_n3A_2755, %select_n3A_2733 : vector<4x1024xi1>, vector<4x1024xi32>
    %select_n3A_2758 = arith.select %ne3A_2754, %select_n3A_2733, %select_n3A_2755 : vector<4x1024xi1>, vector<4x1024xi32>
    %select_n3A_2759 = arith.select %ne3A_2754, %select_n3A_2756, %select_n3A_2734 : vector<4x1024xi1>, vector<4x1024xi32>
    %select_n3A_2760 = arith.select %ne3A_2754, %select_n3A_2734, %select_n3A_2756 : vector<4x1024xi1>, vector<4x1024xi32>
    %gt3A_2761 = arith.cmpi sgt, %select_n3A_2757, %select_n3A_2758 : vector<4x1024xi32>
    %eq3A_2762 = arith.cmpi eq, %select_n3A_2757, %select_n3A_2758 : vector<4x1024xi32>
    %lt3A_2763 = arith.cmpi slt, %select_n3A_2759, %select_n3A_2760 : vector<4x1024xi32>
    %and3A_2764 = arith.andi %eq3A_2762, %lt3A_2763 : vector<4x1024xi1>
    %or3A_2765 = arith.ori %gt3A_2761, %and3A_2764 : vector<4x1024xi1>
    %xor3A_2766 = arith.xori %or3A_2765, %eq3A_2740 : vector<4x1024xi1>
    %select_n3A_2767 = arith.select %xor3A_2766, %select_n3A_2755, %select_n3A_2733 : vector<4x1024xi1>, vector<4x1024xi32>
    %select_n3A_2768 = arith.select %xor3A_2766, %select_n3A_2756, %select_n3A_2734 : vector<4x1024xi1>, vector<4x1024xi32>
    %and3A_2769 = arith.constant 1024 : i32
    %and3A_2770 = vector.broadcast %and3A_2769 : i32 to vector<4x1024xi32>
    %and3A_2771 = arith.andi %iota3A_2666, %and3A_2770 : vector<4x1024xi32>
    %eq3A_2772 = arith.constant 0 : i32
    %eq3A_2773 = vector.broadcast %eq3A_2772 : i32 to vector<4x1024xi32>
    %eq3A_2774 = arith.cmpi eq, %and3A_2771, %eq3A_2773 : vector<4x1024xi32>
    %roll3A_2775 = arith.constant 960 : i32
    %roll3A_2776 = tpu.dynamic_rotate %select_n3A_2767 by %roll3A_2775 dim 1 : vector<4x1024xi32>, i32 -> vector<4x1024xi32>
    %roll3A_2777 = arith.constant 64 : i32
    %roll3A_2778 = tpu.dynamic_rotate %select_n3A_2767 by %roll3A_2777 dim 1 : vector<4x1024xi32>, i32 -> vector<4x1024xi32>
    %roll3A_2779 = arith.constant 960 : i32
    %roll3A_2780 = tpu.dynamic_rotate %select_n3A_2768 by %roll3A_2779 dim 1 : vector<4x1024xi32>, i32 -> vector<4x1024xi32>
    %roll3A_2781 = arith.constant 64 : i32
    %roll3A_2782 = tpu.dynamic_rotate %select_n3A_2768 by %roll3A_2781 dim 1 : vector<4x1024xi32>, i32 -> vector<4x1024xi32>
    %and3A_2783 = arith.constant 64 : i32
    %and3A_2784 = vector.broadcast %and3A_2783 : i32 to vector<4x1024xi32>
    %and3A_2785 = arith.andi %iota3A_2666, %and3A_2784 : vector<4x1024xi32>
    %ne3A_2786 = arith.constant 0 : i32
    %ne3A_2787 = vector.broadcast %ne3A_2786 : i32 to vector<4x1024xi32>
    %ne3A_2788 = arith.cmpi ne, %and3A_2785, %ne3A_2787 : vector<4x1024xi32>
    %select_n3A_2789 = arith.select %ne3A_2788, %roll3A_2778, %roll3A_2776 : vector<4x1024xi1>, vector<4x1024xi32>
    %select_n3A_2790 = arith.select %ne3A_2788, %roll3A_2782, %roll3A_2780 : vector<4x1024xi1>, vector<4x1024xi32>
    %select_n3A_2791 = arith.select %ne3A_2788, %select_n3A_2789, %select_n3A_2767 : vector<4x1024xi1>, vector<4x1024xi32>
    %select_n3A_2792 = arith.select %ne3A_2788, %select_n3A_2767, %select_n3A_2789 : vector<4x1024xi1>, vector<4x1024xi32>
    %select_n3A_2793 = arith.select %ne3A_2788, %select_n3A_2790, %select_n3A_2768 : vector<4x1024xi1>, vector<4x1024xi32>
    %select_n3A_2794 = arith.select %ne3A_2788, %select_n3A_2768, %select_n3A_2790 : vector<4x1024xi1>, vector<4x1024xi32>
    %gt3A_2795 = arith.cmpi sgt, %select_n3A_2791, %select_n3A_2792 : vector<4x1024xi32>
    %eq3A_2796 = arith.cmpi eq, %select_n3A_2791, %select_n3A_2792 : vector<4x1024xi32>
    %lt3A_2797 = arith.cmpi slt, %select_n3A_2793, %select_n3A_2794 : vector<4x1024xi32>
    %and3A_2798 = arith.andi %eq3A_2796, %lt3A_2797 : vector<4x1024xi1>
    %or3A_2799 = arith.ori %gt3A_2795, %and3A_2798 : vector<4x1024xi1>
    %xor3A_2800 = arith.xori %or3A_2799, %eq3A_2774 : vector<4x1024xi1>
    %select_n3A_2801 = arith.select %xor3A_2800, %select_n3A_2789, %select_n3A_2767 : vector<4x1024xi1>, vector<4x1024xi32>
    %select_n3A_2802 = arith.select %xor3A_2800, %select_n3A_2790, %select_n3A_2768 : vector<4x1024xi1>, vector<4x1024xi32>
    %and3A_2803 = arith.constant 1024 : i32
    %and3A_2804 = vector.broadcast %and3A_2803 : i32 to vector<4x1024xi32>
    %and3A_2805 = arith.andi %iota3A_2666, %and3A_2804 : vector<4x1024xi32>
    %eq3A_2806 = arith.constant 0 : i32
    %eq3A_2807 = vector.broadcast %eq3A_2806 : i32 to vector<4x1024xi32>
    %eq3A_2808 = arith.cmpi eq, %and3A_2805, %eq3A_2807 : vector<4x1024xi32>
    %roll3A_2809 = arith.constant 992 : i32
    %roll3A_2810 = tpu.dynamic_rotate %select_n3A_2801 by %roll3A_2809 dim 1 : vector<4x1024xi32>, i32 -> vector<4x1024xi32>
    %roll3A_2811 = arith.constant 32 : i32
    %roll3A_2812 = tpu.dynamic_rotate %select_n3A_2801 by %roll3A_2811 dim 1 : vector<4x1024xi32>, i32 -> vector<4x1024xi32>
    %roll3A_2813 = arith.constant 992 : i32
    %roll3A_2814 = tpu.dynamic_rotate %select_n3A_2802 by %roll3A_2813 dim 1 : vector<4x1024xi32>, i32 -> vector<4x1024xi32>
    %roll3A_2815 = arith.constant 32 : i32
    %roll3A_2816 = tpu.dynamic_rotate %select_n3A_2802 by %roll3A_2815 dim 1 : vector<4x1024xi32>, i32 -> vector<4x1024xi32>
    %and3A_2817 = arith.constant 32 : i32
    %and3A_2818 = vector.broadcast %and3A_2817 : i32 to vector<4x1024xi32>
    %and3A_2819 = arith.andi %iota3A_2666, %and3A_2818 : vector<4x1024xi32>
    %ne3A_2820 = arith.constant 0 : i32
    %ne3A_2821 = vector.broadcast %ne3A_2820 : i32 to vector<4x1024xi32>
    %ne3A_2822 = arith.cmpi ne, %and3A_2819, %ne3A_2821 : vector<4x1024xi32>
    %select_n3A_2823 = arith.select %ne3A_2822, %roll3A_2812, %roll3A_2810 : vector<4x1024xi1>, vector<4x1024xi32>
    %select_n3A_2824 = arith.select %ne3A_2822, %roll3A_2816, %roll3A_2814 : vector<4x1024xi1>, vector<4x1024xi32>
    %select_n3A_2825 = arith.select %ne3A_2822, %select_n3A_2823, %select_n3A_2801 : vector<4x1024xi1>, vector<4x1024xi32>
    %select_n3A_2826 = arith.select %ne3A_2822, %select_n3A_2801, %select_n3A_2823 : vector<4x1024xi1>, vector<4x1024xi32>
    %select_n3A_2827 = arith.select %ne3A_2822, %select_n3A_2824, %select_n3A_2802 : vector<4x1024xi1>, vector<4x1024xi32>
    %select_n3A_2828 = arith.select %ne3A_2822, %select_n3A_2802, %select_n3A_2824 : vector<4x1024xi1>, vector<4x1024xi32>
    %gt3A_2829 = arith.cmpi sgt, %select_n3A_2825, %select_n3A_2826 : vector<4x1024xi32>
    %eq3A_2830 = arith.cmpi eq, %select_n3A_2825, %select_n3A_2826 : vector<4x1024xi32>
    %lt3A_2831 = arith.cmpi slt, %select_n3A_2827, %select_n3A_2828 : vector<4x1024xi32>
    %and3A_2832 = arith.andi %eq3A_2830, %lt3A_2831 : vector<4x1024xi1>
    %or3A_2833 = arith.ori %gt3A_2829, %and3A_2832 : vector<4x1024xi1>
    %xor3A_2834 = arith.xori %or3A_2833, %eq3A_2808 : vector<4x1024xi1>
    %select_n3A_2835 = arith.select %xor3A_2834, %select_n3A_2823, %select_n3A_2801 : vector<4x1024xi1>, vector<4x1024xi32>
    %select_n3A_2836 = arith.select %xor3A_2834, %select_n3A_2824, %select_n3A_2802 : vector<4x1024xi1>, vector<4x1024xi32>
    %and3A_2837 = arith.constant 1024 : i32
    %and3A_2838 = vector.broadcast %and3A_2837 : i32 to vector<4x1024xi32>
    %and3A_2839 = arith.andi %iota3A_2666, %and3A_2838 : vector<4x1024xi32>
    %eq3A_2840 = arith.constant 0 : i32
    %eq3A_2841 = vector.broadcast %eq3A_2840 : i32 to vector<4x1024xi32>
    %eq3A_2842 = arith.cmpi eq, %and3A_2839, %eq3A_2841 : vector<4x1024xi32>
    %roll3A_2843 = arith.constant 1008 : i32
    %roll3A_2844 = tpu.dynamic_rotate %select_n3A_2835 by %roll3A_2843 dim 1 : vector<4x1024xi32>, i32 -> vector<4x1024xi32>
    %roll3A_2845 = arith.constant 16 : i32
    %roll3A_2846 = tpu.dynamic_rotate %select_n3A_2835 by %roll3A_2845 dim 1 : vector<4x1024xi32>, i32 -> vector<4x1024xi32>
    %roll3A_2847 = arith.constant 1008 : i32
    %roll3A_2848 = tpu.dynamic_rotate %select_n3A_2836 by %roll3A_2847 dim 1 : vector<4x1024xi32>, i32 -> vector<4x1024xi32>
    %roll3A_2849 = arith.constant 16 : i32
    %roll3A_2850 = tpu.dynamic_rotate %select_n3A_2836 by %roll3A_2849 dim 1 : vector<4x1024xi32>, i32 -> vector<4x1024xi32>
    %and3A_2851 = arith.constant 16 : i32
    %and3A_2852 = vector.broadcast %and3A_2851 : i32 to vector<4x1024xi32>
    %and3A_2853 = arith.andi %iota3A_2666, %and3A_2852 : vector<4x1024xi32>
    %ne3A_2854 = arith.constant 0 : i32
    %ne3A_2855 = vector.broadcast %ne3A_2854 : i32 to vector<4x1024xi32>
    %ne3A_2856 = arith.cmpi ne, %and3A_2853, %ne3A_2855 : vector<4x1024xi32>
    %select_n3A_2857 = arith.select %ne3A_2856, %roll3A_2846, %roll3A_2844 : vector<4x1024xi1>, vector<4x1024xi32>
    %select_n3A_2858 = arith.select %ne3A_2856, %roll3A_2850, %roll3A_2848 : vector<4x1024xi1>, vector<4x1024xi32>
    %select_n3A_2859 = arith.select %ne3A_2856, %select_n3A_2857, %select_n3A_2835 : vector<4x1024xi1>, vector<4x1024xi32>
    %select_n3A_2860 = arith.select %ne3A_2856, %select_n3A_2835, %select_n3A_2857 : vector<4x1024xi1>, vector<4x1024xi32>
    %select_n3A_2861 = arith.select %ne3A_2856, %select_n3A_2858, %select_n3A_2836 : vector<4x1024xi1>, vector<4x1024xi32>
    %select_n3A_2862 = arith.select %ne3A_2856, %select_n3A_2836, %select_n3A_2858 : vector<4x1024xi1>, vector<4x1024xi32>
    %gt3A_2863 = arith.cmpi sgt, %select_n3A_2859, %select_n3A_2860 : vector<4x1024xi32>
    %eq3A_2864 = arith.cmpi eq, %select_n3A_2859, %select_n3A_2860 : vector<4x1024xi32>
    %lt3A_2865 = arith.cmpi slt, %select_n3A_2861, %select_n3A_2862 : vector<4x1024xi32>
    %and3A_2866 = arith.andi %eq3A_2864, %lt3A_2865 : vector<4x1024xi1>
    %or3A_2867 = arith.ori %gt3A_2863, %and3A_2866 : vector<4x1024xi1>
    %xor3A_2868 = arith.xori %or3A_2867, %eq3A_2842 : vector<4x1024xi1>
    %select_n3A_2869 = arith.select %xor3A_2868, %select_n3A_2857, %select_n3A_2835 : vector<4x1024xi1>, vector<4x1024xi32>
    %select_n3A_2870 = arith.select %xor3A_2868, %select_n3A_2858, %select_n3A_2836 : vector<4x1024xi1>, vector<4x1024xi32>
    %and3A_2871 = arith.constant 1024 : i32
    %and3A_2872 = vector.broadcast %and3A_2871 : i32 to vector<4x1024xi32>
    %and3A_2873 = arith.andi %iota3A_2666, %and3A_2872 : vector<4x1024xi32>
    %eq3A_2874 = arith.constant 0 : i32
    %eq3A_2875 = vector.broadcast %eq3A_2874 : i32 to vector<4x1024xi32>
    %eq3A_2876 = arith.cmpi eq, %and3A_2873, %eq3A_2875 : vector<4x1024xi32>
    %roll3A_2877 = arith.constant 1016 : i32
    %roll3A_2878 = tpu.dynamic_rotate %select_n3A_2869 by %roll3A_2877 dim 1 : vector<4x1024xi32>, i32 -> vector<4x1024xi32>
    %roll3A_2879 = arith.constant 8 : i32
    %roll3A_2880 = tpu.dynamic_rotate %select_n3A_2869 by %roll3A_2879 dim 1 : vector<4x1024xi32>, i32 -> vector<4x1024xi32>
    %roll3A_2881 = arith.constant 1016 : i32
    %roll3A_2882 = tpu.dynamic_rotate %select_n3A_2870 by %roll3A_2881 dim 1 : vector<4x1024xi32>, i32 -> vector<4x1024xi32>
    %roll3A_2883 = arith.constant 8 : i32
    %roll3A_2884 = tpu.dynamic_rotate %select_n3A_2870 by %roll3A_2883 dim 1 : vector<4x1024xi32>, i32 -> vector<4x1024xi32>
    %and3A_2885 = arith.constant 8 : i32
    %and3A_2886 = vector.broadcast %and3A_2885 : i32 to vector<4x1024xi32>
    %and3A_2887 = arith.andi %iota3A_2666, %and3A_2886 : vector<4x1024xi32>
    %ne3A_2888 = arith.constant 0 : i32
    %ne3A_2889 = vector.broadcast %ne3A_2888 : i32 to vector<4x1024xi32>
    %ne3A_2890 = arith.cmpi ne, %and3A_2887, %ne3A_2889 : vector<4x1024xi32>
    %select_n3A_2891 = arith.select %ne3A_2890, %roll3A_2880, %roll3A_2878 : vector<4x1024xi1>, vector<4x1024xi32>
    %select_n3A_2892 = arith.select %ne3A_2890, %roll3A_2884, %roll3A_2882 : vector<4x1024xi1>, vector<4x1024xi32>
    %select_n3A_2893 = arith.select %ne3A_2890, %select_n3A_2891, %select_n3A_2869 : vector<4x1024xi1>, vector<4x1024xi32>
    %select_n3A_2894 = arith.select %ne3A_2890, %select_n3A_2869, %select_n3A_2891 : vector<4x1024xi1>, vector<4x1024xi32>
    %select_n3A_2895 = arith.select %ne3A_2890, %select_n3A_2892, %select_n3A_2870 : vector<4x1024xi1>, vector<4x1024xi32>
    %select_n3A_2896 = arith.select %ne3A_2890, %select_n3A_2870, %select_n3A_2892 : vector<4x1024xi1>, vector<4x1024xi32>
    %gt3A_2897 = arith.cmpi sgt, %select_n3A_2893, %select_n3A_2894 : vector<4x1024xi32>
    %eq3A_2898 = arith.cmpi eq, %select_n3A_2893, %select_n3A_2894 : vector<4x1024xi32>
    %lt3A_2899 = arith.cmpi slt, %select_n3A_2895, %select_n3A_2896 : vector<4x1024xi32>
    %and3A_2900 = arith.andi %eq3A_2898, %lt3A_2899 : vector<4x1024xi1>
    %or3A_2901 = arith.ori %gt3A_2897, %and3A_2900 : vector<4x1024xi1>
    %xor3A_2902 = arith.xori %or3A_2901, %eq3A_2876 : vector<4x1024xi1>
    %select_n3A_2903 = arith.select %xor3A_2902, %select_n3A_2891, %select_n3A_2869 : vector<4x1024xi1>, vector<4x1024xi32>
    %select_n3A_2904 = arith.select %xor3A_2902, %select_n3A_2892, %select_n3A_2870 : vector<4x1024xi1>, vector<4x1024xi32>
    %and3A_2905 = arith.constant 1024 : i32
    %and3A_2906 = vector.broadcast %and3A_2905 : i32 to vector<4x1024xi32>
    %and3A_2907 = arith.andi %iota3A_2666, %and3A_2906 : vector<4x1024xi32>
    %eq3A_2908 = arith.constant 0 : i32
    %eq3A_2909 = vector.broadcast %eq3A_2908 : i32 to vector<4x1024xi32>
    %eq3A_2910 = arith.cmpi eq, %and3A_2907, %eq3A_2909 : vector<4x1024xi32>
    %roll3A_2911 = arith.constant 1020 : i32
    %roll3A_2912 = tpu.dynamic_rotate %select_n3A_2903 by %roll3A_2911 dim 1 : vector<4x1024xi32>, i32 -> vector<4x1024xi32>
    %roll3A_2913 = arith.constant 4 : i32
    %roll3A_2914 = tpu.dynamic_rotate %select_n3A_2903 by %roll3A_2913 dim 1 : vector<4x1024xi32>, i32 -> vector<4x1024xi32>
    %roll3A_2915 = arith.constant 1020 : i32
    %roll3A_2916 = tpu.dynamic_rotate %select_n3A_2904 by %roll3A_2915 dim 1 : vector<4x1024xi32>, i32 -> vector<4x1024xi32>
    %roll3A_2917 = arith.constant 4 : i32
    %roll3A_2918 = tpu.dynamic_rotate %select_n3A_2904 by %roll3A_2917 dim 1 : vector<4x1024xi32>, i32 -> vector<4x1024xi32>
    %and3A_2919 = arith.constant 4 : i32
    %and3A_2920 = vector.broadcast %and3A_2919 : i32 to vector<4x1024xi32>
    %and3A_2921 = arith.andi %iota3A_2666, %and3A_2920 : vector<4x1024xi32>
    %ne3A_2922 = arith.constant 0 : i32
    %ne3A_2923 = vector.broadcast %ne3A_2922 : i32 to vector<4x1024xi32>
    %ne3A_2924 = arith.cmpi ne, %and3A_2921, %ne3A_2923 : vector<4x1024xi32>
    %select_n3A_2925 = arith.select %ne3A_2924, %roll3A_2914, %roll3A_2912 : vector<4x1024xi1>, vector<4x1024xi32>
    %select_n3A_2926 = arith.select %ne3A_2924, %roll3A_2918, %roll3A_2916 : vector<4x1024xi1>, vector<4x1024xi32>
    %select_n3A_2927 = arith.select %ne3A_2924, %select_n3A_2925, %select_n3A_2903 : vector<4x1024xi1>, vector<4x1024xi32>
    %select_n3A_2928 = arith.select %ne3A_2924, %select_n3A_2903, %select_n3A_2925 : vector<4x1024xi1>, vector<4x1024xi32>
    %select_n3A_2929 = arith.select %ne3A_2924, %select_n3A_2926, %select_n3A_2904 : vector<4x1024xi1>, vector<4x1024xi32>
    %select_n3A_2930 = arith.select %ne3A_2924, %select_n3A_2904, %select_n3A_2926 : vector<4x1024xi1>, vector<4x1024xi32>
    %gt3A_2931 = arith.cmpi sgt, %select_n3A_2927, %select_n3A_2928 : vector<4x1024xi32>
    %eq3A_2932 = arith.cmpi eq, %select_n3A_2927, %select_n3A_2928 : vector<4x1024xi32>
    %lt3A_2933 = arith.cmpi slt, %select_n3A_2929, %select_n3A_2930 : vector<4x1024xi32>
    %and3A_2934 = arith.andi %eq3A_2932, %lt3A_2933 : vector<4x1024xi1>
    %or3A_2935 = arith.ori %gt3A_2931, %and3A_2934 : vector<4x1024xi1>
    %xor3A_2936 = arith.xori %or3A_2935, %eq3A_2910 : vector<4x1024xi1>
    %select_n3A_2937 = arith.select %xor3A_2936, %select_n3A_2925, %select_n3A_2903 : vector<4x1024xi1>, vector<4x1024xi32>
    %select_n3A_2938 = arith.select %xor3A_2936, %select_n3A_2926, %select_n3A_2904 : vector<4x1024xi1>, vector<4x1024xi32>
    %and3A_2939 = arith.constant 1024 : i32
    %and3A_2940 = vector.broadcast %and3A_2939 : i32 to vector<4x1024xi32>
    %and3A_2941 = arith.andi %iota3A_2666, %and3A_2940 : vector<4x1024xi32>
    %eq3A_2942 = arith.constant 0 : i32
    %eq3A_2943 = vector.broadcast %eq3A_2942 : i32 to vector<4x1024xi32>
    %eq3A_2944 = arith.cmpi eq, %and3A_2941, %eq3A_2943 : vector<4x1024xi32>
    %roll3A_2945 = arith.constant 1022 : i32
    %roll3A_2946 = tpu.dynamic_rotate %select_n3A_2937 by %roll3A_2945 dim 1 : vector<4x1024xi32>, i32 -> vector<4x1024xi32>
    %roll3A_2947 = arith.constant 2 : i32
    %roll3A_2948 = tpu.dynamic_rotate %select_n3A_2937 by %roll3A_2947 dim 1 : vector<4x1024xi32>, i32 -> vector<4x1024xi32>
    %roll3A_2949 = arith.constant 1022 : i32
    %roll3A_2950 = tpu.dynamic_rotate %select_n3A_2938 by %roll3A_2949 dim 1 : vector<4x1024xi32>, i32 -> vector<4x1024xi32>
    %roll3A_2951 = arith.constant 2 : i32
    %roll3A_2952 = tpu.dynamic_rotate %select_n3A_2938 by %roll3A_2951 dim 1 : vector<4x1024xi32>, i32 -> vector<4x1024xi32>
    %and3A_2953 = arith.constant 2 : i32
    %and3A_2954 = vector.broadcast %and3A_2953 : i32 to vector<4x1024xi32>
    %and3A_2955 = arith.andi %iota3A_2666, %and3A_2954 : vector<4x1024xi32>
    %ne3A_2956 = arith.constant 0 : i32
    %ne3A_2957 = vector.broadcast %ne3A_2956 : i32 to vector<4x1024xi32>
    %ne3A_2958 = arith.cmpi ne, %and3A_2955, %ne3A_2957 : vector<4x1024xi32>
    %select_n3A_2959 = arith.select %ne3A_2958, %roll3A_2948, %roll3A_2946 : vector<4x1024xi1>, vector<4x1024xi32>
    %select_n3A_2960 = arith.select %ne3A_2958, %roll3A_2952, %roll3A_2950 : vector<4x1024xi1>, vector<4x1024xi32>
    %select_n3A_2961 = arith.select %ne3A_2958, %select_n3A_2959, %select_n3A_2937 : vector<4x1024xi1>, vector<4x1024xi32>
    %select_n3A_2962 = arith.select %ne3A_2958, %select_n3A_2937, %select_n3A_2959 : vector<4x1024xi1>, vector<4x1024xi32>
    %select_n3A_2963 = arith.select %ne3A_2958, %select_n3A_2960, %select_n3A_2938 : vector<4x1024xi1>, vector<4x1024xi32>
    %select_n3A_2964 = arith.select %ne3A_2958, %select_n3A_2938, %select_n3A_2960 : vector<4x1024xi1>, vector<4x1024xi32>
    %gt3A_2965 = arith.cmpi sgt, %select_n3A_2961, %select_n3A_2962 : vector<4x1024xi32>
    %eq3A_2966 = arith.cmpi eq, %select_n3A_2961, %select_n3A_2962 : vector<4x1024xi32>
    %lt3A_2967 = arith.cmpi slt, %select_n3A_2963, %select_n3A_2964 : vector<4x1024xi32>
    %and3A_2968 = arith.andi %eq3A_2966, %lt3A_2967 : vector<4x1024xi1>
    %or3A_2969 = arith.ori %gt3A_2965, %and3A_2968 : vector<4x1024xi1>
    %xor3A_2970 = arith.xori %or3A_2969, %eq3A_2944 : vector<4x1024xi1>
    %select_n3A_2971 = arith.select %xor3A_2970, %select_n3A_2959, %select_n3A_2937 : vector<4x1024xi1>, vector<4x1024xi32>
    %select_n3A_2972 = arith.select %xor3A_2970, %select_n3A_2960, %select_n3A_2938 : vector<4x1024xi1>, vector<4x1024xi32>
    %and3A_2973 = arith.constant 1024 : i32
    %and3A_2974 = vector.broadcast %and3A_2973 : i32 to vector<4x1024xi32>
    %and3A_2975 = arith.andi %iota3A_2666, %and3A_2974 : vector<4x1024xi32>
    %eq3A_2976 = arith.constant 0 : i32
    %eq3A_2977 = vector.broadcast %eq3A_2976 : i32 to vector<4x1024xi32>
    %eq3A_2978 = arith.cmpi eq, %and3A_2975, %eq3A_2977 : vector<4x1024xi32>
    %roll3A_2979 = arith.constant 1023 : i32
    %roll3A_2980 = tpu.dynamic_rotate %select_n3A_2971 by %roll3A_2979 dim 1 : vector<4x1024xi32>, i32 -> vector<4x1024xi32>
    %roll3A_2981 = arith.constant 1 : i32
    %roll3A_2982 = tpu.dynamic_rotate %select_n3A_2971 by %roll3A_2981 dim 1 : vector<4x1024xi32>, i32 -> vector<4x1024xi32>
    %roll3A_2983 = arith.constant 1023 : i32
    %roll3A_2984 = tpu.dynamic_rotate %select_n3A_2972 by %roll3A_2983 dim 1 : vector<4x1024xi32>, i32 -> vector<4x1024xi32>
    %roll3A_2985 = arith.constant 1 : i32
    %roll3A_2986 = tpu.dynamic_rotate %select_n3A_2972 by %roll3A_2985 dim 1 : vector<4x1024xi32>, i32 -> vector<4x1024xi32>
    %and3A_2987 = arith.constant 1 : i32
    %and3A_2988 = vector.broadcast %and3A_2987 : i32 to vector<4x1024xi32>
    %and3A_2989 = arith.andi %iota3A_2666, %and3A_2988 : vector<4x1024xi32>
    %ne3A_2990 = arith.constant 0 : i32
    %ne3A_2991 = vector.broadcast %ne3A_2990 : i32 to vector<4x1024xi32>
    %ne3A_2992 = arith.cmpi ne, %and3A_2989, %ne3A_2991 : vector<4x1024xi32>
    %select_n3A_2993 = arith.select %ne3A_2992, %roll3A_2982, %roll3A_2980 : vector<4x1024xi1>, vector<4x1024xi32>
    %select_n3A_2994 = arith.select %ne3A_2992, %roll3A_2986, %roll3A_2984 : vector<4x1024xi1>, vector<4x1024xi32>
    %select_n3A_2995 = arith.select %ne3A_2992, %select_n3A_2993, %select_n3A_2971 : vector<4x1024xi1>, vector<4x1024xi32>
    %select_n3A_2996 = arith.select %ne3A_2992, %select_n3A_2971, %select_n3A_2993 : vector<4x1024xi1>, vector<4x1024xi32>
    %select_n3A_2997 = arith.select %ne3A_2992, %select_n3A_2994, %select_n3A_2972 : vector<4x1024xi1>, vector<4x1024xi32>
    %select_n3A_2998 = arith.select %ne3A_2992, %select_n3A_2972, %select_n3A_2994 : vector<4x1024xi1>, vector<4x1024xi32>
    %gt3A_2999 = arith.cmpi sgt, %select_n3A_2995, %select_n3A_2996 : vector<4x1024xi32>
    %eq3A_3000 = arith.cmpi eq, %select_n3A_2995, %select_n3A_2996 : vector<4x1024xi32>
    %lt3A_3001 = arith.cmpi slt, %select_n3A_2997, %select_n3A_2998 : vector<4x1024xi32>
    %and3A_3002 = arith.andi %eq3A_3000, %lt3A_3001 : vector<4x1024xi1>
    %or3A_3003 = arith.ori %gt3A_2999, %and3A_3002 : vector<4x1024xi1>
    %xor3A_3004 = arith.xori %or3A_3003, %eq3A_2978 : vector<4x1024xi1>
    %select_n3A_3005 = arith.select %xor3A_3004, %select_n3A_2994, %select_n3A_2972 : vector<4x1024xi1>, vector<4x1024xi32>
    %swap3A = arith.constant 0 : index
    %swap3A_3006 = arith.constant 0 : index
    %swap3A_3007 = vector.load %arg1[%swap3A, %swap3A_3006] : memref<4x1024xi32, #tpu.memory_space<vmem>>, vector<4x1024xi32>
    tpu.vector_store %arg1[%swap3A, %swap3A_3006], %select_n3A_3005 {strides = array<i32>} : memref<4x1024xi32, #tpu.memory_space<vmem>>, vector<4x1024xi32>,
    %iota3A_3008 = tpu.iota {dimensions = array<i32: 0>} : vector<4x1024xi32>
    %mul3A = arith.constant 8192 : i32
    %mul3A_3009 = vector.broadcast %mul3A : i32 to vector<4x1024xi32>
    %mul3A_3010 = arith.muli %iota3A_3008, %mul3A_3009 : vector<4x1024xi32>
    %add3A = arith.addi %select_n3A_3005, %mul3A_3010 : vector<4x1024xi32>
    %swap3A_3011 = arith.constant 0 : index
    %swap3A_3012 = arith.constant 0 : index
    %swap3A_3013 = vector.load %arg2[%swap3A_3011, %swap3A_3012] : memref<4x1024xi32, #tpu.memory_space<vmem>>, vector<4x1024xi32>
    tpu.vector_store %arg2[%swap3A_3011, %swap3A_3012], %add3A {strides = array<i32>} : memref<4x1024xi32, #tpu.memory_space<vmem>>, vector<4x1024xi32>,
    return
  }
}

</mosaic_0001>

<sc_bundles>
// kernel: kernel.5.cloned.1.call-start
scs
__scs_entry_jumppad:
0x0: {  	(pc) =	sbr.rel $0x88, $3  }
0x1: {  	(tag) =	ssettag $0x0;
	lr =	simm.s32 $0x1  }
0x2: {  	[smem:$0x3F9C] =	sst lr;
	_ =	strace $0xD0000000  }
0x3: {  	_ = 	snop  }
0x4: {  	_ = 	snop  }
0x5: {  	_ = 	snop  }
0x6: {  	_ = 	snop  }
0x7: {  	_ = 	snop  }
__scs_overlays_trampoline_lowered:
0x8: {  	[smem:$0x3FAB] =	sst s0  }
0x9: {  	[smem:$0x3FAC] =	sst s1  }
0xa: {  	[smem:$0x3FAD] =	sst s2  }
0xb: {  	[smem:$0x3FAE] =	sst s3  }
0xc: {  	[smem:$0x3FAF] =	sst s4  }
0xd: {  	[smem:$0x3FB0] =	sst s5  }
0xe: {  	[smem:$0x3FB1] =	sst s6  }
0xf: {  	[smem:$0x3FB2] =	sst s7  }
0x10: {  	[smem:$0x3FB3] =	sst s8  }
0x11: {  	[smem:$0x3FB4] =	sst s9;
	s0 =	simm.s32 @!p0 $0x0  }
0x12: {  	s1 =	sld [smem:$0x3F9A];
	s0 =	simm.s32 @p0 $0x1  }
0x13: {  	[smem:$0x3FB5] =	sst s0;
	s0 =	simm.s32 @!p1 $0x0  }
0x14: {  	s2 =	sld [smem:$0x3F99];
	s0 =	simm.s32 @p1 $0x1  }
0x15: {  	[smem:$0x3FB6] =	sst s0;
	s0 =	simm.s32 @!p2 $0x0  }
0x16: {  	s3 =	sld [smem:$0x3FDB];
	s0 =	simm.s32 @p2 $0x1  }
0x17: {  	s4 =	simm.s32 $0x1BF5;
	[smem:$0x3FB8] =	sst s0  }
0x18: {  	s0 =	sld [smem:$0x3F9B];
	_ =	swait.ge [sflag:s4], $0x0  }
0x19: {  	s7 =	sld [smem:$0x3F9C]  }
0x1a: {  	s8 =	sadd.s32 $0xFFFFE003, lr  }
0x1b: {  	s9 =	sadd.s32 $0xFFFFFEF7, lr;
	s5 =	simm.s32 $0xFFFFFFFF;
	p2 =	slt.u32 s8, $0xFFFFF086  }
0x1c: {  	p1 =	slt.u32 s9, $0xF7A;
	s5 =	simm.s32 @!p2 $0x0  }
0x1d: {  	s5 =	simm.s32 @p1 $0x1;
	p0 =	seq.s32 s7, s2  }
0x1e: {  	s7 =	smul.u32 @!p0 $0xF7A, s2;
	p2 =	seq.s32 @!p0 s5, $0x0  }
0x1f: {  	s9 =	smul.u32 $0xF7A, s1;
	s8 =	simm.s32 @!p0 $0x1BF5;
	p2 =	por !p2, p0  }
0x20: {  	[sflag:s8] =	ssyncset.s32 @!p0 $0xFFFFF086;
	s6 =	sadd.s32 @!p0 s3, s7;
	s7 =	simm.s32 @!p0 $0x108  }
0x21: {  	s3 =	sadd.s32 s3, s9;
	s6 =	sadd.s32 @!p0 $0x88, s6;
	s7 =	simm.s32 @p2 $0x1082  }
0x22: {  	[simem:s7], [sflag:s8] =	dma.local @!p0 [hbm:s6], $0xF7A  }
0x23: {  	s9 =	sor.u32 $0xD0000000, s2;
	s6 =	simm.s32 $0x108;
	_ =	swait.ge @!p0 [sflag:s8], $0x0  }
0x24: {  	s3 =	sadd.s32 $0x88, s3;
	s6 =	simm.s32 @!p1 $0x1082;
	[sflag:s4] =	ssyncset.s32 $0xFFFFF086  }
0x25: {  	[simem:s6], [sflag:s4] =	dma.local [hbm:s3], $0xF7A  }
0x26: {  	[smem:$0x3F9C] =	sst s1;
	(tag) =	ssettag s2;
	_ =	strace s9  }
0x27: {  	s1 =	sld [smem:$0x3FAC]  }
0x28: {  	s2 =	sld [smem:$0x3FAD]  }
0x29: {  	s4 =	sld [smem:$0x3FAF]  }
0x2a: {  	p0 =	seq.s32 s5, $0x0;
	s5 =	sld [smem:$0x3FB0]  }
0x2b: {  	s6 =	sld [smem:$0x3FB1]  }
0x2c: {  	s7 =	sld [smem:$0x3FB2]  }
0x2d: {  	s3 =	simm.s32 $0x108;
	s8 =	sld [smem:$0x3FB3]  }
0x2e: {  	s3 =	simm.s32 @!p0 $0x1082;
	s9 =	sld [smem:$0x3FB4]  }
0x2f: {  	lr =	sadd.s32 s0, s3;
	s0 =	sld [smem:$0x3FAB]  }
0x30: {  	s3 =	sld [smem:$0x3FAE]  }
0x31: {  	[smem:$0x3FB7] =	sst s10  }
0x32: {  	s10 =	sld [smem:$0x3FB5];
	_ =	sdelay $0x3  }
0x33: {  	p0 =	seq.s32 s10, $0x1;
	s10 =	sld [smem:$0x3FB7];
	_ =	sdelay $0x3  }
0x34: {  	[smem:$0x3FB7] =	sst s10  }
0x35: {  	s10 =	sld [smem:$0x3FB6];
	_ =	sdelay $0x3  }
0x36: {  	p1 =	seq.s32 s10, $0x1;
	s10 =	sld [smem:$0x3FB7];
	_ =	sdelay $0x3  }
0x37: {  	[smem:$0x3FB7] =	sst s10  }
0x38: {  	s10 =	sld [smem:$0x3FB8]  }
0x39: {  	_ = 	snop;
	(pc) =	sbr.ind lr, $3  }
0x3a: {  	_ = 	snop  }
0x3b: {  	_ = 	snop  }
0x3c: {  	p2 =	seq.s32 s10, $0x1;
	s10 =	sld [smem:$0x3FB7]  }
0x3d: {  	_ =	shalt  }
0x3e: {  	_ =	shalt  }
0x3f: {  	_ =	shalt  }
0x40: {  	_ =	shalt  }
0x41: {  	_ =	shalt  }
0x42: {  	_ =	shalt  }
0x43: {  	_ =	shalt  }
0x44: {  	_ =	shalt  }
0x45: {  	_ =	shalt  }
0x46: {  	_ =	shalt  }
0x47: {  	_ =	shalt  }
0x48: {  	_ =	shalt  }
0x49: {  	_ =	shalt  }
0x4a: {  	_ =	shalt  }
0x4b: {  	_ =	shalt  }
0x4c: {  	_ =	shalt  }
0x4d: {  	_ =	shalt  }
0x4e: {  	_ =	shalt  }
0x4f: {  	_ =	shalt  }
0x50: {  	_ =	shalt  }
0x51: {  	_ =	shalt  }
0x52: {  	_ =	shalt  }
0x53: {  	_ =	shalt  }
0x54: {  	_ =	shalt  }
0x55: {  	_ =	shalt  }
0x56: {  	_ =	shalt  }
0x57: {  	_ =	shalt  }
0x58: {  	_ =	shalt  }
0x59: {  	_ =	shalt  }
0x5a: {  	_ =	shalt  }
0x5b: {  	_ =	shalt  }
0x5c: {  	_ =	shalt  }
0x5d: {  	_ =	shalt  }
0x5e: {  	_ =	shalt  }
0x5f: {  	_ =	shalt  }
0x60: {  	_ =	shalt  }
0x61: {  	_ =	shalt  }
0x62: {  	_ =	shalt  }
0x63: {  	_ =	shalt  }
0x64: {  	_ =	shalt  }
0x65: {  	_ =	shalt  }
0x66: {  	_ =	shalt  }
0x67: {  	_ =	shalt  }
0x68: {  	_ =	shalt  }
0x69: {  	_ =	shalt  }
0x6a: {  	_ =	shalt  }
0x6b: {  	_ =	shalt  }
0x6c: {  	_ =	shalt  }
0x6d: {  	_ =	shalt  }
0x6e: {  	_ =	shalt  }
0x6f: {  	_ =	shalt  }
0x70: {  	_ =	shalt  }
0x71: {  	_ =	shalt  }
0x72: {  	_ =	shalt  }
0x73: {  	_ =	shalt  }
0x74: {  	_ =	shalt  }
0x75: {  	_ =	shalt  }
0x76: {  	_ =	shalt  }
0x77: {  	_ =	shalt  }
0x78: {  	_ =	shalt  }
0x79: {  	_ =	shalt  }
0x7a: {  	_ =	shalt  }
0x7b: {  	_ =	shalt  }
0x7c: {  	_ =	shalt  }
0x7d: {  	_ =	shalt  }
0x7e: {  	_ =	shalt  }
0x7f: {  	_ =	shalt  }
0x80: {  	_ =	shalt  }
0x81: {  	_ =	shalt  }
0x82: {  	_ =	shalt  }
0x83: {  	_ =	shalt  }
0x84: {  	_ =	shalt  }
0x85: {  	_ =	shalt  }
0x86: {  	_ =	shalt  }
0x87: {  	_ =	shalt  }
.Lfunc_end0:
.L_simem_size_0:
called_computation_lowered:
.L_overlay_start_0:
0x88: {  	s2 =	sld [smem:$0x3FD9]  }
0x89: {  	s3 =	sld [smem:$0x3FFE];
	_ =	sdelay $0x1  }
0x8a: {  	s1 =	srdreg.scid  }
0x8b: {  	s0 =	sand.u32 $0x1, s1  }
0x8c: {  	s14 =	sshll.u32 s0, $0xA;
	s2 =	sadd.s32 s3, s2  }
0x8d: {  	s2 =	sadd.s32 s2, s14  }
0x8e: {  	[smem:$0x3FC3] =	sst s2  }
0x8f: {  	_ = 	snop  }
0x90: {  	s2 =	sld [smem:$0x3FD0];
	_ =	sdelay $0x2  }
0x91: {  	s4 =	simm.s32 $0xA;
	s5 =	simm.s32 $0x10;
	s15 =	sld [smem:$0x3FC9]  }
0x92: {  	[smem:s5], [sflag:s4] =	dma.local [hbm:s2], $0x1  }
0x93: {  	_ =	swait.eq [sflag:s4], $0x1  }
0x94: {  	[sflag:s4] =	ssyncset.done $0x0  }
0x95: {  	[sflag:s4] =	ssyncadd.s32 $0xFFFFFFFF  }
0x96: {  	s16 =	sld [smem:$0x10];
	(tm) =	ssettm $0x1  }
0x97: {  	s17 =	sld [smem:$0x3FFB];
	_ =	sdelay $0x3  }
0x98: {  	_ =	strace s17  }
0x99: {  	s4 =	sld [smem:$0x3FFC];
	_ =	sdelay $0x3  }
0x9a: {  	_ =	strace s4  }
0x9b: {  	s4 =	sld [smem:$0x3FFD];
	_ =	sdelay $0x3  }
0x9c: {  	_ =	strace s4  }
0x9d: {  	_ =	strace $0x8FFFFFFF  }
0x9e: {  	s18 =	sld [smem:$0x3FDB];
	_ =	sdelay $0x1  }
0x9f: {  	s19 =	simm.s32 $_scs_section_size  }
0xa0: {  	s6 =	simm.s32 $_size__tile_overlayer_lowered;
	s7 =	simm.s32 $_tile_overlayer_lowered  }
0xa1: {  	s22 =	simm.s32 $0x1BFF;
	s21 =	sshll.u32 s7, $0x1;
	s4 =	sadd.s32 s19, s18  }
0xa2: {  	s8 =	simm.s32 $0x0;
	s20 =	sshll.u32 s6, $0x1;
	s6 =	sadd.s32 s21, s4  }
0xa3: {  	[timem:s8], [sflag:s22] =	dma.local [hbm:s6], s20  }
0xa4: {  	_ =	swait.ge [sflag:s22], s20  }
0xa5: {  	s5 =	ssub.s32 $0x0, s20;
	[sflag:s22] =	ssyncset.done $0x0  }
0xa6: {  	[sflag:s22] =	ssyncadd.s32 s5;
	_ =	sdelay $0x1  }
0xa7: {  	s23 =	simm.s32 $0x1B8B  }
0xa8: {  	_ =	swait.ge [sflag:s23], $0x1  }
0xa9: {  	[sflag:s23] =	ssyncset.done $0x0  }
0xaa: {  	s25 =	simm.s32 $0x1B8E;
	s24 =	sld [smem:$0x3FFE];
	[sflag:s23] =	ssyncadd.s32 $0xFFFFFFFF  }
0xab: {  	s26 =	simm.s32 $execute0_lowered;
	[smem:$0x3FD2] =	sst s25  }
0xac: {  	s6 =	sshll.u32 s26, $0x1;
	_ =	strace $0x80000046;
	[dreg:$0x1] =	wrdreg $0xFFFFFFFF  }
0xad: {  	s28 =	simm.s32 $_size_execute0_lowered;
	s4 =	sadd.s32 s4, s6;
	[dreg:$0x0] =	wrdreg $0x0  }
0xae: {  	s6 =	sshll.u32 s28, $0x1;
	[dreg:$0x2] =	wrdreg s4  }
0xaf: {  	[dreg:$0x3] =	wrdreg s6  }
0xb0: {  	[dreg:$0x4] =	wrdreg $0xC0  }
0xb1: {  	_ =	task [dreg:s8], $0x5FFFF  }
0xb2: {  	[dreg:$0x1] =	wrdreg $0xFFFFFFFF  }
0xb3: {  	[dreg:$0x0] =	wrdreg $0x60  }
0xb4: {  	[dreg:$0x2] =	wrdreg s15  }
0xb5: {  	[dreg:$0x3] =	wrdreg s24  }
0xb6: {  	[dreg:$0x4] =	wrdreg s16  }
0xb7: {  	[dreg:$0x5] =	wrdreg $0x9  }
0xb8: {  	_ =	task.clear_ibuf [dreg:s8], $0x6FFFF;
	_ =	strace $0x90000046  }
0xb9: {  	s29 =	simm.s32 $0x9;
	_ =	strace $0x80000048  }
0xba: {  	_ =	swait.ge [sflag:s29], $0x1  }
0xbb: {  	[sflag:s29] =	ssyncadd.s32 $0xFFFFFFFF  }
0xbc: {  	_ =	strace $0x90000048  }
0xbd: {  	_ =	sfence  }
0xbe: {  	s30 =	sld [smem:$0x0];
	_ =	sdelay $0x2  }
0xbf: {  	s31 =	sshll.u32 s1, $0xD;
	s1 =	sshrl.u32 s1, $0x2  }
0xc0: {  	s3 =	sand.u32 $0x4000, s31;
	s1 =	sadd.s32 s1, s30  }
0xc1: {  	s0 =	sor.u32 s3, s0;
	s1 =	sshll.u32 s1, $0x11  }
0xc2: {  	s0 =	sor.u32 s1, s0  }
0xc3: {  	s0 =	sadd.s32 $0x8F2B, s0  }
0xc4: {  	[sflag:s0] =	ssyncadd.remote.s32 $0x1  }
0xc5: {  	_ =	sfence.sel $0xFFFF  }
0xc6: {  	[dreg:$0x0] =	wrdreg $0xFFFFFFFF;
	(pc) =	sbr.abs _section_cstart, $3  }
0xc7: {  	[dreg:$0x1] =	wrdreg $0xFFFFFFFF  }
0xc8: {  	_ =	task.clear_ibuf [dreg:s8], $0x2FFFF;
	_ =	strace $0x9FFFFFFF  }
0xc9: {  	(tm) =	ssettm $0x7FFFFFFF  }
tec
execute0_lowered:
.L_overlay_start_1:
0x0: {  	(tag) =	ssettag $0x1  }
0x1: {  	s1 =	rddreg [dreg:$0x0]  }
0x2: {  	s4 =	rddreg [dreg:$0x1]  }
0x3: {  	s5 =	rddreg [dreg:$0x2];
	s3 =	simm.s32 $0x0  }
0x4: {  	s24 =	simm.s32 $0x880;
	[smem:$0x7FF] =	sst s3  }
0x5: {  	s25 =	simm.s32 $0x1080;
	_ =	strace $0x80000047;
	[dreg:$0x6] =	wrdreg s24  }
0x6: {  	s0 =	stileid.u32;
	s26 =	simm.s32 $0x1880;
	[dreg:$0x7] =	wrdreg s25  }
0x7: {  	s6 =	sshll.u32 s0, $0x5;
	s0 =	simm.s32 $0x2080;
	[dreg:$0x8] =	wrdreg s26  }
0x8: {  	s8 =	simm.s32 $0x4080;
	[dreg:$0x9] =	wrdreg s0  }
0x9: {  	s9 =	simm.s32 $0x4880;
	[dreg:$0xd] =	wrdreg s8  }
0xa: {  	s10 =	simm.s32 $0x5080;
	[dreg:$0xe] =	wrdreg s9  }
0xb: {  	s11 =	simm.s32 $0x5880;
	[dreg:$0xf] =	wrdreg s10  }
0xc: {  	s12 =	simm.s32 $0x6080;
	[dreg:$0x10] =	wrdreg s11  }
0xd: {  	s13 =	simm.s32 $0x6880;
	[dreg:$0x11] =	wrdreg s12  }
0xe: {  	s14 =	simm.s32 $0x7080;
	[dreg:$0x12] =	wrdreg s13  }
0xf: {  	s15 =	simm.s32 $0x7880;
	[dreg:$0x13] =	wrdreg s14  }
0x10: {  	s2 =	srdreg.scid;
	s16 =	simm.s32 $0x8080;
	[dreg:$0x14] =	wrdreg s15  }
0x11: {  	s17 =	simm.s32 $0x8880;
	s18 =	simm.s32 $0x9080;
	[dreg:$0x15] =	wrdreg s16  }
0x12: {  	s20 =	simm.s32 $0x9880;
	s21 =	simm.s32 $0xA080;
	[dreg:$0x16] =	wrdreg s17  }
0x13: {  	s22 =	simm.s32 $0xA880;
	s28 =	simm.s32 $0x16080;
	[dreg:$0x17] =	wrdreg s18  }
0x14: {  	s29 =	simm.s32 $0x16880;
	s30 =	simm.s32 $0x17080;
	[dreg:$0x18] =	wrdreg s20  }
0x15: {  	s31 =	simm.s32 $0x17880;
	s2 =	sand.u32 $0x1, s2;
	[dreg:$0x19] =	wrdreg s21  }
0x16: {  	s7 =	sshll.u32 s2, $0x4;
	s2 =	ssub.s32 $0x2, s2;
	[dreg:$0x1a] =	wrdreg s22  }
0x17: {  	s24 =	simm.s32 $0xB880;
	s25 =	simm.s32 $0xC080;
	s8 =	simm.s32 $0x80  }
0x18: {  	s26 =	simm.s32 $0xC880;
	s10 =	simm.s32 $0xD880;
	s11 =	simm.s32 $0xE080  }
0x19: {  	s12 =	simm.s32 $0xE880;
	s13 =	simm.s32 $0xF080;
	s14 =	simm.s32 $0xF880  }
0x1a: {  	s15 =	simm.s32 $0x10080;
	s16 =	simm.s32 $0x10880;
	s17 =	simm.s32 $0x11080  }
0x1b: {  	s18 =	simm.s32 $0x11880;
	s20 =	simm.s32 $0x12880;
	[dreg:$0x1c] =	wrdreg s24  }
0x1c: {  	s21 =	simm.s32 $0x13080;
	s22 =	simm.s32 $0x13880;
	[dreg:$0x1d] =	wrdreg s25  }
0x1d: {  	s6 =	sor.u32 s7, s6;
	s19 =	sshrl.u32 s2, $0x1;
	[dreg:$0x1e] =	wrdreg s26  }
0x1e: {  	s24 =	simm.s32 $0x14880;
	s25 =	simm.s32 $0x15080;
	s26 =	simm.s32 $0x15880  }
0x1f: {  	s7 =	smul.u32 $0x300, s6;
	s4 =	sadd.s32 s4, s6;
	s6 =	simm.s32 $0x3080  }
0x20: {  	s2 =	ssub.s32 s2, s19;
	s19 =	simm.s32 $0x12080;
	[dreg:$0x4] =	wrdreg s4  }
0x21: {  	[dreg:$0xb] =	wrdreg s6;
	s4 =	sadd.s32 $0x100, s1;
	s23 =	sadd.s32 s5, s7  }
0x22: {  	s6 =	smax.u32 s2, $0x1;
	s5 =	simm.s32 $0x2880;
	[dreg:$0x5] =	wrdreg s23  }
0x23: {  	v2 =	vlaneseq.u32;
	s2 =	simm.s32 $0x1;
	s7 =	simm.s32 $0x3880;
	[dreg:$0xa] =	wrdreg s5  }
0x24: {  	vm0 =	vmmov $0xffff;
	v1 =	vshrl.u32 v2, $0x3;
	[dreg:$0xc] =	wrdreg s7;
	s5 =	sadd.s32 $0x200, s1;
	s23 =	simm.s32 $0xB080  }
0x25: {  	v0 =	vand.u32 $0x7, v2;
	v2 =	vor.u32 $0x8, v2;
	v1 =	vmul.u32 $0x8, v1;
	s7 =	simm.s32 $0x2;
	[dreg:$0x1b] =	wrdreg s23;
	s23 =	simm.s32 $0x14080  }
.LBB2_1:
0x26: {  	s0 =	rddreg [dreg:$0x4]  }
0x27: {  	[tilespmem:s3], [sflag:$0x2] =	stream.linear.gather [hbm4b:s0+s3], $0x80, $0x38;
	[tilespmem:$0x18080] =	vst v63  }
0x28: {  	_ =	swait.ge [sflag:s7], $0x80  }
0x29: {  	[sflag:s7] =	ssyncset.done $0x0  }
0x2a: {  	[sflag:s7] =	ssyncadd.s32 $0xFFFFFF80  }
0x2b: {  	v3 =	vld [tilespmem:$0x0];
	_ =	sdelay $0x4  }
0x2c: {  	v4 =	vshrl.u32 v3, $0x3  }
0x2d: {  	v4 =	vmul.u32 $0x30, v4  }
0x2e: {  	v3 =	vand.u32 $0x7, v3  }
0x2f: {  	v3 =	vor.u32 v3, v4  }
0x30: {  	v4 =	vperm.xlane v3, v0;
	_ =	sdelay $0x1  }
0x31: {  	v4 =	vadd.s32 v1, v4;
	_ =	sdelay $0x3  }
0x32: {  	v3 =	vperm.xlane v3, v2  }
0x33: {  	[tilespmem:s8], [sflag:$0x1] =	stream.indirect_vreg.gather [hbm4b:s1+s3], $0x80, v4, vm0, $0xb8;
	[tilespmem:$0x18080] =	vst v63  }
0x34: {  	s0 =	rddreg [dreg:$0x6];
	v3 =	vadd.s32 v1, v3  }
0x35: {  	[tilespmem:s0], [sflag:$0x1] =	stream.indirect_vreg.gather [hbm4b:s4+s3], $0x80, v4, vm0, $0xb8;
	[tilespmem:$0x18080] =	vst v63  }
0x36: {  	s9 =	rddreg [dreg:$0x7]  }
0x37: {  	[tilespmem:s9], [sflag:$0x1] =	stream.indirect_vreg.gather [hbm4b:s5+s3], $0x80, v4, vm0, $0xb8;
	[tilespmem:$0x18080] =	vst v63  }
0x38: {  	s0 =	rddreg [dreg:$0x8]  }
0x39: {  	[tilespmem:s0], [sflag:$0x1] =	stream.indirect_vreg.gather [hbm4b:s1+s3], $0x80, v3, vm0, $0xb8;
	[tilespmem:$0x18080] =	vst v63  }
0x3a: {  	s9 =	rddreg [dreg:$0x9]  }
0x3b: {  	[tilespmem:s9], [sflag:$0x1] =	stream.indirect_vreg.gather [hbm4b:s4+s3], $0x80, v3, vm0, $0xb8;
	[tilespmem:$0x18080] =	vst v63  }
0x3c: {  	s0 =	rddreg [dreg:$0xa]  }
0x3d: {  	[tilespmem:s0], [sflag:$0x1] =	stream.indirect_vreg.gather [hbm4b:s5+s3], $0x80, v3, vm0, $0xb8;
	[tilespmem:$0x18080] =	vst v63  }
0x3e: {  	v3 =	vld [tilespmem:$0x10];
	_ =	sdelay $0x4  }
0x3f: {  	v57 =	vshrl.u32 v3, $0x3  }
0x40: {  	v4 =	vmul.u32 $0x30, v57  }
0x41: {  	v3 =	vand.u32 $0x7, v3  }
0x42: {  	v3 =	vor.u32 v3, v4  }
0x43: {  	v4 =	vperm.xlane v3, v0;
	_ =	sdelay $0x1  }
0x44: {  	v4 =	vadd.s32 v1, v4;
	_ =	sdelay $0x3  }
0x45: {  	s0 =	rddreg [dreg:$0xb];
	v3 =	vperm.xlane v3, v2  }
0x46: {  	[tilespmem:s0], [sflag:$0x1] =	stream.indirect_vreg.gather [hbm4b:s1+s3], $0x80, v4, vm0, $0xb8;
	[tilespmem:$0x18080] =	vst v63  }
0x47: {  	s9 =	rddreg [dreg:$0xc];
	v3 =	vadd.s32 v1, v3  }
0x48: {  	[tilespmem:s9], [sflag:$0x1] =	stream.indirect_vreg.gather [hbm4b:s4+s3], $0x80, v4, vm0, $0xb8;
	[tilespmem:$0x18080] =	vst v63  }
0x49: {  	s0 =	rddreg [dreg:$0xd]  }
0x4a: {  	[tilespmem:s0], [sflag:$0x1] =	stream.indirect_vreg.gather [hbm4b:s5+s3], $0x80, v4, vm0, $0xb8;
	[tilespmem:$0x18080] =	vst v63  }
0x4b: {  	s9 =	rddreg [dreg:$0xe]  }
0x4c: {  	[tilespmem:s9], [sflag:$0x1] =	stream.indirect_vreg.gather [hbm4b:s1+s3], $0x80, v3, vm0, $0xb8;
	[tilespmem:$0x18080] =	vst v63  }
0x4d: {  	s0 =	rddreg [dreg:$0xf]  }
0x4e: {  	[tilespmem:s0], [sflag:$0x1] =	stream.indirect_vreg.gather [hbm4b:s4+s3], $0x80, v3, vm0, $0xb8;
	[tilespmem:$0x18080] =	vst v63  }
0x4f: {  	s9 =	rddreg [dreg:$0x10]  }
0x50: {  	[tilespmem:s9], [sflag:$0x1] =	stream.indirect_vreg.gather [hbm4b:s5+s3], $0x80, v3, vm0, $0xb8;
	[tilespmem:$0x18080] =	vst v63  }
0x51: {  	v3 =	vld [tilespmem:$0x20];
	_ =	sdelay $0x4  }
0x52: {  	v58 =	vshrl.u32 v3, $0x3  }
0x53: {  	v4 =	vmul.u32 $0x30, v58  }
0x54: {  	v3 =	vand.u32 $0x7, v3  }
0x55: {  	v3 =	vor.u32 v3, v4  }
0x56: {  	v4 =	vperm.xlane v3, v0;
	_ =	sdelay $0x1  }
0x57: {  	v4 =	vadd.s32 v1, v4;
	_ =	sdelay $0x3  }
0x58: {  	s0 =	rddreg [dreg:$0x11];
	v3 =	vperm.xlane v3, v2  }
0x59: {  	[tilespmem:s0], [sflag:$0x1] =	stream.indirect_vreg.gather [hbm4b:s1+s3], $0x80, v4, vm0, $0xb8;
	[tilespmem:$0x18080] =	vst v63  }
0x5a: {  	s9 =	rddreg [dreg:$0x12];
	v3 =	vadd.s32 v1, v3  }
0x5b: {  	[tilespmem:s9], [sflag:$0x1] =	stream.indirect_vreg.gather [hbm4b:s4+s3], $0x80, v4, vm0, $0xb8;
	[tilespmem:$0x18080] =	vst v63  }
0x5c: {  	s0 =	rddreg [dreg:$0x13]  }
0x5d: {  	[tilespmem:s0], [sflag:$0x1] =	stream.indirect_vreg.gather [hbm4b:s5+s3], $0x80, v4, vm0, $0xb8;
	[tilespmem:$0x18080] =	vst v63  }
0x5e: {  	s9 =	rddreg [dreg:$0x14]  }
0x5f: {  	[tilespmem:s9], [sflag:$0x1] =	stream.indirect_vreg.gather [hbm4b:s1+s3], $0x80, v3, vm0, $0xb8;
	[tilespmem:$0x18080] =	vst v63  }
0x60: {  	s0 =	rddreg [dreg:$0x15]  }
0x61: {  	[tilespmem:s0], [sflag:$0x1] =	stream.indirect_vreg.gather [hbm4b:s4+s3], $0x80, v3, vm0, $0xb8;
	[tilespmem:$0x18080] =	vst v63  }
0x62: {  	s9 =	rddreg [dreg:$0x16]  }
0x63: {  	[tilespmem:s9], [sflag:$0x1] =	stream.indirect_vreg.gather [hbm4b:s5+s3], $0x80, v3, vm0, $0xb8;
	[tilespmem:$0x18080] =	vst v63  }
0x64: {  	v3 =	vld [tilespmem:$0x30];
	_ =	sdelay $0x4  }
0x65: {  	v59 =	vshrl.u32 v3, $0x3  }
0x66: {  	v4 =	vmul.u32 $0x30, v59  }
0x67: {  	v3 =	vand.u32 $0x7, v3  }
0x68: {  	v3 =	vor.u32 v3, v4  }
0x69: {  	v4 =	vperm.xlane v3, v0;
	_ =	sdelay $0x1  }
0x6a: {  	v4 =	vadd.s32 v1, v4;
	_ =	sdelay $0x3  }
0x6b: {  	s0 =	rddreg [dreg:$0x17];
	v3 =	vperm.xlane v3, v2  }
0x6c: {  	[tilespmem:s0], [sflag:$0x1] =	stream.indirect_vreg.gather [hbm4b:s1+s3], $0x80, v4, vm0, $0xb8;
	[tilespmem:$0x18080] =	vst v63  }
0x6d: {  	s9 =	rddreg [dreg:$0x18];
	v3 =	vadd.s32 v1, v3  }
0x6e: {  	[tilespmem:s9], [sflag:$0x1] =	stream.indirect_vreg.gather [hbm4b:s4+s3], $0x80, v4, vm0, $0xb8;
	[tilespmem:$0x18080] =	vst v63  }
0x6f: {  	s0 =	rddreg [dreg:$0x19]  }
0x70: {  	[tilespmem:s0], [sflag:$0x1] =	stream.indirect_vreg.gather [hbm4b:s5+s3], $0x80, v4, vm0, $0xb8;
	[tilespmem:$0x18080] =	vst v63  }
0x71: {  	s9 =	rddreg [dreg:$0x1a]  }
0x72: {  	[tilespmem:s9], [sflag:$0x1] =	stream.indirect_vreg.gather [hbm4b:s1+s3], $0x80, v3, vm0, $0xb8;
	[tilespmem:$0x18080] =	vst v63  }
0x73: {  	s0 =	rddreg [dreg:$0x1b]  }
0x74: {  	[tilespmem:s0], [sflag:$0x1] =	stream.indirect_vreg.gather [hbm4b:s4+s3], $0x80, v3, vm0, $0xb8;
	[tilespmem:$0x18080] =	vst v63  }
0x75: {  	s9 =	rddreg [dreg:$0x1c]  }
0x76: {  	[tilespmem:s9], [sflag:$0x1] =	stream.indirect_vreg.gather [hbm4b:s5+s3], $0x80, v3, vm0, $0xb8;
	[tilespmem:$0x18080] =	vst v63  }
0x77: {  	v3 =	vld [tilespmem:$0x40];
	_ =	sdelay $0x4  }
0x78: {  	v60 =	vshrl.u32 v3, $0x3  }
0x79: {  	v4 =	vmul.u32 $0x30, v60  }
0x7a: {  	v3 =	vand.u32 $0x7, v3  }
0x7b: {  	v3 =	vor.u32 v3, v4  }
0x7c: {  	v4 =	vperm.xlane v3, v0;
	_ =	sdelay $0x1  }
0x7d: {  	v4 =	vadd.s32 v1, v4;
	_ =	sdelay $0x3  }
0x7e: {  	s0 =	rddreg [dreg:$0x1d];
	v3 =	vperm.xlane v3, v2  }
0x7f: {  	[tilespmem:s0], [sflag:$0x1] =	stream.indirect_vreg.gather [hbm4b:s1+s3], $0x80, v4, vm0, $0xb8;
	[tilespmem:$0x18080] =	vst v63  }
0x80: {  	s9 =	rddreg [dreg:$0x1e];
	v3 =	vadd.s32 v1, v3  }
0x81: {  	[tilespmem:s9], [sflag:$0x1] =	stream.indirect_vreg.gather [hbm4b:s4+s3], $0x80, v4, vm0, $0xb8;
	[tilespmem:$0x18080] =	vst v63  }
0x82: {  	s9 =	simm.s32 $0xD080  }
0x83: {  	[tilespmem:s9], [sflag:$0x1] =	stream.indirect_vreg.gather [hbm4b:s5+s3], $0x80, v4, vm0, $0xb8;
	[tilespmem:$0x18080] =	vst v63  }
0x84: {  	_ = 	snop  }
0x85: {  	[tilespmem:s10], [sflag:$0x1] =	stream.indirect_vreg.gather [hbm4b:s1+s3], $0x80, v3, vm0, $0xb8;
	[tilespmem:$0x18080] =	vst v63  }
0x86: {  	_ = 	snop  }
0x87: {  	[tilespmem:s11], [sflag:$0x1] =	stream.indirect_vreg.gather [hbm4b:s4+s3], $0x80, v3, vm0, $0xb8;
	[tilespmem:$0x18080] =	vst v63  }
0x88: {  	_ = 	snop  }
0x89: {  	[tilespmem:s12], [sflag:$0x1] =	stream.indirect_vreg.gather [hbm4b:s5+s3], $0x80, v3, vm0, $0xb8;
	[tilespmem:$0x18080] =	vst v63  }
0x8a: {  	v3 =	vld [tilespmem:$0x50];
	_ =	sdelay $0x4  }
0x8b: {  	v61 =	vshrl.u32 v3, $0x3  }
0x8c: {  	v4 =	vmul.u32 $0x30, v61  }
0x8d: {  	v3 =	vand.u32 $0x7, v3  }
0x8e: {  	v3 =	vor.u32 v3, v4  }
0x8f: {  	v4 =	vperm.xlane v3, v0;
	_ =	sdelay $0x1  }
0x90: {  	v4 =	vadd.s32 v1, v4;
	_ =	sdelay $0x3  }
0x91: {  	v3 =	vperm.xlane v3, v2  }
0x92: {  	[tilespmem:s13], [sflag:$0x1] =	stream.indirect_vreg.gather [hbm4b:s1+s3], $0x80, v4, vm0, $0xb8;
	[tilespmem:$0x18080] =	vst v63  }
0x93: {  	v3 =	vadd.s32 v1, v3  }
0x94: {  	[tilespmem:s14], [sflag:$0x1] =	stream.indirect_vreg.gather [hbm4b:s4+s3], $0x80, v4, vm0, $0xb8;
	[tilespmem:$0x18080] =	vst v63  }
0x95: {  	_ = 	snop  }
0x96: {  	[tilespmem:s15], [sflag:$0x1] =	stream.indirect_vreg.gather [hbm4b:s5+s3], $0x80, v4, vm0, $0xb8;
	[tilespmem:$0x18080] =	vst v63  }
0x97: {  	_ = 	snop  }
0x98: {  	[tilespmem:s16], [sflag:$0x1] =	stream.indirect_vreg.gather [hbm4b:s1+s3], $0x80, v3, vm0, $0xb8;
	[tilespmem:$0x18080] =	vst v63  }
0x99: {  	_ = 	snop  }
0x9a: {  	[tilespmem:s17], [sflag:$0x1] =	stream.indirect_vreg.gather [hbm4b:s4+s3], $0x80, v3, vm0, $0xb8;
	[tilespmem:$0x18080] =	vst v63  }
0x9b: {  	_ = 	snop  }
0x9c: {  	[tilespmem:s18], [sflag:$0x1] =	stream.indirect_vreg.gather [hbm4b:s5+s3], $0x80, v3, vm0, $0xb8;
	[tilespmem:$0x18080] =	vst v63  }
0x9d: {  	v3 =	vld [tilespmem:$0x60];
	_ =	sdelay $0x4  }
0x9e: {  	v62 =	vshrl.u32 v3, $0x3  }
0x9f: {  	v4 =	vmul.u32 $0x30, v62  }
0xa0: {  	v3 =	vand.u32 $0x7, v3  }
0xa1: {  	v3 =	vor.u32 v3, v4  }
0xa2: {  	v4 =	vperm.xlane v3, v0;
	_ =	sdelay $0x1  }
0xa3: {  	v4 =	vadd.s32 v1, v4;
	_ =	sdelay $0x3  }
0xa4: {  	v3 =	vperm.xlane v3, v2  }
0xa5: {  	[tilespmem:s19], [sflag:$0x1] =	stream.indirect_vreg.gather [hbm4b:s1+s3], $0x80, v4, vm0, $0xb8;
	[tilespmem:$0x18080] =	vst v63  }
0xa6: {  	v3 =	vadd.s32 v1, v3  }
0xa7: {  	[tilespmem:s20], [sflag:$0x1] =	stream.indirect_vreg.gather [hbm4b:s4+s3], $0x80, v4, vm0, $0xb8;
	[tilespmem:$0x18080] =	vst v63  }
0xa8: {  	_ = 	snop  }
0xa9: {  	[tilespmem:s21], [sflag:$0x1] =	stream.indirect_vreg.gather [hbm4b:s5+s3], $0x80, v4, vm0, $0xb8;
	[tilespmem:$0x18080] =	vst v63  }
0xaa: {  	_ = 	snop  }
0xab: {  	[tilespmem:s22], [sflag:$0x1] =	stream.indirect_vreg.gather [hbm4b:s1+s3], $0x80, v3, vm0, $0xb8;
	[tilespmem:$0x18080] =	vst v63  }
0xac: {  	_ = 	snop  }
0xad: {  	[tilespmem:s23], [sflag:$0x1] =	stream.indirect_vreg.gather [hbm4b:s4+s3], $0x80, v3, vm0, $0xb8;
	[tilespmem:$0x18080] =	vst v63  }
0xae: {  	_ = 	snop  }
0xaf: {  	[tilespmem:s24], [sflag:$0x1] =	stream.indirect_vreg.gather [hbm4b:s5+s3], $0x80, v3, vm0, $0xb8;
	[tilespmem:$0x18080] =	vst v63  }
0xb0: {  	v3 =	vld [tilespmem:$0x70];
	_ =	sdelay $0x4  }
0xb1: {  	v63 =	vshrl.u32 v3, $0x3  }
0xb2: {  	v4 =	vmul.u32 $0x30, v63  }
0xb3: {  	v3 =	vand.u32 $0x7, v3  }
0xb4: {  	v3 =	vor.u32 v3, v4  }
0xb5: {  	v4 =	vperm.xlane v3, v0;
	_ =	sdelay $0x1  }
0xb6: {  	v4 =	vadd.s32 v1, v4;
	_ =	sdelay $0x3  }
0xb7: {  	v3 =	vperm.xlane v3, v2  }
0xb8: {  	[tilespmem:s25], [sflag:$0x1] =	stream.indirect_vreg.gather [hbm4b:s1+s3], $0x80, v4, vm0, $0xb8;
	[tilespmem:$0x18080] =	vst v63  }
0xb9: {  	v3 =	vadd.s32 v1, v3  }
0xba: {  	[tilespmem:s26], [sflag:$0x1] =	stream.indirect_vreg.gather [hbm4b:s4+s3], $0x80, v4, vm0, $0xb8;
	[tilespmem:$0x18080] =	vst v63  }
0xbb: {  	_ = 	snop  }
0xbc: {  	[tilespmem:s28], [sflag:$0x1] =	stream.indirect_vreg.gather [hbm4b:s5+s3], $0x80, v4, vm0, $0xb8;
	[tilespmem:$0x18080] =	vst v63  }
0xbd: {  	_ = 	snop  }
0xbe: {  	[tilespmem:s29], [sflag:$0x1] =	stream.indirect_vreg.gather [hbm4b:s1+s3], $0x80, v3, vm0, $0xb8;
	[tilespmem:$0x18080] =	vst v63  }
0xbf: {  	_ = 	snop  }
0xc0: {  	[tilespmem:s30], [sflag:$0x1] =	stream.indirect_vreg.gather [hbm4b:s4+s3], $0x80, v3, vm0, $0xb8;
	[tilespmem:$0x18080] =	vst v63  }
0xc1: {  	_ = 	snop  }
0xc2: {  	[tilespmem:s31], [sflag:$0x1] =	stream.indirect_vreg.gather [hbm4b:s5+s3], $0x80, v3, vm0, $0xb8;
	[tilespmem:$0x18080] =	vst v63  }
0xc3: {  	_ =	swait.ge [sflag:s2], $0x18000  }
0xc4: {  	p0 =	sne.s32 s6, $0x1;
	[sflag:s2] =	ssyncset.done $0x0  }
.Ltmp0:
0xc5: {  	s9 =	rddreg [dreg:$0x5];
	[sflag:s2] =	ssyncadd.s32 $0xFFFE8000;
	(pc) =	sbr.rel @p0 .LBB2_1-.Ltmp0, $4  }
0xc6: {  	[hbm4b:s9+s3] =	stream.linear.scatter [tilespmem:s8], [sflag:$0x2], $0x18000, $0x38;
	[tilespmem:$0x18080] =	vst v63  }
0xc7: {  	_ =	swait.ge [sflag:s7], $0x18000  }
0xc8: {  	[sflag:s7] =	ssyncset.done $0x0  }
0xc9: {  	s6 =	sadd.s32 $0xFFFFFFFF, s6;
	[sflag:s7] =	ssyncadd.s32 $0xFFFE8000  }
0xca: {  	_ =	sfence.sel $0x180000  }
0xcb: {  	[bflag:$0x0] =	sbarrier.arrive $0xFFFF  }
0xcc: {  	_ =	strace $0x90000047  }
0xcd: {  	s0 =	stileid.u32;
	[bflag:$0x2] =	sbarrier.arrive $0xFFFF  }
0xce: {  	p0 =	sne.s32 s0, $0x0;
	s0 =	rddreg [dreg:$0x3]  }
0xcf: {  	s0 =	sadd.s32 @!p0 $0x100000, s0  }
0xd0: {  	[sflag:s0] =	ssyncadd.tile.s32 @!p0 $0x1;
	_ =	shalt  }
.Lfunc_end2:
_tile_overlayer_lowered:
.L_overlay_start_2:
0xd1: {  	(tag) =	ssettag $0x2  }
0xd2: {  	s0 =	rddreg [dreg:$0x0];
	s2 =	stileid.u32  }
0xd3: {  	s1 =	rddreg [dreg:$0x1];
	p0 =	sne.s32 s2, $0x0  }
0xd4: {  	s3 =	rddreg [dreg:$0x2];
	[bflag:$0x3] =	sbarrier.arrive $0xFFFF;
	s2 =	simm.s32 @!p0 $0x1C02  }
0xd5: {  	[timem:s3], [sflag:s2] =	dma.local @!p0 [hbm:s0], s1  }
0xd6: {  	s0 =	simm.s32 @!p0 $0x2  }
0xd7: {  	_ =	swait.ge @!p0 [sflag:s0], s1  }
0xd8: {  	s1 =	ssub.s32 @!p0 $0x0, s1;
	[sflag:s0] =	ssyncset.done @!p0 $0x0  }
0xd9: {  	[sflag:s0] =	ssyncadd.s32 @!p0 s1  }
0xda: {  	[bflag:$0x3] =	sbarrier.arrive $0xFFFF  }
0xdb: {  	_ =	shalt  }

</sc_bundles>
